<compile_context>
chip_gen: v7x
topology: tpu7x:2x2x1
jax: 0.10.2.dev20260603
libtpu: 0.0.44.dev20260713+nightly
codegen_flags: <defaults>
</compile_context>

<pallas_src>
import functools

import jax
import jax.numpy as jnp
from jax import lax
from jax.experimental import pallas as pl
from jax.experimental.pallas import tpu as pltpu
from jax.experimental.pallas import tpu_sc as plsc

N = 10000
E = 320000
F = 128
F3 = 128
C = 40
NP = 10240

_info = plsc.get_sparse_core_info()
NC = _info.num_cores
NS = _info.num_subcores
NW = NC * NS
EPT = E // NW
CH = 80
NCHUNK = EPT // CH
RPT = NP // NS


def _make_aggregate(width, with_deg):
    out_type = [jax.ShapeDtypeStruct((NC, NP, width), jnp.float32)]
    scratch = [
        pltpu.VMEM((2, CH), jnp.int32),
        pltpu.VMEM((2, CH), jnp.int32),
        pltpu.VMEM((CH, width), jnp.float32),
        pltpu.VMEM((CH, width), jnp.float32),
        pltpu.VMEM_SHARED((NP, width), jnp.float32),
        pltpu.SemaphoreType.DMA,
        pltpu.SemaphoreType.DMA,
        pltpu.SemaphoreType.DMA,
        pltpu.SemaphoreType.DMA,
        pltpu.SemaphoreType.DMA,
        pltpu.SemaphoreType.DMA,
    ]
    if with_deg:
        out_type.append(jax.ShapeDtypeStruct((NC, NP), jnp.float32))
        scratch += [
            pltpu.VMEM((CH,), jnp.float32),
            pltpu.VMEM_SHARED((NP,), jnp.float32),
        ]

    def body(*refs):
        if with_deg:
            (src_hbm, dst_hbm, h_hbm, zeros_hbm, zerosd_hbm,
             out_hbm, deg_hbm,
             sidx, didx, buf0, buf1, acc,
             sem0, sem1, semsi0, semsi1, semdi0, semdi1,
             ones_v, degacc) = refs
        else:
            (src_hbm, dst_hbm, h_hbm, zeros_hbm,
             out_hbm,
             sidx, didx, buf0, buf1, acc,
             sem0, sem1, semsi0, semsi1, semdi0, semdi1) = refs

        c = lax.axis_index("c")
        s = lax.axis_index("s")
        wid = c * NS + s
        r0 = s * RPT
        pltpu.sync_copy(zeros_hbm.at[pl.ds(r0, RPT)], acc.at[pl.ds(r0, RPT)])
        if with_deg:
            pltpu.sync_copy(zerosd_hbm.at[pl.ds(r0, RPT)],
                            degacc.at[pl.ds(r0, RPT)])
            for j in range(CH // 16):
                ones_v[pl.ds(j * 16, 16)] = jnp.full((16,), 1.0, jnp.float32)

        def sidx_load(i, slot, sem):
            pltpu.async_copy(src_hbm.at[wid, i], sidx.at[slot], sem)

        def sidx_wait(slot, sem):
            pltpu.make_async_copy(src_hbm.at[wid, 0], sidx.at[slot], sem).wait()

        def didx_load(i, slot, sem):
            pltpu.async_copy(dst_hbm.at[wid, i], didx.at[slot], sem)

        def didx_wait(slot, sem):
            pltpu.make_async_copy(dst_hbm.at[wid, 0], didx.at[slot], sem).wait()

        def gather(slot, buf, sem):
            pltpu.async_copy(h_hbm.at[sidx.at[slot]], buf, sem)

        def gather_wait(buf, sem):
            pltpu.make_async_copy(h_hbm.at[sidx.at[0]], buf, sem).wait()

        def scatter(buf, slot):
            pltpu.sync_copy(buf, acc.at[didx.at[slot]], add=True)
            if with_deg:
                pltpu.sync_copy(ones_v, degacc.at[didx.at[slot]], add=True)

        sidx_load(0, 0, semsi0)
        didx_load(0, 0, semdi0)
        sidx_load(1, 1, semsi1)
        didx_load(1, 1, semdi1)
        sidx_wait(0, semsi0)
        gather(0, buf0, sem0)
        plsc.subcore_barrier()

        def step(j, carry):
            i0 = 2 * j
            sidx_wait(1, semsi1)
            gather(1, buf1, sem1)
            gather_wait(buf0, sem0)
            sidx_load(i0 + 2, 0, semsi0)
            didx_wait(0, semdi0)
            scatter(buf0, 0)
            didx_load(i0 + 2, 0, semdi0)
            sidx_wait(0, semsi0)
            gather(0, buf0, sem0)
            gather_wait(buf1, sem1)

            @pl.when(i0 + 3 < NCHUNK)
            def _():
                sidx_load(i0 + 3, 1, semsi1)

            didx_wait(1, semdi1)
            scatter(buf1, 1)

            @pl.when(i0 + 3 < NCHUNK)
            def _():
                didx_load(i0 + 3, 1, semdi1)

            return carry

        lax.fori_loop(0, (NCHUNK - 1) // 2, step, 0)
        gather_wait(buf0, sem0)
        didx_wait(0, semdi0)
        scatter(buf0, 0)
        plsc.subcore_barrier()
        pltpu.sync_copy(acc.at[pl.ds(r0, RPT)], out_hbm.at[c, pl.ds(r0, RPT)])
        if with_deg:
            pltpu.sync_copy(degacc.at[pl.ds(r0, RPT)],
                            deg_hbm.at[c, pl.ds(r0, RPT)])

    return pl.kernel(
        body,
        out_type=out_type if len(out_type) > 1 else out_type[0],
        mesh=plsc.VectorSubcoreMesh(core_axis_name="c", subcore_axis_name="s"),
        scratch_types=scratch,
    )


_sc_aggregate_deg = _make_aggregate(F, True)
_sc_aggregate = _make_aggregate(F, False)
_sc_aggregate64 = _make_aggregate(F3, False)


BLK = 512
_row = lambda i: (i, 0)
_rep = lambda i: (0, 0)


def _mean(p0, p1, d0, d1):
    deg = jnp.maximum(d0[...] + d1[...], 1.0)
    return (p0[...] + p1[...]) / deg


def _dense_body(p0, p1, d0, d1, h, wl, wr, b, o, *, act):
    acc = jnp.dot(_mean(p0, p1, d0, d1), wl[...],
                  preferred_element_type=jnp.float32)
    acc = acc + jnp.dot(h[...], wr[...], preferred_element_type=jnp.float32)
    acc = acc + b[...]
    if act:
        acc = jnp.maximum(acc, 0.0)
    o[...] = acc


def _dense(p, d0, d1, h, Wl, Wr, b):
    return pl.pallas_call(
        functools.partial(_dense_body, act=True),
        grid=(NP // BLK,),
        in_specs=[
            pl.BlockSpec((BLK, F), _row),
            pl.BlockSpec((BLK, F), _row),
            pl.BlockSpec((BLK, 1), _row),
            pl.BlockSpec((BLK, 1), _row),
            pl.BlockSpec((BLK, F), _row),
            pl.BlockSpec((F, F), _rep),
            pl.BlockSpec((F, F), _rep),
            pl.BlockSpec((1, F), _rep),
        ],
        out_specs=pl.BlockSpec((BLK, F), _row),
        out_shape=jax.ShapeDtypeStruct((NP, F), jnp.float32),
    )(p[0], p[1], d0, d1, h, Wl, Wr, b)


def _dense_mid_body(p0, p1, d0, d1, h, wl, wr, b, w3l, o, oy, *, act=True):
    acc = jnp.dot(_mean(p0, p1, d0, d1), wl[...],
                  preferred_element_type=jnp.float32)
    acc = acc + jnp.dot(h[...], wr[...], preferred_element_type=jnp.float32)
    h2 = jnp.maximum(acc + b[...], 0.0)
    o[...] = h2
    oy[...] = jnp.dot(h2, w3l[...], preferred_element_type=jnp.float32)


def _dense_mid(p, d0, d1, h, Wl, Wr, b, W3l):
    return pl.pallas_call(
        _dense_mid_body,
        grid=(NP // BLK,),
        in_specs=[
            pl.BlockSpec((BLK, F), _row),
            pl.BlockSpec((BLK, F), _row),
            pl.BlockSpec((BLK, 1), _row),
            pl.BlockSpec((BLK, 1), _row),
            pl.BlockSpec((BLK, F), _row),
            pl.BlockSpec((F, F), _rep),
            pl.BlockSpec((F, F), _rep),
            pl.BlockSpec((1, F), _rep),
            pl.BlockSpec((F, F3), _rep),
        ],
        out_specs=[pl.BlockSpec((BLK, F), _row), pl.BlockSpec((BLK, F3), _row)],
        out_shape=[jax.ShapeDtypeStruct((NP, F), jnp.float32),
                   jax.ShapeDtypeStruct((NP, F3), jnp.float32)],
    )(p[0], p[1], d0, d1, h, Wl, Wr, b, W3l)


def _final_body(py0, py1, d0, d1, h, wr, b, o):
    acc = _mean(py0, py1, d0, d1)
    acc = acc + jnp.dot(h[...], wr[...], preferred_element_type=jnp.float32)
    o[...] = acc + b[...]


def _final(py, d0, d1, h, W3r, b3):
    return pl.pallas_call(
        _final_body,
        grid=(NP // BLK,),
        in_specs=[
            pl.BlockSpec((BLK, F3), _row),
            pl.BlockSpec((BLK, F3), _row),
            pl.BlockSpec((BLK, 1), _row),
            pl.BlockSpec((BLK, 1), _row),
            pl.BlockSpec((BLK, F), _row),
            pl.BlockSpec((F, F3), _rep),
            pl.BlockSpec((1, F3), _rep),
        ],
        out_specs=pl.BlockSpec((BLK, F3), _row),
        out_shape=jax.ShapeDtypeStruct((NP, F3), jnp.float32),
    )(py[0], py[1], d0, d1, h, W3r, b3)


def _pad64(w):
    return jnp.pad(w, ((0, 0), (0, F3 - w.shape[1])))


def kernel(x, edge_index, W1l, W1r, b1, W2l, W2r, b2, W3l, W3r, b3):
    src3 = edge_index[0].reshape(NW, NCHUNK, CH)
    dst3 = edge_index[1].reshape(NW, NCHUNK, CH)
    zeros2d = jnp.zeros((NP, F), jnp.float32)
    zeros64 = jnp.zeros((NP, F3), jnp.float32)
    zerosd = jnp.zeros((NP,), jnp.float32)
    xp = jnp.pad(x, ((0, NP - N), (0, 0)))

    p, degp = _sc_aggregate_deg(src3, dst3, xp, zeros2d, zerosd)
    d0 = degp[0].reshape(NP, 1)
    d1 = degp[1].reshape(NP, 1)
    h = _dense(p, d0, d1, xp, W1l, W1r, b1.reshape(1, F))

    p = _sc_aggregate(src3, dst3, h, zeros2d)
    h, y = _dense_mid(p, d0, d1, h, W2l, W2r, b2.reshape(1, F), _pad64(W3l))

    py = _sc_aggregate64(src3, dst3, y, zeros64)
    out = _final(py, d0, d1, h, _pad64(W3r),
                 jnp.pad(b3, (0, F3 - C)).reshape(1, F3))
    return out[:N, :C]

# --- scband reference (transcript-rebuilt; emitter-appended) ---
"""Pipeline reference for scband-sage-90366111908390 (READ-ONLY COPY).

The authoritative reference and input builder live on the scoring server;
editing this copy changes nothing except your own understanding.
"""

import jax, jax.numpy as jnp
import numpy as np

N = 10000
E = 320000
F_IN = 128
H = 128
C = 40


def setup_inputs(seed: int = 0) -> dict:
    key = jax.random.key(seed)
    ks = jax.random.split(key, 12)
    x = jax.random.normal(ks[0], (N, F_IN), dtype=jnp.float32)
    edge_index = jax.random.randint(ks[1], (2, E), 0, N, dtype=jnp.int32)
    def lin(k, fan_in, fan_out):
        return jax.random.normal(k, (fan_in, fan_out), dtype=jnp.float32) * (1.0 / np.sqrt(fan_in))
    W1l = lin(ks[2], F_IN, H)
    W1r = lin(ks[3], F_IN, H)
    b1 = jnp.zeros((H,), dtype=jnp.float32)
    W2l = lin(ks[4], H, H)
    W2r = lin(ks[5], H, H)
    b2 = jnp.zeros((H,), dtype=jnp.float32)
    W3l = lin(ks[6], H, C)
    W3r = lin(ks[7], H, C)
    b3 = jnp.zeros((C,), dtype=jnp.float32)
    return {"x": x, "edge_index": edge_index, "W1l": W1l, "W1r": W1r, "b1": b1,
            "W2l": W2l, "W2r": W2r, "b2": b2, "W3l": W3l, "W3r": W3r, "b3": b3}


def _sage_layer(x, edge_index, Wl, Wr, b):
    # GraphSAGE mean aggregation: out = lin_l(mean_{j in N(i)} x_j) + lin_r(x_i)
    src = edge_index[0]
    dst = edge_index[1]
    msgs = jnp.take(x, src, axis=0)                      # gather
    agg = jax.ops.segment_sum(msgs, dst, num_segments=N) # scatter-add
    deg = jax.ops.segment_sum(jnp.ones((msgs.shape[0],), x.dtype), dst, num_segments=N)
    mean = agg / jnp.clip(deg, 1.0, None)[:, None]
    return mean @ Wl + x @ Wr + b


def reference(x, edge_index, W1l, W1r, b1, W2l, W2r, b2, W3l, W3r, b3):
    # dropout is inactive in eval mode (training=False)
    h = jax.nn.relu(_sage_layer(x, edge_index, W1l, W1r, b1))
    h = jax.nn.relu(_sage_layer(h, edge_index, W2l, W2r, b2))
    out = _sage_layer(h, edge_index, W3l, W3r, b3)
    return out

if __name__ == "__main__":
    import jax
    _d = setup_inputs()
    print(jax.jit(kernel)(*tuple(_d.values())))

</pallas_src>

<mosaic_0001>
#map = affine_map<(d0, d1) -> (0, 0, 0)>
#map1 = affine_map<(d0, d1) -> (0, 0)>
module attributes {stable_mosaic.version = 14 : i64} {
  func.func @body(%arg0: i32, %arg1: i32, %arg2: memref<32x125x80xi32, #tpu.memory_space<hbm>>, %arg3: memref<32x125x80xi32, #tpu.memory_space<hbm>>, %arg4: memref<10240x128xf32, #tpu.memory_space<hbm>>, %arg5: memref<10240x128xf32, #tpu.memory_space<hbm>>, %arg6: memref<2x10240x128xf32, #tpu.memory_space<hbm>>, %arg7: memref<2x80xi32, #tpu.memory_space<vmem>>, %arg8: memref<2x80xi32, #tpu.memory_space<vmem>>, %arg9: memref<80x128xf32, #tpu.memory_space<vmem>>, %arg10: memref<80x128xf32, #tpu.memory_space<vmem>>, %arg11: memref<10240x128xf32, #tpu.memory_space<vmem_shared>>, %arg12: memref<!tpu.dma_semaphore, #tpu.memory_space<semaphore_mem>>, %arg13: memref<!tpu.dma_semaphore, #tpu.memory_space<semaphore_mem>>, %arg14: memref<!tpu.dma_semaphore, #tpu.memory_space<semaphore_mem>>, %arg15: memref<!tpu.dma_semaphore, #tpu.memory_space<semaphore_mem>>, %arg16: memref<!tpu.dma_semaphore, #tpu.memory_space<semaphore_mem>>, %arg17: memref<!tpu.dma_semaphore, #tpu.memory_space<semaphore_mem>>) attributes {dimension_semantics = [#tpu.dimension_semantics<core_parallel>, #tpu.dimension_semantics<subcore_parallel>], iteration_bounds = array<i64: 2, 16>, scalar_prefetch = 0 : i64, scratch_operands = 11 : i64, tpu.core_type = #tpu.core_type<sc_vector_subcore>, window_params = [{transform_indices = #map}, {transform_indices = #map}, {transform_indices = #map1}, {transform_indices = #map1}, {transform_indices = #map}]} {
    %mul3A = arith.constant 16 : i32
    %mul3A_0 = arith.muli %arg0, %mul3A : i32
    %add3A = arith.addi %mul3A_0, %arg1 : i32
    %mul3A_1 = arith.constant 640 : i32
    %mul3A_2 = arith.muli %arg1, %mul3A_1 : i32
    "tpu.region"() ({
      %run_scoped3A_105 = tpu.sem_alloc : memref<!tpu.dma_semaphore, #tpu.memory_space<semaphore_mem>>
      %dma_start3A_106 = arith.constant 0 : i32
      %dma_start3A_107 = tpu.memref_slice %arg11[%mul3A_2, %dma_start3A_106] : memref<10240x128xf32, #tpu.memory_space<vmem_shared>> -> memref<640x128xf32, #tpu.memory_space<vmem_shared>>
      %dma_start3A_108 = arith.constant 0 : i32
      %dma_start3A_109 = tpu.memref_slice %arg5[%mul3A_2, %dma_start3A_108] : memref<10240x128xf32, #tpu.memory_space<hbm>> -> memref<640x128xf32, #tpu.memory_space<hbm>>
      tpu.enqueue_dma source(%dma_start3A_109 : memref<640x128xf32, #tpu.memory_space<hbm>>) target(%dma_start3A_107 : memref<640x128xf32, #tpu.memory_space<vmem_shared>>) target_semaphore(%run_scoped3A_105 : memref<!tpu.dma_semaphore, #tpu.memory_space<semaphore_mem>>)
      %dma_wait3A_110 = arith.constant 0 : i32
      %dma_wait3A_111 = tpu.memref_slice %arg11[%mul3A_2, %dma_wait3A_110] : memref<10240x128xf32, #tpu.memory_space<vmem_shared>> -> memref<640x128xf32, #tpu.memory_space<vmem_shared>>
      %dma_wait3A_112 = arith.constant 0 : i32
      %dma_wait3A_113 = tpu.memref_slice %arg5[%mul3A_2, %dma_wait3A_112] : memref<10240x128xf32, #tpu.memory_space<hbm>> -> memref<640x128xf32, #tpu.memory_space<hbm>>
      tpu.wait_dma2 semaphore(%run_scoped3A_105 : memref<!tpu.dma_semaphore, #tpu.memory_space<semaphore_mem>>) src(%dma_wait3A_113 : memref<640x128xf32, #tpu.memory_space<hbm>>) dst(%dma_wait3A_111 : memref<640x128xf32, #tpu.memory_space<vmem_shared>>)
      tpu.yield
    }) : () -> ()
    %dma_start3A = arith.constant 0 : i32
    %dma_start3A_3 = arith.constant 0 : i32
    %dma_start3A_4 = arith.constant 0 : i32
    %dma_start3A_5 = tpu.memref_slice %arg7[%dma_start3A_3, %dma_start3A_4] : memref<2x80xi32, #tpu.memory_space<vmem>> -> memref<1x80xi32, #tpu.memory_space<vmem>>
    %dma_start3A_6 = tpu.memref_squeeze %dma_start3A_5 : memref<1x80xi32, #tpu.memory_space<vmem>> -> memref<80xi32, #tpu.memory_space<vmem>>
    %dma_start3A_7 = arith.constant 0 : i32
    %dma_start3A_8 = tpu.memref_slice %arg2[%add3A, %dma_start3A, %dma_start3A_7] : memref<32x125x80xi32, #tpu.memory_space<hbm>> -> memref<1x1x80xi32, #tpu.memory_space<hbm>>
    %dma_start3A_9 = tpu.memref_squeeze %dma_start3A_8 : memref<1x1x80xi32, #tpu.memory_space<hbm>> -> memref<80xi32, #tpu.memory_space<hbm>>
    %dma_start3A_10 = arith.constant 0 : i32
    %dma_start3A_11 = tpu.memref_slice %arg7[%dma_start3A_3, %dma_start3A_10] : memref<2x80xi32, #tpu.memory_space<vmem>> -> memref<1x80xi32, #tpu.memory_space<vmem>>
    %dma_start3A_12 = tpu.memref_squeeze %dma_start3A_11 : memref<1x80xi32, #tpu.memory_space<vmem>> -> memref<80xi32, #tpu.memory_space<vmem>>
    %dma_start3A_13 = arith.constant 0 : i32
    %dma_start3A_14 = tpu.memref_slice %arg2[%add3A, %dma_start3A, %dma_start3A_13] : memref<32x125x80xi32, #tpu.memory_space<hbm>> -> memref<1x1x80xi32, #tpu.memory_space<hbm>>
    %dma_start3A_15 = tpu.memref_squeeze %dma_start3A_14 : memref<1x1x80xi32, #tpu.memory_space<hbm>> -> memref<80xi32, #tpu.memory_space<hbm>>
    tpu.enqueue_dma source(%dma_start3A_15 : memref<80xi32, #tpu.memory_space<hbm>>) target(%dma_start3A_12 : memref<80xi32, #tpu.memory_space<vmem>>) target_semaphore(%arg14 : memref<!tpu.dma_semaphore, #tpu.memory_space<semaphore_mem>>)
    %dma_start3A_16 = arith.constant 0 : i32
    %dma_start3A_17 = arith.constant 0 : i32
    %dma_start3A_18 = arith.constant 0 : i32
    %dma_start3A_19 = tpu.memref_slice %arg8[%dma_start3A_17, %dma_start3A_18] : memref<2x80xi32, #tpu.memory_space<vmem>> -> memref<1x80xi32, #tpu.memory_space<vmem>>
    %dma_start3A_20 = tpu.memref_squeeze %dma_start3A_19 : memref<1x80xi32, #tpu.memory_space<vmem>> -> memref<80xi32, #tpu.memory_space<vmem>>
    %dma_start3A_21 = arith.constant 0 : i32
    %dma_start3A_22 = tpu.memref_slice %arg3[%add3A, %dma_start3A_16, %dma_start3A_21] : memref<32x125x80xi32, #tpu.memory_space<hbm>> -> memref<1x1x80xi32, #tpu.memory_space<hbm>>
    %dma_start3A_23 = tpu.memref_squeeze %dma_start3A_22 : memref<1x1x80xi32, #tpu.memory_space<hbm>> -> memref<80xi32, #tpu.memory_space<hbm>>
    %dma_start3A_24 = arith.constant 0 : i32
    %dma_start3A_25 = tpu.memref_slice %arg8[%dma_start3A_17, %dma_start3A_24] : memref<2x80xi32, #tpu.memory_space<vmem>> -> memref<1x80xi32, #tpu.memory_space<vmem>>
    %dma_start3A_26 = tpu.memref_squeeze %dma_start3A_25 : memref<1x80xi32, #tpu.memory_space<vmem>> -> memref<80xi32, #tpu.memory_space<vmem>>
    %dma_start3A_27 = arith.constant 0 : i32
    %dma_start3A_28 = tpu.memref_slice %arg3[%add3A, %dma_start3A_16, %dma_start3A_27] : memref<32x125x80xi32, #tpu.memory_space<hbm>> -> memref<1x1x80xi32, #tpu.memory_space<hbm>>
    %dma_start3A_29 = tpu.memref_squeeze %dma_start3A_28 : memref<1x1x80xi32, #tpu.memory_space<hbm>> -> memref<80xi32, #tpu.memory_space<hbm>>
    tpu.enqueue_dma source(%dma_start3A_29 : memref<80xi32, #tpu.memory_space<hbm>>) target(%dma_start3A_26 : memref<80xi32, #tpu.memory_space<vmem>>) target_semaphore(%arg16 : memref<!tpu.dma_semaphore, #tpu.memory_space<semaphore_mem>>)
    %dma_start3A_30 = arith.constant 1 : i32
    %dma_start3A_31 = arith.constant 1 : i32
    %dma_start3A_32 = arith.constant 0 : i32
    %dma_start3A_33 = tpu.memref_slice %arg7[%dma_start3A_31, %dma_start3A_32] : memref<2x80xi32, #tpu.memory_space<vmem>> -> memref<1x80xi32, #tpu.memory_space<vmem>>
    %dma_start3A_34 = tpu.memref_squeeze %dma_start3A_33 : memref<1x80xi32, #tpu.memory_space<vmem>> -> memref<80xi32, #tpu.memory_space<vmem>>
    %dma_start3A_35 = arith.constant 0 : i32
    %dma_start3A_36 = tpu.memref_slice %arg2[%add3A, %dma_start3A_30, %dma_start3A_35] : memref<32x125x80xi32, #tpu.memory_space<hbm>> -> memref<1x1x80xi32, #tpu.memory_space<hbm>>
    %dma_start3A_37 = tpu.memref_squeeze %dma_start3A_36 : memref<1x1x80xi32, #tpu.memory_space<hbm>> -> memref<80xi32, #tpu.memory_space<hbm>>
    %dma_start3A_38 = arith.constant 0 : i32
    %dma_start3A_39 = tpu.memref_slice %arg7[%dma_start3A_31, %dma_start3A_38] : memref<2x80xi32, #tpu.memory_space<vmem>> -> memref<1x80xi32, #tpu.memory_space<vmem>>
    %dma_start3A_40 = tpu.memref_squeeze %dma_start3A_39 : memref<1x80xi32, #tpu.memory_space<vmem>> -> memref<80xi32, #tpu.memory_space<vmem>>
    %dma_start3A_41 = arith.constant 0 : i32
    %dma_start3A_42 = tpu.memref_slice %arg2[%add3A, %dma_start3A_30, %dma_start3A_41] : memref<32x125x80xi32, #tpu.memory_space<hbm>> -> memref<1x1x80xi32, #tpu.memory_space<hbm>>
    %dma_start3A_43 = tpu.memref_squeeze %dma_start3A_42 : memref<1x1x80xi32, #tpu.memory_space<hbm>> -> memref<80xi32, #tpu.memory_space<hbm>>
    tpu.enqueue_dma source(%dma_start3A_43 : memref<80xi32, #tpu.memory_space<hbm>>) target(%dma_start3A_40 : memref<80xi32, #tpu.memory_space<vmem>>) target_semaphore(%arg15 : memref<!tpu.dma_semaphore, #tpu.memory_space<semaphore_mem>>)
    %dma_start3A_44 = arith.constant 1 : i32
    %dma_start3A_45 = arith.constant 1 : i32
    %dma_start3A_46 = arith.constant 0 : i32
    %dma_start3A_47 = tpu.memref_slice %arg8[%dma_start3A_45, %dma_start3A_46] : memref<2x80xi32, #tpu.memory_space<vmem>> -> memref<1x80xi32, #tpu.memory_space<vmem>>
    %dma_start3A_48 = tpu.memref_squeeze %dma_start3A_47 : memref<1x80xi32, #tpu.memory_space<vmem>> -> memref<80xi32, #tpu.memory_space<vmem>>
    %dma_start3A_49 = arith.constant 0 : i32
    %dma_start3A_50 = tpu.memref_slice %arg3[%add3A, %dma_start3A_44, %dma_start3A_49] : memref<32x125x80xi32, #tpu.memory_space<hbm>> -> memref<1x1x80xi32, #tpu.memory_space<hbm>>
    %dma_start3A_51 = tpu.memref_squeeze %dma_start3A_50 : memref<1x1x80xi32, #tpu.memory_space<hbm>> -> memref<80xi32, #tpu.memory_space<hbm>>
    %dma_start3A_52 = arith.constant 0 : i32
    %dma_start3A_53 = tpu.memref_slice %arg8[%dma_start3A_45, %dma_start3A_52] : memref<2x80xi32, #tpu.memory_space<vmem>> -> memref<1x80xi32, #tpu.memory_space<vmem>>
    %dma_start3A_54 = tpu.memref_squeeze %dma_start3A_53 : memref<1x80xi32, #tpu.memory_space<vmem>> -> memref<80xi32, #tpu.memory_space<vmem>>
    %dma_start3A_55 = arith.constant 0 : i32
    %dma_start3A_56 = tpu.memref_slice %arg3[%add3A, %dma_start3A_44, %dma_start3A_55] : memref<32x125x80xi32, #tpu.memory_space<hbm>> -> memref<1x1x80xi32, #tpu.memory_space<hbm>>
    %dma_start3A_57 = tpu.memref_squeeze %dma_start3A_56 : memref<1x1x80xi32, #tpu.memory_space<hbm>> -> memref<80xi32, #tpu.memory_space<hbm>>
    tpu.enqueue_dma source(%dma_start3A_57 : memref<80xi32, #tpu.memory_space<hbm>>) target(%dma_start3A_54 : memref<80xi32, #tpu.memory_space<vmem>>) target_semaphore(%arg17 : memref<!tpu.dma_semaphore, #tpu.memory_space<semaphore_mem>>)
    %dma_wait3A = arith.constant 0 : i32
    %dma_wait3A_58 = arith.constant 0 : i32
    %dma_wait3A_59 = arith.constant 0 : i32
    %dma_wait3A_60 = tpu.memref_slice %arg7[%dma_wait3A_58, %dma_wait3A_59] : memref<2x80xi32, #tpu.memory_space<vmem>> -> memref<1x80xi32, #tpu.memory_space<vmem>>
    %dma_wait3A_61 = tpu.memref_squeeze %dma_wait3A_60 : memref<1x80xi32, #tpu.memory_space<vmem>> -> memref<80xi32, #tpu.memory_space<vmem>>
    %dma_wait3A_62 = arith.constant 0 : i32
    %dma_wait3A_63 = tpu.memref_slice %arg2[%add3A, %dma_wait3A, %dma_wait3A_62] : memref<32x125x80xi32, #tpu.memory_space<hbm>> -> memref<1x1x80xi32, #tpu.memory_space<hbm>>
    %dma_wait3A_64 = tpu.memref_squeeze %dma_wait3A_63 : memref<1x1x80xi32, #tpu.memory_space<hbm>> -> memref<80xi32, #tpu.memory_space<hbm>>
    %dma_wait3A_65 = arith.constant 0 : i32
    %dma_wait3A_66 = tpu.memref_slice %arg7[%dma_wait3A_58, %dma_wait3A_65] : memref<2x80xi32, #tpu.memory_space<vmem>> -> memref<1x80xi32, #tpu.memory_space<vmem>>
    %dma_wait3A_67 = tpu.memref_squeeze %dma_wait3A_66 : memref<1x80xi32, #tpu.memory_space<vmem>> -> memref<80xi32, #tpu.memory_space<vmem>>
    %dma_wait3A_68 = arith.constant 0 : i32
    %dma_wait3A_69 = tpu.memref_slice %arg2[%add3A, %dma_wait3A, %dma_wait3A_68] : memref<32x125x80xi32, #tpu.memory_space<hbm>> -> memref<1x1x80xi32, #tpu.memory_space<hbm>>
    %dma_wait3A_70 = tpu.memref_squeeze %dma_wait3A_69 : memref<1x1x80xi32, #tpu.memory_space<hbm>> -> memref<80xi32, #tpu.memory_space<hbm>>
    tpu.wait_dma2 semaphore(%arg14 : memref<!tpu.dma_semaphore, #tpu.memory_space<semaphore_mem>>) src(%dma_wait3A_70 : memref<80xi32, #tpu.memory_space<hbm>>) dst(%dma_wait3A_67 : memref<80xi32, #tpu.memory_space<vmem>>)
    %dma_start3A_71 = arith.constant 0 : i32
    %dma_start3A_72 = arith.constant 0 : i32
    %dma_start3A_73 = tpu.memref_slice %arg7[%dma_start3A_71, %dma_start3A_72] : memref<2x80xi32, #tpu.memory_space<vmem>> -> memref<1x80xi32, #tpu.memory_space<vmem>>
    %dma_start3A_74 = tpu.memref_squeeze %dma_start3A_73 : memref<1x80xi32, #tpu.memory_space<vmem>> -> memref<80xi32, #tpu.memory_space<vmem>>
    %dma_start3A_75 = arith.constant 0 : i32
    %dma_start3A_76 = arith.constant 0 : i32
    %dma_start3A_77 = tpu.memref_slice %arg4[%dma_start3A_75, %dma_start3A_76] : memref<10240x128xf32, #tpu.memory_space<hbm>> -> memref<10240x128xf32, #tpu.memory_space<hbm>>
    tpu.enqueue_indirect_dma source(%dma_start3A_77 : memref<10240x128xf32, #tpu.memory_space<hbm>>) target(%arg9 : memref<80x128xf32, #tpu.memory_space<vmem>>) offsets(%dma_start3A_74 : memref<80xi32, #tpu.memory_space<vmem>>) semaphore(%arg12 : memref<!tpu.dma_semaphore, #tpu.memory_space<semaphore_mem>>)
    %barrier3A = arith.constant 0 : index
    tpu.barrier barrier_id(%barrier3A)
    %scan3A = arith.constant 0 : i32
    %scan3A_78 = arith.constant 0 : i32
    %scan3A_79 = arith.constant 62 : i32
    %scan3A_80 = arith.addi %scan3A_78, %scan3A_79 : i32
    %scan3A_81 = arith.constant 1 : i32
    scf.for %scan3A_105 = %scan3A_78 to %scan3A_80 step %scan3A_81  : i32 {
      %mul3A_106 = arith.constant 2 : i32
      %mul3A_107 = arith.muli %mul3A_106, %scan3A_105 : i32
      %dma_wait3A_108 = arith.constant 0 : i32
      %dma_wait3A_109 = arith.constant 1 : i32
      %dma_wait3A_110 = arith.constant 0 : i32
      %dma_wait3A_111 = tpu.memref_slice %arg7[%dma_wait3A_109, %dma_wait3A_110] : memref<2x80xi32, #tpu.memory_space<vmem>> -> memref<1x80xi32, #tpu.memory_space<vmem>>
      %dma_wait3A_112 = tpu.memref_squeeze %dma_wait3A_111 : memref<1x80xi32, #tpu.memory_space<vmem>> -> memref<80xi32, #tpu.memory_space<vmem>>
      %dma_wait3A_113 = arith.constant 0 : i32
      %dma_wait3A_114 = tpu.memref_slice %arg2[%add3A, %dma_wait3A_108, %dma_wait3A_113] : memref<32x125x80xi32, #tpu.memory_space<hbm>> -> memref<1x1x80xi32, #tpu.memory_space<hbm>>
      %dma_wait3A_115 = tpu.memref_squeeze %dma_wait3A_114 : memref<1x1x80xi32, #tpu.memory_space<hbm>> -> memref<80xi32, #tpu.memory_space<hbm>>
      %dma_wait3A_116 = arith.constant 0 : i32
      %dma_wait3A_117 = tpu.memref_slice %arg7[%dma_wait3A_109, %dma_wait3A_116] : memref<2x80xi32, #tpu.memory_space<vmem>> -> memref<1x80xi32, #tpu.memory_space<vmem>>
      %dma_wait3A_118 = tpu.memref_squeeze %dma_wait3A_117 : memref<1x80xi32, #tpu.memory_space<vmem>> -> memref<80xi32, #tpu.memory_space<vmem>>
      %dma_wait3A_119 = arith.constant 0 : i32
      %dma_wait3A_120 = tpu.memref_slice %arg2[%add3A, %dma_wait3A_108, %dma_wait3A_119] : memref<32x125x80xi32, #tpu.memory_space<hbm>> -> memref<1x1x80xi32, #tpu.memory_space<hbm>>
      %dma_wait3A_121 = tpu.memref_squeeze %dma_wait3A_120 : memref<1x1x80xi32, #tpu.memory_space<hbm>> -> memref<80xi32, #tpu.memory_space<hbm>>
      tpu.wait_dma2 semaphore(%arg15 : memref<!tpu.dma_semaphore, #tpu.memory_space<semaphore_mem>>) src(%dma_wait3A_121 : memref<80xi32, #tpu.memory_space<hbm>>) dst(%dma_wait3A_118 : memref<80xi32, #tpu.memory_space<vmem>>)
      %dma_start3A_122 = arith.constant 1 : i32
      %dma_start3A_123 = arith.constant 0 : i32
      %dma_start3A_124 = tpu.memref_slice %arg7[%dma_start3A_122, %dma_start3A_123] : memref<2x80xi32, #tpu.memory_space<vmem>> -> memref<1x80xi32, #tpu.memory_space<vmem>>
      %dma_start3A_125 = tpu.memref_squeeze %dma_start3A_124 : memref<1x80xi32, #tpu.memory_space<vmem>> -> memref<80xi32, #tpu.memory_space<vmem>>
      %dma_start3A_126 = arith.constant 0 : i32
      %dma_start3A_127 = arith.constant 0 : i32
      %dma_start3A_128 = tpu.memref_slice %arg4[%dma_start3A_126, %dma_start3A_127] : memref<10240x128xf32, #tpu.memory_space<hbm>> -> memref<10240x128xf32, #tpu.memory_space<hbm>>
      tpu.enqueue_indirect_dma source(%dma_start3A_128 : memref<10240x128xf32, #tpu.memory_space<hbm>>) target(%arg10 : memref<80x128xf32, #tpu.memory_space<vmem>>) offsets(%dma_start3A_125 : memref<80xi32, #tpu.memory_space<vmem>>) semaphore(%arg13 : memref<!tpu.dma_semaphore, #tpu.memory_space<semaphore_mem>>)
      %dma_wait3A_129 = arith.constant 0 : i32
      %dma_wait3A_130 = arith.constant 0 : i32
      %dma_wait3A_131 = tpu.memref_slice %arg7[%dma_wait3A_129, %dma_wait3A_130] : memref<2x80xi32, #tpu.memory_space<vmem>> -> memref<1x80xi32, #tpu.memory_space<vmem>>
      %dma_wait3A_132 = tpu.memref_squeeze %dma_wait3A_131 : memref<1x80xi32, #tpu.memory_space<vmem>> -> memref<80xi32, #tpu.memory_space<vmem>>
      %dma_wait3A_133 = arith.constant 0 : i32
      %dma_wait3A_134 = arith.constant 0 : i32
      %dma_wait3A_135 = tpu.memref_slice %arg4[%dma_wait3A_133, %dma_wait3A_134] : memref<10240x128xf32, #tpu.memory_space<hbm>> -> memref<10240x128xf32, #tpu.memory_space<hbm>>
      tpu.wait_indirect_dma semaphore(%arg12 : memref<!tpu.dma_semaphore, #tpu.memory_space<semaphore_mem>>) src(%dma_wait3A_135 : memref<10240x128xf32, #tpu.memory_space<hbm>>) dst(%arg9 : memref<80x128xf32, #tpu.memory_space<vmem>>)
      %add3A_136 = arith.constant 2 : i32
      %add3A_137 = arith.addi %mul3A_107, %add3A_136 : i32
      %dma_start3A_138 = arith.constant 0 : i32
      %dma_start3A_139 = arith.constant 0 : i32
      %dma_start3A_140 = tpu.memref_slice %arg7[%dma_start3A_138, %dma_start3A_139] : memref<2x80xi32, #tpu.memory_space<vmem>> -> memref<1x80xi32, #tpu.memory_space<vmem>>
      %dma_start3A_141 = tpu.memref_squeeze %dma_start3A_140 : memref<1x80xi32, #tpu.memory_space<vmem>> -> memref<80xi32, #tpu.memory_space<vmem>>
      %dma_start3A_142 = arith.constant 0 : i32
      %dma_start3A_143 = tpu.memref_slice %arg2[%add3A, %add3A_137, %dma_start3A_142] : memref<32x125x80xi32, #tpu.memory_space<hbm>> -> memref<1x1x80xi32, #tpu.memory_space<hbm>>
      %dma_start3A_144 = tpu.memref_squeeze %dma_start3A_143 : memref<1x1x80xi32, #tpu.memory_space<hbm>> -> memref<80xi32, #tpu.memory_space<hbm>>
      %dma_start3A_145 = arith.constant 0 : i32
      %dma_start3A_146 = tpu.memref_slice %arg7[%dma_start3A_138, %dma_start3A_145] : memref<2x80xi32, #tpu.memory_space<vmem>> -> memref<1x80xi32, #tpu.memory_space<vmem>>
      %dma_start3A_147 = tpu.memref_squeeze %dma_start3A_146 : memref<1x80xi32, #tpu.memory_space<vmem>> -> memref<80xi32, #tpu.memory_space<vmem>>
      %dma_start3A_148 = arith.constant 0 : i32
      %dma_start3A_149 = tpu.memref_slice %arg2[%add3A, %add3A_137, %dma_start3A_148] : memref<32x125x80xi32, #tpu.memory_space<hbm>> -> memref<1x1x80xi32, #tpu.memory_space<hbm>>
      %dma_start3A_150 = tpu.memref_squeeze %dma_start3A_149 : memref<1x1x80xi32, #tpu.memory_space<hbm>> -> memref<80xi32, #tpu.memory_space<hbm>>
      tpu.enqueue_dma source(%dma_start3A_150 : memref<80xi32, #tpu.memory_space<hbm>>) target(%dma_start3A_147 : memref<80xi32, #tpu.memory_space<vmem>>) target_semaphore(%arg14 : memref<!tpu.dma_semaphore, #tpu.memory_space<semaphore_mem>>)
      %dma_wait3A_151 = arith.constant 0 : i32
      %dma_wait3A_152 = arith.constant 0 : i32
      %dma_wait3A_153 = arith.constant 0 : i32
      %dma_wait3A_154 = tpu.memref_slice %arg8[%dma_wait3A_152, %dma_wait3A_153] : memref<2x80xi32, #tpu.memory_space<vmem>> -> memref<1x80xi32, #tpu.memory_space<vmem>>
      %dma_wait3A_155 = tpu.memref_squeeze %dma_wait3A_154 : memref<1x80xi32, #tpu.memory_space<vmem>> -> memref<80xi32, #tpu.memory_space<vmem>>
      %dma_wait3A_156 = arith.constant 0 : i32
      %dma_wait3A_157 = tpu.memref_slice %arg3[%add3A, %dma_wait3A_151, %dma_wait3A_156] : memref<32x125x80xi32, #tpu.memory_space<hbm>> -> memref<1x1x80xi32, #tpu.memory_space<hbm>>
      %dma_wait3A_158 = tpu.memref_squeeze %dma_wait3A_157 : memref<1x1x80xi32, #tpu.memory_space<hbm>> -> memref<80xi32, #tpu.memory_space<hbm>>
      %dma_wait3A_159 = arith.constant 0 : i32
      %dma_wait3A_160 = tpu.memref_slice %arg8[%dma_wait3A_152, %dma_wait3A_159] : memref<2x80xi32, #tpu.memory_space<vmem>> -> memref<1x80xi32, #tpu.memory_space<vmem>>
      %dma_wait3A_161 = tpu.memref_squeeze %dma_wait3A_160 : memref<1x80xi32, #tpu.memory_space<vmem>> -> memref<80xi32, #tpu.memory_space<vmem>>
      %dma_wait3A_162 = arith.constant 0 : i32
      %dma_wait3A_163 = tpu.memref_slice %arg3[%add3A, %dma_wait3A_151, %dma_wait3A_162] : memref<32x125x80xi32, #tpu.memory_space<hbm>> -> memref<1x1x80xi32, #tpu.memory_space<hbm>>
      %dma_wait3A_164 = tpu.memref_squeeze %dma_wait3A_163 : memref<1x1x80xi32, #tpu.memory_space<hbm>> -> memref<80xi32, #tpu.memory_space<hbm>>
      tpu.wait_dma2 semaphore(%arg16 : memref<!tpu.dma_semaphore, #tpu.memory_space<semaphore_mem>>) src(%dma_wait3A_164 : memref<80xi32, #tpu.memory_space<hbm>>) dst(%dma_wait3A_161 : memref<80xi32, #tpu.memory_space<vmem>>)
      %run_scoped3A_165 = arith.constant 0 : i32
      "tpu.region"() ({
        %run_scoped3A_235 = tpu.sem_alloc : memref<!tpu.dma_semaphore, #tpu.memory_space<semaphore_mem>>
        %dma_start3A_236 = arith.constant 0 : i32
        %dma_start3A_237 = tpu.memref_slice %arg8[%run_scoped3A_165, %dma_start3A_236] : memref<2x80xi32, #tpu.memory_space<vmem>> -> memref<1x80xi32, #tpu.memory_space<vmem>>
        %dma_start3A_238 = tpu.memref_squeeze %dma_start3A_237 : memref<1x80xi32, #tpu.memory_space<vmem>> -> memref<80xi32, #tpu.memory_space<vmem>>
        %dma_start3A_239 = arith.constant 0 : i32
        %dma_start3A_240 = arith.constant 0 : i32
        %dma_start3A_241 = tpu.memref_slice %arg11[%dma_start3A_239, %dma_start3A_240] : memref<10240x128xf32, #tpu.memory_space<vmem_shared>> -> memref<10240x128xf32, #tpu.memory_space<vmem_shared>>
        tpu.enqueue_indirect_dma source(%arg9 : memref<80x128xf32, #tpu.memory_space<vmem>>) target(%dma_start3A_241 : memref<10240x128xf32, #tpu.memory_space<vmem_shared>>) offsets(%dma_start3A_238 : memref<80xi32, #tpu.memory_space<vmem>>) semaphore(%run_scoped3A_235 : memref<!tpu.dma_semaphore, #tpu.memory_space<semaphore_mem>>) {add = true}
        %dma_wait3A_242 = arith.constant 0 : i32
        %dma_wait3A_243 = tpu.memref_slice %arg8[%run_scoped3A_165, %dma_wait3A_242] : memref<2x80xi32, #tpu.memory_space<vmem>> -> memref<1x80xi32, #tpu.memory_space<vmem>>
        %dma_wait3A_244 = tpu.memref_squeeze %dma_wait3A_243 : memref<1x80xi32, #tpu.memory_space<vmem>> -> memref<80xi32, #tpu.memory_space<vmem>>
        %dma_wait3A_245 = arith.constant 0 : i32
        %dma_wait3A_246 = arith.constant 0 : i32
        %dma_wait3A_247 = tpu.memref_slice %arg11[%dma_wait3A_245, %dma_wait3A_246] : memref<10240x128xf32, #tpu.memory_space<vmem_shared>> -> memref<10240x128xf32, #tpu.memory_space<vmem_shared>>
        tpu.wait_indirect_dma semaphore(%run_scoped3A_235 : memref<!tpu.dma_semaphore, #tpu.memory_space<semaphore_mem>>) src(%arg9 : memref<80x128xf32, #tpu.memory_space<vmem>>) dst(%dma_wait3A_247 : memref<10240x128xf32, #tpu.memory_space<vmem_shared>>)
        tpu.yield
      }) : () -> ()
      %add3A_166 = arith.constant 2 : i32
      %add3A_167 = arith.addi %mul3A_107, %add3A_166 : i32
      %dma_start3A_168 = arith.constant 0 : i32
      %dma_start3A_169 = arith.constant 0 : i32
      %dma_start3A_170 = tpu.memref_slice %arg8[%dma_start3A_168, %dma_start3A_169] : memref<2x80xi32, #tpu.memory_space<vmem>> -> memref<1x80xi32, #tpu.memory_space<vmem>>
      %dma_start3A_171 = tpu.memref_squeeze %dma_start3A_170 : memref<1x80xi32, #tpu.memory_space<vmem>> -> memref<80xi32, #tpu.memory_space<vmem>>
      %dma_start3A_172 = arith.constant 0 : i32
      %dma_start3A_173 = tpu.memref_slice %arg3[%add3A, %add3A_167, %dma_start3A_172] : memref<32x125x80xi32, #tpu.memory_space<hbm>> -> memref<1x1x80xi32, #tpu.memory_space<hbm>>
      %dma_start3A_174 = tpu.memref_squeeze %dma_start3A_173 : memref<1x1x80xi32, #tpu.memory_space<hbm>> -> memref<80xi32, #tpu.memory_space<hbm>>
      %dma_start3A_175 = arith.constant 0 : i32
      %dma_start3A_176 = tpu.memref_slice %arg8[%dma_start3A_168, %dma_start3A_175] : memref<2x80xi32, #tpu.memory_space<vmem>> -> memref<1x80xi32, #tpu.memory_space<vmem>>
      %dma_start3A_177 = tpu.memref_squeeze %dma_start3A_176 : memref<1x80xi32, #tpu.memory_space<vmem>> -> memref<80xi32, #tpu.memory_space<vmem>>
      %dma_start3A_178 = arith.constant 0 : i32
      %dma_start3A_179 = tpu.memref_slice %arg3[%add3A, %add3A_167, %dma_start3A_178] : memref<32x125x80xi32, #tpu.memory_space<hbm>> -> memref<1x1x80xi32, #tpu.memory_space<hbm>>
      %dma_start3A_180 = tpu.memref_squeeze %dma_start3A_179 : memref<1x1x80xi32, #tpu.memory_space<hbm>> -> memref<80xi32, #tpu.memory_space<hbm>>
      tpu.enqueue_dma source(%dma_start3A_180 : memref<80xi32, #tpu.memory_space<hbm>>) target(%dma_start3A_177 : memref<80xi32, #tpu.memory_space<vmem>>) target_semaphore(%arg16 : memref<!tpu.dma_semaphore, #tpu.memory_space<semaphore_mem>>)
      %dma_wait3A_181 = arith.constant 0 : i32
      %dma_wait3A_182 = arith.constant 0 : i32
      %dma_wait3A_183 = arith.constant 0 : i32
      %dma_wait3A_184 = tpu.memref_slice %arg7[%dma_wait3A_182, %dma_wait3A_183] : memref<2x80xi32, #tpu.memory_space<vmem>> -> memref<1x80xi32, #tpu.memory_space<vmem>>
      %dma_wait3A_185 = tpu.memref_squeeze %dma_wait3A_184 : memref<1x80xi32, #tpu.memory_space<vmem>> -> memref<80xi32, #tpu.memory_space<vmem>>
      %dma_wait3A_186 = arith.constant 0 : i32
      %dma_wait3A_187 = tpu.memref_slice %arg2[%add3A, %dma_wait3A_181, %dma_wait3A_186] : memref<32x125x80xi32, #tpu.memory_space<hbm>> -> memref<1x1x80xi32, #tpu.memory_space<hbm>>
      %dma_wait3A_188 = tpu.memref_squeeze %dma_wait3A_187 : memref<1x1x80xi32, #tpu.memory_space<hbm>> -> memref<80xi32, #tpu.memory_space<hbm>>
      %dma_wait3A_189 = arith.constant 0 : i32
      %dma_wait3A_190 = tpu.memref_slice %arg7[%dma_wait3A_182, %dma_wait3A_189] : memref<2x80xi32, #tpu.memory_space<vmem>> -> memref<1x80xi32, #tpu.memory_space<vmem>>
      %dma_wait3A_191 = tpu.memref_squeeze %dma_wait3A_190 : memref<1x80xi32, #tpu.memory_space<vmem>> -> memref<80xi32, #tpu.memory_space<vmem>>
      %dma_wait3A_192 = arith.constant 0 : i32
      %dma_wait3A_193 = tpu.memref_slice %arg2[%add3A, %dma_wait3A_181, %dma_wait3A_192] : memref<32x125x80xi32, #tpu.memory_space<hbm>> -> memref<1x1x80xi32, #tpu.memory_space<hbm>>
      %dma_wait3A_194 = tpu.memref_squeeze %dma_wait3A_193 : memref<1x1x80xi32, #tpu.memory_space<hbm>> -> memref<80xi32, #tpu.memory_space<hbm>>
      tpu.wait_dma2 semaphore(%arg14 : memref<!tpu.dma_semaphore, #tpu.memory_space<semaphore_mem>>) src(%dma_wait3A_194 : memref<80xi32, #tpu.memory_space<hbm>>) dst(%dma_wait3A_191 : memref<80xi32, #tpu.memory_space<vmem>>)
      %dma_start3A_195 = arith.constant 0 : i32
      %dma_start3A_196 = arith.constant 0 : i32
      %dma_start3A_197 = tpu.memref_slice %arg7[%dma_start3A_195, %dma_start3A_196] : memref<2x80xi32, #tpu.memory_space<vmem>> -> memref<1x80xi32, #tpu.memory_space<vmem>>
      %dma_start3A_198 = tpu.memref_squeeze %dma_start3A_197 : memref<1x80xi32, #tpu.memory_space<vmem>> -> memref<80xi32, #tpu.memory_space<vmem>>
      %dma_start3A_199 = arith.constant 0 : i32
      %dma_start3A_200 = arith.constant 0 : i32
      %dma_start3A_201 = tpu.memref_slice %arg4[%dma_start3A_199, %dma_start3A_200] : memref<10240x128xf32, #tpu.memory_space<hbm>> -> memref<10240x128xf32, #tpu.memory_space<hbm>>
      tpu.enqueue_indirect_dma source(%dma_start3A_201 : memref<10240x128xf32, #tpu.memory_space<hbm>>) target(%arg9 : memref<80x128xf32, #tpu.memory_space<vmem>>) offsets(%dma_start3A_198 : memref<80xi32, #tpu.memory_space<vmem>>) semaphore(%arg12 : memref<!tpu.dma_semaphore, #tpu.memory_space<semaphore_mem>>)
      %dma_wait3A_202 = arith.constant 0 : i32
      %dma_wait3A_203 = arith.constant 0 : i32
      %dma_wait3A_204 = tpu.memref_slice %arg7[%dma_wait3A_202, %dma_wait3A_203] : memref<2x80xi32, #tpu.memory_space<vmem>> -> memref<1x80xi32, #tpu.memory_space<vmem>>
      %dma_wait3A_205 = tpu.memref_squeeze %dma_wait3A_204 : memref<1x80xi32, #tpu.memory_space<vmem>> -> memref<80xi32, #tpu.memory_space<vmem>>
      %dma_wait3A_206 = arith.constant 0 : i32
      %dma_wait3A_207 = arith.constant 0 : i32
      %dma_wait3A_208 = tpu.memref_slice %arg4[%dma_wait3A_206, %dma_wait3A_207] : memref<10240x128xf32, #tpu.memory_space<hbm>> -> memref<10240x128xf32, #tpu.memory_space<hbm>>
      tpu.wait_indirect_dma semaphore(%arg13 : memref<!tpu.dma_semaphore, #tpu.memory_space<semaphore_mem>>) src(%dma_wait3A_208 : memref<10240x128xf32, #tpu.memory_space<hbm>>) dst(%arg10 : memref<80x128xf32, #tpu.memory_space<vmem>>)
      %add3A_209 = arith.constant 3 : i32
      %add3A_210 = arith.addi %mul3A_107, %add3A_209 : i32
      %lt3A = arith.constant 125 : i32
      %lt3A_211 = arith.cmpi slt, %add3A_210, %lt3A : i32
      %convert_element_type3A = arith.extui %lt3A_211 : i1 to i32
      %cond3A = arith.constant 0 : i32
      %cond3A_212 = arith.cmpi ne, %convert_element_type3A, %cond3A : i32
      scf.if %cond3A_212 {
        %add3A_235 = arith.constant 3 : i32
        %add3A_236 = arith.addi %mul3A_107, %add3A_235 : i32
        %dma_start3A_237 = arith.constant 1 : i32
        %dma_start3A_238 = arith.constant 0 : i32
        %dma_start3A_239 = tpu.memref_slice %arg7[%dma_start3A_237, %dma_start3A_238] : memref<2x80xi32, #tpu.memory_space<vmem>> -> memref<1x80xi32, #tpu.memory_space<vmem>>
        %dma_start3A_240 = tpu.memref_squeeze %dma_start3A_239 : memref<1x80xi32, #tpu.memory_space<vmem>> -> memref<80xi32, #tpu.memory_space<vmem>>
        %dma_start3A_241 = arith.constant 0 : i32
        %dma_start3A_242 = tpu.memref_slice %arg2[%add3A, %add3A_236, %dma_start3A_241] : memref<32x125x80xi32, #tpu.memory_space<hbm>> -> memref<1x1x80xi32, #tpu.memory_space<hbm>>
        %dma_start3A_243 = tpu.memref_squeeze %dma_start3A_242 : memref<1x1x80xi32, #tpu.memory_space<hbm>> -> memref<80xi32, #tpu.memory_space<hbm>>
        %dma_start3A_244 = arith.constant 0 : i32
        %dma_start3A_245 = tpu.memref_slice %arg7[%dma_start3A_237, %dma_start3A_244] : memref<2x80xi32, #tpu.memory_space<vmem>> -> memref<1x80xi32, #tpu.memory_space<vmem>>
        %dma_start3A_246 = tpu.memref_squeeze %dma_start3A_245 : memref<1x80xi32, #tpu.memory_space<vmem>> -> memref<80xi32, #tpu.memory_space<vmem>>
        %dma_start3A_247 = arith.constant 0 : i32
        %dma_start3A_248 = tpu.memref_slice %arg2[%add3A, %add3A_236, %dma_start3A_247] : memref<32x125x80xi32, #tpu.memory_space<hbm>> -> memref<1x1x80xi32, #tpu.memory_space<hbm>>
        %dma_start3A_249 = tpu.memref_squeeze %dma_start3A_248 : memref<1x1x80xi32, #tpu.memory_space<hbm>> -> memref<80xi32, #tpu.memory_space<hbm>>
        tpu.enqueue_dma source(%dma_start3A_249 : memref<80xi32, #tpu.memory_space<hbm>>) target(%dma_start3A_246 : memref<80xi32, #tpu.memory_space<vmem>>) target_semaphore(%arg15 : memref<!tpu.dma_semaphore, #tpu.memory_space<semaphore_mem>>)
      } else {
      }
      %dma_wait3A_213 = arith.constant 0 : i32
      %dma_wait3A_214 = arith.constant 1 : i32
      %dma_wait3A_215 = arith.constant 0 : i32
      %dma_wait3A_216 = tpu.memref_slice %arg8[%dma_wait3A_214, %dma_wait3A_215] : memref<2x80xi32, #tpu.memory_space<vmem>> -> memref<1x80xi32, #tpu.memory_space<vmem>>
      %dma_wait3A_217 = tpu.memref_squeeze %dma_wait3A_216 : memref<1x80xi32, #tpu.memory_space<vmem>> -> memref<80xi32, #tpu.memory_space<vmem>>
      %dma_wait3A_218 = arith.constant 0 : i32
      %dma_wait3A_219 = tpu.memref_slice %arg3[%add3A, %dma_wait3A_213, %dma_wait3A_218] : memref<32x125x80xi32, #tpu.memory_space<hbm>> -> memref<1x1x80xi32, #tpu.memory_space<hbm>>
      %dma_wait3A_220 = tpu.memref_squeeze %dma_wait3A_219 : memref<1x1x80xi32, #tpu.memory_space<hbm>> -> memref<80xi32, #tpu.memory_space<hbm>>
      %dma_wait3A_221 = arith.constant 0 : i32
      %dma_wait3A_222 = tpu.memref_slice %arg8[%dma_wait3A_214, %dma_wait3A_221] : memref<2x80xi32, #tpu.memory_space<vmem>> -> memref<1x80xi32, #tpu.memory_space<vmem>>
      %dma_wait3A_223 = tpu.memref_squeeze %dma_wait3A_222 : memref<1x80xi32, #tpu.memory_space<vmem>> -> memref<80xi32, #tpu.memory_space<vmem>>
      %dma_wait3A_224 = arith.constant 0 : i32
      %dma_wait3A_225 = tpu.memref_slice %arg3[%add3A, %dma_wait3A_213, %dma_wait3A_224] : memref<32x125x80xi32, #tpu.memory_space<hbm>> -> memref<1x1x80xi32, #tpu.memory_space<hbm>>
      %dma_wait3A_226 = tpu.memref_squeeze %dma_wait3A_225 : memref<1x1x80xi32, #tpu.memory_space<hbm>> -> memref<80xi32, #tpu.memory_space<hbm>>
      tpu.wait_dma2 semaphore(%arg17 : memref<!tpu.dma_semaphore, #tpu.memory_space<semaphore_mem>>) src(%dma_wait3A_226 : memref<80xi32, #tpu.memory_space<hbm>>) dst(%dma_wait3A_223 : memref<80xi32, #tpu.memory_space<vmem>>)
      %run_scoped3A_227 = arith.constant 1 : i32
      "tpu.region"() ({
        %run_scoped3A_235 = tpu.sem_alloc : memref<!tpu.dma_semaphore, #tpu.memory_space<semaphore_mem>>
        %dma_start3A_236 = arith.constant 0 : i32
        %dma_start3A_237 = tpu.memref_slice %arg8[%run_scoped3A_227, %dma_start3A_236] : memref<2x80xi32, #tpu.memory_space<vmem>> -> memref<1x80xi32, #tpu.memory_space<vmem>>
        %dma_start3A_238 = tpu.memref_squeeze %dma_start3A_237 : memref<1x80xi32, #tpu.memory_space<vmem>> -> memref<80xi32, #tpu.memory_space<vmem>>
        %dma_start3A_239 = arith.constant 0 : i32
        %dma_start3A_240 = arith.constant 0 : i32
        %dma_start3A_241 = tpu.memref_slice %arg11[%dma_start3A_239, %dma_start3A_240] : memref<10240x128xf32, #tpu.memory_space<vmem_shared>> -> memref<10240x128xf32, #tpu.memory_space<vmem_shared>>
        tpu.enqueue_indirect_dma source(%arg10 : memref<80x128xf32, #tpu.memory_space<vmem>>) target(%dma_start3A_241 : memref<10240x128xf32, #tpu.memory_space<vmem_shared>>) offsets(%dma_start3A_238 : memref<80xi32, #tpu.memory_space<vmem>>) semaphore(%run_scoped3A_235 : memref<!tpu.dma_semaphore, #tpu.memory_space<semaphore_mem>>) {add = true}
        %dma_wait3A_242 = arith.constant 0 : i32
        %dma_wait3A_243 = tpu.memref_slice %arg8[%run_scoped3A_227, %dma_wait3A_242] : memref<2x80xi32, #tpu.memory_space<vmem>> -> memref<1x80xi32, #tpu.memory_space<vmem>>
        %dma_wait3A_244 = tpu.memref_squeeze %dma_wait3A_243 : memref<1x80xi32, #tpu.memory_space<vmem>> -> memref<80xi32, #tpu.memory_space<vmem>>
        %dma_wait3A_245 = arith.constant 0 : i32
        %dma_wait3A_246 = arith.constant 0 : i32
        %dma_wait3A_247 = tpu.memref_slice %arg11[%dma_wait3A_245, %dma_wait3A_246] : memref<10240x128xf32, #tpu.memory_space<vmem_shared>> -> memref<10240x128xf32, #tpu.memory_space<vmem_shared>>
        tpu.wait_indirect_dma semaphore(%run_scoped3A_235 : memref<!tpu.dma_semaphore, #tpu.memory_space<semaphore_mem>>) src(%arg10 : memref<80x128xf32, #tpu.memory_space<vmem>>) dst(%dma_wait3A_247 : memref<10240x128xf32, #tpu.memory_space<vmem_shared>>)
        tpu.yield
      }) : () -> ()
      %add3A_228 = arith.constant 3 : i32
      %add3A_229 = arith.addi %mul3A_107, %add3A_228 : i32
      %lt3A_230 = arith.constant 125 : i32
      %lt3A_231 = arith.cmpi slt, %add3A_229, %lt3A_230 : i32
      %convert_element_type3A_232 = arith.extui %lt3A_231 : i1 to i32
      %cond3A_233 = arith.constant 0 : i32
      %cond3A_234 = arith.cmpi ne, %convert_element_type3A_232, %cond3A_233 : i32
      scf.if %cond3A_234 {
        %add3A_235 = arith.constant 3 : i32
        %add3A_236 = arith.addi %mul3A_107, %add3A_235 : i32
        %dma_start3A_237 = arith.constant 1 : i32
        %dma_start3A_238 = arith.constant 0 : i32
        %dma_start3A_239 = tpu.memref_slice %arg8[%dma_start3A_237, %dma_start3A_238] : memref<2x80xi32, #tpu.memory_space<vmem>> -> memref<1x80xi32, #tpu.memory_space<vmem>>
        %dma_start3A_240 = tpu.memref_squeeze %dma_start3A_239 : memref<1x80xi32, #tpu.memory_space<vmem>> -> memref<80xi32, #tpu.memory_space<vmem>>
        %dma_start3A_241 = arith.constant 0 : i32
        %dma_start3A_242 = tpu.memref_slice %arg3[%add3A, %add3A_236, %dma_start3A_241] : memref<32x125x80xi32, #tpu.memory_space<hbm>> -> memref<1x1x80xi32, #tpu.memory_space<hbm>>
        %dma_start3A_243 = tpu.memref_squeeze %dma_start3A_242 : memref<1x1x80xi32, #tpu.memory_space<hbm>> -> memref<80xi32, #tpu.memory_space<hbm>>
        %dma_start3A_244 = arith.constant 0 : i32
        %dma_start3A_245 = tpu.memref_slice %arg8[%dma_start3A_237, %dma_start3A_244] : memref<2x80xi32, #tpu.memory_space<vmem>> -> memref<1x80xi32, #tpu.memory_space<vmem>>
        %dma_start3A_246 = tpu.memref_squeeze %dma_start3A_245 : memref<1x80xi32, #tpu.memory_space<vmem>> -> memref<80xi32, #tpu.memory_space<vmem>>
        %dma_start3A_247 = arith.constant 0 : i32
        %dma_start3A_248 = tpu.memref_slice %arg3[%add3A, %add3A_236, %dma_start3A_247] : memref<32x125x80xi32, #tpu.memory_space<hbm>> -> memref<1x1x80xi32, #tpu.memory_space<hbm>>
        %dma_start3A_249 = tpu.memref_squeeze %dma_start3A_248 : memref<1x1x80xi32, #tpu.memory_space<hbm>> -> memref<80xi32, #tpu.memory_space<hbm>>
        tpu.enqueue_dma source(%dma_start3A_249 : memref<80xi32, #tpu.memory_space<hbm>>) target(%dma_start3A_246 : memref<80xi32, #tpu.memory_space<vmem>>) target_semaphore(%arg17 : memref<!tpu.dma_semaphore, #tpu.memory_space<semaphore_mem>>)
      } else {
      }
    }
    %scan3A_82 = arith.constant 62 : i32
    %dma_wait3A_83 = arith.constant 0 : i32
    %dma_wait3A_84 = arith.constant 0 : i32
    %dma_wait3A_85 = tpu.memref_slice %arg7[%dma_wait3A_83, %dma_wait3A_84] : memref<2x80xi32, #tpu.memory_space<vmem>> -> memref<1x80xi32, #tpu.memory_space<vmem>>
    %dma_wait3A_86 = tpu.memref_squeeze %dma_wait3A_85 : memref<1x80xi32, #tpu.memory_space<vmem>> -> memref<80xi32, #tpu.memory_space<vmem>>
    %dma_wait3A_87 = arith.constant 0 : i32
    %dma_wait3A_88 = arith.constant 0 : i32
    %dma_wait3A_89 = tpu.memref_slice %arg4[%dma_wait3A_87, %dma_wait3A_88] : memref<10240x128xf32, #tpu.memory_space<hbm>> -> memref<10240x128xf32, #tpu.memory_space<hbm>>
    tpu.wait_indirect_dma semaphore(%arg12 : memref<!tpu.dma_semaphore, #tpu.memory_space<semaphore_mem>>) src(%dma_wait3A_89 : memref<10240x128xf32, #tpu.memory_space<hbm>>) dst(%arg9 : memref<80x128xf32, #tpu.memory_space<vmem>>)
    %dma_wait3A_90 = arith.constant 0 : i32
    %dma_wait3A_91 = arith.constant 0 : i32
    %dma_wait3A_92 = arith.constant 0 : i32
    %dma_wait3A_93 = tpu.memref_slice %arg8[%dma_wait3A_91, %dma_wait3A_92] : memref<2x80xi32, #tpu.memory_space<vmem>> -> memref<1x80xi32, #tpu.memory_space<vmem>>
    %dma_wait3A_94 = tpu.memref_squeeze %dma_wait3A_93 : memref<1x80xi32, #tpu.memory_space<vmem>> -> memref<80xi32, #tpu.memory_space<vmem>>
    %dma_wait3A_95 = arith.constant 0 : i32
    %dma_wait3A_96 = tpu.memref_slice %arg3[%add3A, %dma_wait3A_90, %dma_wait3A_95] : memref<32x125x80xi32, #tpu.memory_space<hbm>> -> memref<1x1x80xi32, #tpu.memory_space<hbm>>
    %dma_wait3A_97 = tpu.memref_squeeze %dma_wait3A_96 : memref<1x1x80xi32, #tpu.memory_space<hbm>> -> memref<80xi32, #tpu.memory_space<hbm>>
    %dma_wait3A_98 = arith.constant 0 : i32
    %dma_wait3A_99 = tpu.memref_slice %arg8[%dma_wait3A_91, %dma_wait3A_98] : memref<2x80xi32, #tpu.memory_space<vmem>> -> memref<1x80xi32, #tpu.memory_space<vmem>>
    %dma_wait3A_100 = tpu.memref_squeeze %dma_wait3A_99 : memref<1x80xi32, #tpu.memory_space<vmem>> -> memref<80xi32, #tpu.memory_space<vmem>>
    %dma_wait3A_101 = arith.constant 0 : i32
    %dma_wait3A_102 = tpu.memref_slice %arg3[%add3A, %dma_wait3A_90, %dma_wait3A_101] : memref<32x125x80xi32, #tpu.memory_space<hbm>> -> memref<1x1x80xi32, #tpu.memory_space<hbm>>
    %dma_wait3A_103 = tpu.memref_squeeze %dma_wait3A_102 : memref<1x1x80xi32, #tpu.memory_space<hbm>> -> memref<80xi32, #tpu.memory_space<hbm>>
    tpu.wait_dma2 semaphore(%arg16 : memref<!tpu.dma_semaphore, #tpu.memory_space<semaphore_mem>>) src(%dma_wait3A_103 : memref<80xi32, #tpu.memory_space<hbm>>) dst(%dma_wait3A_100 : memref<80xi32, #tpu.memory_space<vmem>>)
    %run_scoped3A = arith.constant 0 : i32
    "tpu.region"() ({
      %run_scoped3A_105 = tpu.sem_alloc : memref<!tpu.dma_semaphore, #tpu.memory_space<semaphore_mem>>
      %dma_start3A_106 = arith.constant 0 : i32
      %dma_start3A_107 = tpu.memref_slice %arg8[%run_scoped3A, %dma_start3A_106] : memref<2x80xi32, #tpu.memory_space<vmem>> -> memref<1x80xi32, #tpu.memory_space<vmem>>
      %dma_start3A_108 = tpu.memref_squeeze %dma_start3A_107 : memref<1x80xi32, #tpu.memory_space<vmem>> -> memref<80xi32, #tpu.memory_space<vmem>>
      %dma_start3A_109 = arith.constant 0 : i32
      %dma_start3A_110 = arith.constant 0 : i32
      %dma_start3A_111 = tpu.memref_slice %arg11[%dma_start3A_109, %dma_start3A_110] : memref<10240x128xf32, #tpu.memory_space<vmem_shared>> -> memref<10240x128xf32, #tpu.memory_space<vmem_shared>>
      tpu.enqueue_indirect_dma source(%arg9 : memref<80x128xf32, #tpu.memory_space<vmem>>) target(%dma_start3A_111 : memref<10240x128xf32, #tpu.memory_space<vmem_shared>>) offsets(%dma_start3A_108 : memref<80xi32, #tpu.memory_space<vmem>>) semaphore(%run_scoped3A_105 : memref<!tpu.dma_semaphore, #tpu.memory_space<semaphore_mem>>) {add = true}
      %dma_wait3A_112 = arith.constant 0 : i32
      %dma_wait3A_113 = tpu.memref_slice %arg8[%run_scoped3A, %dma_wait3A_112] : memref<2x80xi32, #tpu.memory_space<vmem>> -> memref<1x80xi32, #tpu.memory_space<vmem>>
      %dma_wait3A_114 = tpu.memref_squeeze %dma_wait3A_113 : memref<1x80xi32, #tpu.memory_space<vmem>> -> memref<80xi32, #tpu.memory_space<vmem>>
      %dma_wait3A_115 = arith.constant 0 : i32
      %dma_wait3A_116 = arith.constant 0 : i32
      %dma_wait3A_117 = tpu.memref_slice %arg11[%dma_wait3A_115, %dma_wait3A_116] : memref<10240x128xf32, #tpu.memory_space<vmem_shared>> -> memref<10240x128xf32, #tpu.memory_space<vmem_shared>>
      tpu.wait_indirect_dma semaphore(%run_scoped3A_105 : memref<!tpu.dma_semaphore, #tpu.memory_space<semaphore_mem>>) src(%arg9 : memref<80x128xf32, #tpu.memory_space<vmem>>) dst(%dma_wait3A_117 : memref<10240x128xf32, #tpu.memory_space<vmem_shared>>)
      tpu.yield
    }) : () -> ()
    %barrier3A_104 = arith.constant 0 : index
    tpu.barrier barrier_id(%barrier3A_104)
    "tpu.region"() ({
      %run_scoped3A_105 = tpu.sem_alloc : memref<!tpu.dma_semaphore, #tpu.memory_space<semaphore_mem>>
      %dma_start3A_106 = arith.constant 0 : i32
      %dma_start3A_107 = tpu.memref_slice %arg6[%arg0, %mul3A_2, %dma_start3A_106] : memref<2x10240x128xf32, #tpu.memory_space<hbm>> -> memref<1x640x128xf32, #tpu.memory_space<hbm>>
      %dma_start3A_108 = tpu.memref_squeeze %dma_start3A_107 : memref<1x640x128xf32, #tpu.memory_space<hbm>> -> memref<640x128xf32, #tpu.memory_space<hbm>>
      %dma_start3A_109 = arith.constant 0 : i32
      %dma_start3A_110 = tpu.memref_slice %arg11[%mul3A_2, %dma_start3A_109] : memref<10240x128xf32, #tpu.memory_space<vmem_shared>> -> memref<640x128xf32, #tpu.memory_space<vmem_shared>>
      tpu.enqueue_dma source(%dma_start3A_110 : memref<640x128xf32, #tpu.memory_space<vmem_shared>>) target(%dma_start3A_108 : memref<640x128xf32, #tpu.memory_space<hbm>>) target_semaphore(%run_scoped3A_105 : memref<!tpu.dma_semaphore, #tpu.memory_space<semaphore_mem>>)
      %dma_wait3A_111 = arith.constant 0 : i32
      %dma_wait3A_112 = tpu.memref_slice %arg6[%arg0, %mul3A_2, %dma_wait3A_111] : memref<2x10240x128xf32, #tpu.memory_space<hbm>> -> memref<1x640x128xf32, #tpu.memory_space<hbm>>
      %dma_wait3A_113 = tpu.memref_squeeze %dma_wait3A_112 : memref<1x640x128xf32, #tpu.memory_space<hbm>> -> memref<640x128xf32, #tpu.memory_space<hbm>>
      %dma_wait3A_114 = arith.constant 0 : i32
      %dma_wait3A_115 = tpu.memref_slice %arg11[%mul3A_2, %dma_wait3A_114] : memref<10240x128xf32, #tpu.memory_space<vmem_shared>> -> memref<640x128xf32, #tpu.memory_space<vmem_shared>>
      tpu.wait_dma2 semaphore(%run_scoped3A_105 : memref<!tpu.dma_semaphore, #tpu.memory_space<semaphore_mem>>) src(%dma_wait3A_115 : memref<640x128xf32, #tpu.memory_space<vmem_shared>>) dst(%dma_wait3A_113 : memref<640x128xf32, #tpu.memory_space<hbm>>)
      tpu.yield
    }) : () -> ()
    return
  }
}

#map = affine_map<(d0, d1) -> (0, 0, 0)>
#map1 = affine_map<(d0, d1) -> (0, 0)>
module attributes {stable_mosaic.version = 14 : i64} {
  func.func @body(%arg0: i32, %arg1: i32, %arg2: memref<32x125x80xi32, #tpu.memory_space<hbm>>, %arg3: memref<32x125x80xi32, #tpu.memory_space<hbm>>, %arg4: memref<10240x128xf32, #tpu.memory_space<hbm>>, %arg5: memref<10240x128xf32, #tpu.memory_space<hbm>>, %arg6: memref<2x10240x128xf32, #tpu.memory_space<hbm>>, %arg7: memref<2x80xi32, #tpu.memory_space<vmem>>, %arg8: memref<2x80xi32, #tpu.memory_space<vmem>>, %arg9: memref<80x128xf32, #tpu.memory_space<vmem>>, %arg10: memref<80x128xf32, #tpu.memory_space<vmem>>, %arg11: memref<10240x128xf32, #tpu.memory_space<vmem_shared>>, %arg12: memref<!tpu.dma_semaphore, #tpu.memory_space<semaphore_mem>>, %arg13: memref<!tpu.dma_semaphore, #tpu.memory_space<semaphore_mem>>, %arg14: memref<!tpu.dma_semaphore, #tpu.memory_space<semaphore_mem>>, %arg15: memref<!tpu.dma_semaphore, #tpu.memory_space<semaphore_mem>>, %arg16: memref<!tpu.dma_semaphore, #tpu.memory_space<semaphore_mem>>, %arg17: memref<!tpu.dma_semaphore, #tpu.memory_space<semaphore_mem>>) attributes {dimension_semantics = [#tpu.dimension_semantics<core_parallel>, #tpu.dimension_semantics<subcore_parallel>], iteration_bounds = array<i64: 2, 16>, scalar_prefetch = 0 : i64, scratch_operands = 11 : i64, tpu.core_type = #tpu.core_type<sc_vector_subcore>, window_params = [{transform_indices = #map}, {transform_indices = #map}, {transform_indices = #map1}, {transform_indices = #map1}, {transform_indices = #map}]} {
    %mul3A = arith.constant 16 : i32
    %mul3A_0 = arith.muli %arg0, %mul3A : i32
    %add3A = arith.addi %mul3A_0, %arg1 : i32
    %mul3A_1 = arith.constant 640 : i32
    %mul3A_2 = arith.muli %arg1, %mul3A_1 : i32
    "tpu.region"() ({
      %run_scoped3A_105 = tpu.sem_alloc : memref<!tpu.dma_semaphore, #tpu.memory_space<semaphore_mem>>
      %dma_start3A_106 = arith.constant 0 : i32
      %dma_start3A_107 = tpu.memref_slice %arg11[%mul3A_2, %dma_start3A_106] : memref<10240x128xf32, #tpu.memory_space<vmem_shared>> -> memref<640x128xf32, #tpu.memory_space<vmem_shared>>
      %dma_start3A_108 = arith.constant 0 : i32
      %dma_start3A_109 = tpu.memref_slice %arg5[%mul3A_2, %dma_start3A_108] : memref<10240x128xf32, #tpu.memory_space<hbm>> -> memref<640x128xf32, #tpu.memory_space<hbm>>
      tpu.enqueue_dma source(%dma_start3A_109 : memref<640x128xf32, #tpu.memory_space<hbm>>) target(%dma_start3A_107 : memref<640x128xf32, #tpu.memory_space<vmem_shared>>) target_semaphore(%run_scoped3A_105 : memref<!tpu.dma_semaphore, #tpu.memory_space<semaphore_mem>>)
      %dma_wait3A_110 = arith.constant 0 : i32
      %dma_wait3A_111 = tpu.memref_slice %arg11[%mul3A_2, %dma_wait3A_110] : memref<10240x128xf32, #tpu.memory_space<vmem_shared>> -> memref<640x128xf32, #tpu.memory_space<vmem_shared>>
      %dma_wait3A_112 = arith.constant 0 : i32
      %dma_wait3A_113 = tpu.memref_slice %arg5[%mul3A_2, %dma_wait3A_112] : memref<10240x128xf32, #tpu.memory_space<hbm>> -> memref<640x128xf32, #tpu.memory_space<hbm>>
      tpu.wait_dma2 semaphore(%run_scoped3A_105 : memref<!tpu.dma_semaphore, #tpu.memory_space<semaphore_mem>>) src(%dma_wait3A_113 : memref<640x128xf32, #tpu.memory_space<hbm>>) dst(%dma_wait3A_111 : memref<640x128xf32, #tpu.memory_space<vmem_shared>>)
      tpu.yield
    }) : () -> ()
    %dma_start3A = arith.constant 0 : i32
    %dma_start3A_3 = arith.constant 0 : i32
    %dma_start3A_4 = arith.constant 0 : i32
    %dma_start3A_5 = tpu.memref_slice %arg7[%dma_start3A_3, %dma_start3A_4] : memref<2x80xi32, #tpu.memory_space<vmem>> -> memref<1x80xi32, #tpu.memory_space<vmem>>
    %dma_start3A_6 = tpu.memref_squeeze %dma_start3A_5 : memref<1x80xi32, #tpu.memory_space<vmem>> -> memref<80xi32, #tpu.memory_space<vmem>>
    %dma_start3A_7 = arith.constant 0 : i32
    %dma_start3A_8 = tpu.memref_slice %arg2[%add3A, %dma_start3A, %dma_start3A_7] : memref<32x125x80xi32, #tpu.memory_space<hbm>> -> memref<1x1x80xi32, #tpu.memory_space<hbm>>
    %dma_start3A_9 = tpu.memref_squeeze %dma_start3A_8 : memref<1x1x80xi32, #tpu.memory_space<hbm>> -> memref<80xi32, #tpu.memory_space<hbm>>
    %dma_start3A_10 = arith.constant 0 : i32
    %dma_start3A_11 = tpu.memref_slice %arg7[%dma_start3A_3, %dma_start3A_10] : memref<2x80xi32, #tpu.memory_space<vmem>> -> memref<1x80xi32, #tpu.memory_space<vmem>>
    %dma_start3A_12 = tpu.memref_squeeze %dma_start3A_11 : memref<1x80xi32, #tpu.memory_space<vmem>> -> memref<80xi32, #tpu.memory_space<vmem>>
    %dma_start3A_13 = arith.constant 0 : i32
    %dma_start3A_14 = tpu.memref_slice %arg2[%add3A, %dma_start3A, %dma_start3A_13] : memref<32x125x80xi32, #tpu.memory_space<hbm>> -> memref<1x1x80xi32, #tpu.memory_space<hbm>>
    %dma_start3A_15 = tpu.memref_squeeze %dma_start3A_14 : memref<1x1x80xi32, #tpu.memory_space<hbm>> -> memref<80xi32, #tpu.memory_space<hbm>>
    tpu.enqueue_dma source(%dma_start3A_15 : memref<80xi32, #tpu.memory_space<hbm>>) target(%dma_start3A_12 : memref<80xi32, #tpu.memory_space<vmem>>) target_semaphore(%arg14 : memref<!tpu.dma_semaphore, #tpu.memory_space<semaphore_mem>>)
    %dma_start3A_16 = arith.constant 0 : i32
    %dma_start3A_17 = arith.constant 0 : i32
    %dma_start3A_18 = arith.constant 0 : i32
    %dma_start3A_19 = tpu.memref_slice %arg8[%dma_start3A_17, %dma_start3A_18] : memref<2x80xi32, #tpu.memory_space<vmem>> -> memref<1x80xi32, #tpu.memory_space<vmem>>
    %dma_start3A_20 = tpu.memref_squeeze %dma_start3A_19 : memref<1x80xi32, #tpu.memory_space<vmem>> -> memref<80xi32, #tpu.memory_space<vmem>>
    %dma_start3A_21 = arith.constant 0 : i32
    %dma_start3A_22 = tpu.memref_slice %arg3[%add3A, %dma_start3A_16, %dma_start3A_21] : memref<32x125x80xi32, #tpu.memory_space<hbm>> -> memref<1x1x80xi32, #tpu.memory_space<hbm>>
    %dma_start3A_23 = tpu.memref_squeeze %dma_start3A_22 : memref<1x1x80xi32, #tpu.memory_space<hbm>> -> memref<80xi32, #tpu.memory_space<hbm>>
    %dma_start3A_24 = arith.constant 0 : i32
    %dma_start3A_25 = tpu.memref_slice %arg8[%dma_start3A_17, %dma_start3A_24] : memref<2x80xi32, #tpu.memory_space<vmem>> -> memref<1x80xi32, #tpu.memory_space<vmem>>
    %dma_start3A_26 = tpu.memref_squeeze %dma_start3A_25 : memref<1x80xi32, #tpu.memory_space<vmem>> -> memref<80xi32, #tpu.memory_space<vmem>>
    %dma_start3A_27 = arith.constant 0 : i32
    %dma_start3A_28 = tpu.memref_slice %arg3[%add3A, %dma_start3A_16, %dma_start3A_27] : memref<32x125x80xi32, #tpu.memory_space<hbm>> -> memref<1x1x80xi32, #tpu.memory_space<hbm>>
    %dma_start3A_29 = tpu.memref_squeeze %dma_start3A_28 : memref<1x1x80xi32, #tpu.memory_space<hbm>> -> memref<80xi32, #tpu.memory_space<hbm>>
    tpu.enqueue_dma source(%dma_start3A_29 : memref<80xi32, #tpu.memory_space<hbm>>) target(%dma_start3A_26 : memref<80xi32, #tpu.memory_space<vmem>>) target_semaphore(%arg16 : memref<!tpu.dma_semaphore, #tpu.memory_space<semaphore_mem>>)
    %dma_start3A_30 = arith.constant 1 : i32
    %dma_start3A_31 = arith.constant 1 : i32
    %dma_start3A_32 = arith.constant 0 : i32
    %dma_start3A_33 = tpu.memref_slice %arg7[%dma_start3A_31, %dma_start3A_32] : memref<2x80xi32, #tpu.memory_space<vmem>> -> memref<1x80xi32, #tpu.memory_space<vmem>>
    %dma_start3A_34 = tpu.memref_squeeze %dma_start3A_33 : memref<1x80xi32, #tpu.memory_space<vmem>> -> memref<80xi32, #tpu.memory_space<vmem>>
    %dma_start3A_35 = arith.constant 0 : i32
    %dma_start3A_36 = tpu.memref_slice %arg2[%add3A, %dma_start3A_30, %dma_start3A_35] : memref<32x125x80xi32, #tpu.memory_space<hbm>> -> memref<1x1x80xi32, #tpu.memory_space<hbm>>
    %dma_start3A_37 = tpu.memref_squeeze %dma_start3A_36 : memref<1x1x80xi32, #tpu.memory_space<hbm>> -> memref<80xi32, #tpu.memory_space<hbm>>
    %dma_start3A_38 = arith.constant 0 : i32
    %dma_start3A_39 = tpu.memref_slice %arg7[%dma_start3A_31, %dma_start3A_38] : memref<2x80xi32, #tpu.memory_space<vmem>> -> memref<1x80xi32, #tpu.memory_space<vmem>>
    %dma_start3A_40 = tpu.memref_squeeze %dma_start3A_39 : memref<1x80xi32, #tpu.memory_space<vmem>> -> memref<80xi32, #tpu.memory_space<vmem>>
    %dma_start3A_41 = arith.constant 0 : i32
    %dma_start3A_42 = tpu.memref_slice %arg2[%add3A, %dma_start3A_30, %dma_start3A_41] : memref<32x125x80xi32, #tpu.memory_space<hbm>> -> memref<1x1x80xi32, #tpu.memory_space<hbm>>
    %dma_start3A_43 = tpu.memref_squeeze %dma_start3A_42 : memref<1x1x80xi32, #tpu.memory_space<hbm>> -> memref<80xi32, #tpu.memory_space<hbm>>
    tpu.enqueue_dma source(%dma_start3A_43 : memref<80xi32, #tpu.memory_space<hbm>>) target(%dma_start3A_40 : memref<80xi32, #tpu.memory_space<vmem>>) target_semaphore(%arg15 : memref<!tpu.dma_semaphore, #tpu.memory_space<semaphore_mem>>)
    %dma_start3A_44 = arith.constant 1 : i32
    %dma_start3A_45 = arith.constant 1 : i32
    %dma_start3A_46 = arith.constant 0 : i32
    %dma_start3A_47 = tpu.memref_slice %arg8[%dma_start3A_45, %dma_start3A_46] : memref<2x80xi32, #tpu.memory_space<vmem>> -> memref<1x80xi32, #tpu.memory_space<vmem>>
    %dma_start3A_48 = tpu.memref_squeeze %dma_start3A_47 : memref<1x80xi32, #tpu.memory_space<vmem>> -> memref<80xi32, #tpu.memory_space<vmem>>
    %dma_start3A_49 = arith.constant 0 : i32
    %dma_start3A_50 = tpu.memref_slice %arg3[%add3A, %dma_start3A_44, %dma_start3A_49] : memref<32x125x80xi32, #tpu.memory_space<hbm>> -> memref<1x1x80xi32, #tpu.memory_space<hbm>>
    %dma_start3A_51 = tpu.memref_squeeze %dma_start3A_50 : memref<1x1x80xi32, #tpu.memory_space<hbm>> -> memref<80xi32, #tpu.memory_space<hbm>>
    %dma_start3A_52 = arith.constant 0 : i32
    %dma_start3A_53 = tpu.memref_slice %arg8[%dma_start3A_45, %dma_start3A_52] : memref<2x80xi32, #tpu.memory_space<vmem>> -> memref<1x80xi32, #tpu.memory_space<vmem>>
    %dma_start3A_54 = tpu.memref_squeeze %dma_start3A_53 : memref<1x80xi32, #tpu.memory_space<vmem>> -> memref<80xi32, #tpu.memory_space<vmem>>
    %dma_start3A_55 = arith.constant 0 : i32
    %dma_start3A_56 = tpu.memref_slice %arg3[%add3A, %dma_start3A_44, %dma_start3A_55] : memref<32x125x80xi32, #tpu.memory_space<hbm>> -> memref<1x1x80xi32, #tpu.memory_space<hbm>>
    %dma_start3A_57 = tpu.memref_squeeze %dma_start3A_56 : memref<1x1x80xi32, #tpu.memory_space<hbm>> -> memref<80xi32, #tpu.memory_space<hbm>>
    tpu.enqueue_dma source(%dma_start3A_57 : memref<80xi32, #tpu.memory_space<hbm>>) target(%dma_start3A_54 : memref<80xi32, #tpu.memory_space<vmem>>) target_semaphore(%arg17 : memref<!tpu.dma_semaphore, #tpu.memory_space<semaphore_mem>>)
    %dma_wait3A = arith.constant 0 : i32
    %dma_wait3A_58 = arith.constant 0 : i32
    %dma_wait3A_59 = arith.constant 0 : i32
    %dma_wait3A_60 = tpu.memref_slice %arg7[%dma_wait3A_58, %dma_wait3A_59] : memref<2x80xi32, #tpu.memory_space<vmem>> -> memref<1x80xi32, #tpu.memory_space<vmem>>
    %dma_wait3A_61 = tpu.memref_squeeze %dma_wait3A_60 : memref<1x80xi32, #tpu.memory_space<vmem>> -> memref<80xi32, #tpu.memory_space<vmem>>
    %dma_wait3A_62 = arith.constant 0 : i32
    %dma_wait3A_63 = tpu.memref_slice %arg2[%add3A, %dma_wait3A, %dma_wait3A_62] : memref<32x125x80xi32, #tpu.memory_space<hbm>> -> memref<1x1x80xi32, #tpu.memory_space<hbm>>
    %dma_wait3A_64 = tpu.memref_squeeze %dma_wait3A_63 : memref<1x1x80xi32, #tpu.memory_space<hbm>> -> memref<80xi32, #tpu.memory_space<hbm>>
    %dma_wait3A_65 = arith.constant 0 : i32
    %dma_wait3A_66 = tpu.memref_slice %arg7[%dma_wait3A_58, %dma_wait3A_65] : memref<2x80xi32, #tpu.memory_space<vmem>> -> memref<1x80xi32, #tpu.memory_space<vmem>>
    %dma_wait3A_67 = tpu.memref_squeeze %dma_wait3A_66 : memref<1x80xi32, #tpu.memory_space<vmem>> -> memref<80xi32, #tpu.memory_space<vmem>>
    %dma_wait3A_68 = arith.constant 0 : i32
    %dma_wait3A_69 = tpu.memref_slice %arg2[%add3A, %dma_wait3A, %dma_wait3A_68] : memref<32x125x80xi32, #tpu.memory_space<hbm>> -> memref<1x1x80xi32, #tpu.memory_space<hbm>>
    %dma_wait3A_70 = tpu.memref_squeeze %dma_wait3A_69 : memref<1x1x80xi32, #tpu.memory_space<hbm>> -> memref<80xi32, #tpu.memory_space<hbm>>
    tpu.wait_dma2 semaphore(%arg14 : memref<!tpu.dma_semaphore, #tpu.memory_space<semaphore_mem>>) src(%dma_wait3A_70 : memref<80xi32, #tpu.memory_space<hbm>>) dst(%dma_wait3A_67 : memref<80xi32, #tpu.memory_space<vmem>>)
    %dma_start3A_71 = arith.constant 0 : i32
    %dma_start3A_72 = arith.constant 0 : i32
    %dma_start3A_73 = tpu.memref_slice %arg7[%dma_start3A_71, %dma_start3A_72] : memref<2x80xi32, #tpu.memory_space<vmem>> -> memref<1x80xi32, #tpu.memory_space<vmem>>
    %dma_start3A_74 = tpu.memref_squeeze %dma_start3A_73 : memref<1x80xi32, #tpu.memory_space<vmem>> -> memref<80xi32, #tpu.memory_space<vmem>>
    %dma_start3A_75 = arith.constant 0 : i32
    %dma_start3A_76 = arith.constant 0 : i32
    %dma_start3A_77 = tpu.memref_slice %arg4[%dma_start3A_75, %dma_start3A_76] : memref<10240x128xf32, #tpu.memory_space<hbm>> -> memref<10240x128xf32, #tpu.memory_space<hbm>>
    tpu.enqueue_indirect_dma source(%dma_start3A_77 : memref<10240x128xf32, #tpu.memory_space<hbm>>) target(%arg9 : memref<80x128xf32, #tpu.memory_space<vmem>>) offsets(%dma_start3A_74 : memref<80xi32, #tpu.memory_space<vmem>>) semaphore(%arg12 : memref<!tpu.dma_semaphore, #tpu.memory_space<semaphore_mem>>)
    %barrier3A = arith.constant 0 : index
    tpu.barrier barrier_id(%barrier3A)
    %scan3A = arith.constant 0 : i32
    %scan3A_78 = arith.constant 0 : i32
    %scan3A_79 = arith.constant 62 : i32
    %scan3A_80 = arith.addi %scan3A_78, %scan3A_79 : i32
    %scan3A_81 = arith.constant 1 : i32
    scf.for %scan3A_105 = %scan3A_78 to %scan3A_80 step %scan3A_81  : i32 {
      %mul3A_106 = arith.constant 2 : i32
      %mul3A_107 = arith.muli %mul3A_106, %scan3A_105 : i32
      %dma_wait3A_108 = arith.constant 0 : i32
      %dma_wait3A_109 = arith.constant 1 : i32
      %dma_wait3A_110 = arith.constant 0 : i32
      %dma_wait3A_111 = tpu.memref_slice %arg7[%dma_wait3A_109, %dma_wait3A_110] : memref<2x80xi32, #tpu.memory_space<vmem>> -> memref<1x80xi32, #tpu.memory_space<vmem>>
      %dma_wait3A_112 = tpu.memref_squeeze %dma_wait3A_111 : memref<1x80xi32, #tpu.memory_space<vmem>> -> memref<80xi32, #tpu.memory_space<vmem>>
      %dma_wait3A_113 = arith.constant 0 : i32
      %dma_wait3A_114 = tpu.memref_slice %arg2[%add3A, %dma_wait3A_108, %dma_wait3A_113] : memref<32x125x80xi32, #tpu.memory_space<hbm>> -> memref<1x1x80xi32, #tpu.memory_space<hbm>>
      %dma_wait3A_115 = tpu.memref_squeeze %dma_wait3A_114 : memref<1x1x80xi32, #tpu.memory_space<hbm>> -> memref<80xi32, #tpu.memory_space<hbm>>
      %dma_wait3A_116 = arith.constant 0 : i32
      %dma_wait3A_117 = tpu.memref_slice %arg7[%dma_wait3A_109, %dma_wait3A_116] : memref<2x80xi32, #tpu.memory_space<vmem>> -> memref<1x80xi32, #tpu.memory_space<vmem>>
      %dma_wait3A_118 = tpu.memref_squeeze %dma_wait3A_117 : memref<1x80xi32, #tpu.memory_space<vmem>> -> memref<80xi32, #tpu.memory_space<vmem>>
      %dma_wait3A_119 = arith.constant 0 : i32
      %dma_wait3A_120 = tpu.memref_slice %arg2[%add3A, %dma_wait3A_108, %dma_wait3A_119] : memref<32x125x80xi32, #tpu.memory_space<hbm>> -> memref<1x1x80xi32, #tpu.memory_space<hbm>>
      %dma_wait3A_121 = tpu.memref_squeeze %dma_wait3A_120 : memref<1x1x80xi32, #tpu.memory_space<hbm>> -> memref<80xi32, #tpu.memory_space<hbm>>
      tpu.wait_dma2 semaphore(%arg15 : memref<!tpu.dma_semaphore, #tpu.memory_space<semaphore_mem>>) src(%dma_wait3A_121 : memref<80xi32, #tpu.memory_space<hbm>>) dst(%dma_wait3A_118 : memref<80xi32, #tpu.memory_space<vmem>>)
      %dma_start3A_122 = arith.constant 1 : i32
      %dma_start3A_123 = arith.constant 0 : i32
      %dma_start3A_124 = tpu.memref_slice %arg7[%dma_start3A_122, %dma_start3A_123] : memref<2x80xi32, #tpu.memory_space<vmem>> -> memref<1x80xi32, #tpu.memory_space<vmem>>
      %dma_start3A_125 = tpu.memref_squeeze %dma_start3A_124 : memref<1x80xi32, #tpu.memory_space<vmem>> -> memref<80xi32, #tpu.memory_space<vmem>>
      %dma_start3A_126 = arith.constant 0 : i32
      %dma_start3A_127 = arith.constant 0 : i32
      %dma_start3A_128 = tpu.memref_slice %arg4[%dma_start3A_126, %dma_start3A_127] : memref<10240x128xf32, #tpu.memory_space<hbm>> -> memref<10240x128xf32, #tpu.memory_space<hbm>>
      tpu.enqueue_indirect_dma source(%dma_start3A_128 : memref<10240x128xf32, #tpu.memory_space<hbm>>) target(%arg10 : memref<80x128xf32, #tpu.memory_space<vmem>>) offsets(%dma_start3A_125 : memref<80xi32, #tpu.memory_space<vmem>>) semaphore(%arg13 : memref<!tpu.dma_semaphore, #tpu.memory_space<semaphore_mem>>)
      %dma_wait3A_129 = arith.constant 0 : i32
      %dma_wait3A_130 = arith.constant 0 : i32
      %dma_wait3A_131 = tpu.memref_slice %arg7[%dma_wait3A_129, %dma_wait3A_130] : memref<2x80xi32, #tpu.memory_space<vmem>> -> memref<1x80xi32, #tpu.memory_space<vmem>>
      %dma_wait3A_132 = tpu.memref_squeeze %dma_wait3A_131 : memref<1x80xi32, #tpu.memory_space<vmem>> -> memref<80xi32, #tpu.memory_space<vmem>>
      %dma_wait3A_133 = arith.constant 0 : i32
      %dma_wait3A_134 = arith.constant 0 : i32
      %dma_wait3A_135 = tpu.memref_slice %arg4[%dma_wait3A_133, %dma_wait3A_134] : memref<10240x128xf32, #tpu.memory_space<hbm>> -> memref<10240x128xf32, #tpu.memory_space<hbm>>
      tpu.wait_indirect_dma semaphore(%arg12 : memref<!tpu.dma_semaphore, #tpu.memory_space<semaphore_mem>>) src(%dma_wait3A_135 : memref<10240x128xf32, #tpu.memory_space<hbm>>) dst(%arg9 : memref<80x128xf32, #tpu.memory_space<vmem>>)
      %add3A_136 = arith.constant 2 : i32
      %add3A_137 = arith.addi %mul3A_107, %add3A_136 : i32
      %dma_start3A_138 = arith.constant 0 : i32
      %dma_start3A_139 = arith.constant 0 : i32
      %dma_start3A_140 = tpu.memref_slice %arg7[%dma_start3A_138, %dma_start3A_139] : memref<2x80xi32, #tpu.memory_space<vmem>> -> memref<1x80xi32, #tpu.memory_space<vmem>>
      %dma_start3A_141 = tpu.memref_squeeze %dma_start3A_140 : memref<1x80xi32, #tpu.memory_space<vmem>> -> memref<80xi32, #tpu.memory_space<vmem>>
      %dma_start3A_142 = arith.constant 0 : i32
      %dma_start3A_143 = tpu.memref_slice %arg2[%add3A, %add3A_137, %dma_start3A_142] : memref<32x125x80xi32, #tpu.memory_space<hbm>> -> memref<1x1x80xi32, #tpu.memory_space<hbm>>
      %dma_start3A_144 = tpu.memref_squeeze %dma_start3A_143 : memref<1x1x80xi32, #tpu.memory_space<hbm>> -> memref<80xi32, #tpu.memory_space<hbm>>
      %dma_start3A_145 = arith.constant 0 : i32
      %dma_start3A_146 = tpu.memref_slice %arg7[%dma_start3A_138, %dma_start3A_145] : memref<2x80xi32, #tpu.memory_space<vmem>> -> memref<1x80xi32, #tpu.memory_space<vmem>>
      %dma_start3A_147 = tpu.memref_squeeze %dma_start3A_146 : memref<1x80xi32, #tpu.memory_space<vmem>> -> memref<80xi32, #tpu.memory_space<vmem>>
      %dma_start3A_148 = arith.constant 0 : i32
      %dma_start3A_149 = tpu.memref_slice %arg2[%add3A, %add3A_137, %dma_start3A_148] : memref<32x125x80xi32, #tpu.memory_space<hbm>> -> memref<1x1x80xi32, #tpu.memory_space<hbm>>
      %dma_start3A_150 = tpu.memref_squeeze %dma_start3A_149 : memref<1x1x80xi32, #tpu.memory_space<hbm>> -> memref<80xi32, #tpu.memory_space<hbm>>
      tpu.enqueue_dma source(%dma_start3A_150 : memref<80xi32, #tpu.memory_space<hbm>>) target(%dma_start3A_147 : memref<80xi32, #tpu.memory_space<vmem>>) target_semaphore(%arg14 : memref<!tpu.dma_semaphore, #tpu.memory_space<semaphore_mem>>)
      %dma_wait3A_151 = arith.constant 0 : i32
      %dma_wait3A_152 = arith.constant 0 : i32
      %dma_wait3A_153 = arith.constant 0 : i32
      %dma_wait3A_154 = tpu.memref_slice %arg8[%dma_wait3A_152, %dma_wait3A_153] : memref<2x80xi32, #tpu.memory_space<vmem>> -> memref<1x80xi32, #tpu.memory_space<vmem>>
      %dma_wait3A_155 = tpu.memref_squeeze %dma_wait3A_154 : memref<1x80xi32, #tpu.memory_space<vmem>> -> memref<80xi32, #tpu.memory_space<vmem>>
      %dma_wait3A_156 = arith.constant 0 : i32
      %dma_wait3A_157 = tpu.memref_slice %arg3[%add3A, %dma_wait3A_151, %dma_wait3A_156] : memref<32x125x80xi32, #tpu.memory_space<hbm>> -> memref<1x1x80xi32, #tpu.memory_space<hbm>>
      %dma_wait3A_158 = tpu.memref_squeeze %dma_wait3A_157 : memref<1x1x80xi32, #tpu.memory_space<hbm>> -> memref<80xi32, #tpu.memory_space<hbm>>
      %dma_wait3A_159 = arith.constant 0 : i32
      %dma_wait3A_160 = tpu.memref_slice %arg8[%dma_wait3A_152, %dma_wait3A_159] : memref<2x80xi32, #tpu.memory_space<vmem>> -> memref<1x80xi32, #tpu.memory_space<vmem>>
      %dma_wait3A_161 = tpu.memref_squeeze %dma_wait3A_160 : memref<1x80xi32, #tpu.memory_space<vmem>> -> memref<80xi32, #tpu.memory_space<vmem>>
      %dma_wait3A_162 = arith.constant 0 : i32
      %dma_wait3A_163 = tpu.memref_slice %arg3[%add3A, %dma_wait3A_151, %dma_wait3A_162] : memref<32x125x80xi32, #tpu.memory_space<hbm>> -> memref<1x1x80xi32, #tpu.memory_space<hbm>>
      %dma_wait3A_164 = tpu.memref_squeeze %dma_wait3A_163 : memref<1x1x80xi32, #tpu.memory_space<hbm>> -> memref<80xi32, #tpu.memory_space<hbm>>
      tpu.wait_dma2 semaphore(%arg16 : memref<!tpu.dma_semaphore, #tpu.memory_space<semaphore_mem>>) src(%dma_wait3A_164 : memref<80xi32, #tpu.memory_space<hbm>>) dst(%dma_wait3A_161 : memref<80xi32, #tpu.memory_space<vmem>>)
      %run_scoped3A_165 = arith.constant 0 : i32
      "tpu.region"() ({
        %run_scoped3A_235 = tpu.sem_alloc : memref<!tpu.dma_semaphore, #tpu.memory_space<semaphore_mem>>
        %dma_start3A_236 = arith.constant 0 : i32
        %dma_start3A_237 = tpu.memref_slice %arg8[%run_scoped3A_165, %dma_start3A_236] : memref<2x80xi32, #tpu.memory_space<vmem>> -> memref<1x80xi32, #tpu.memory_space<vmem>>
        %dma_start3A_238 = tpu.memref_squeeze %dma_start3A_237 : memref<1x80xi32, #tpu.memory_space<vmem>> -> memref<80xi32, #tpu.memory_space<vmem>>
        %dma_start3A_239 = arith.constant 0 : i32
        %dma_start3A_240 = arith.constant 0 : i32
        %dma_start3A_241 = tpu.memref_slice %arg11[%dma_start3A_239, %dma_start3A_240] : memref<10240x128xf32, #tpu.memory_space<vmem_shared>> -> memref<10240x128xf32, #tpu.memory_space<vmem_shared>>
        tpu.enqueue_indirect_dma source(%arg9 : memref<80x128xf32, #tpu.memory_space<vmem>>) target(%dma_start3A_241 : memref<10240x128xf32, #tpu.memory_space<vmem_shared>>) offsets(%dma_start3A_238 : memref<80xi32, #tpu.memory_space<vmem>>) semaphore(%run_scoped3A_235 : memref<!tpu.dma_semaphore, #tpu.memory_space<semaphore_mem>>) {add = true}
        %dma_wait3A_242 = arith.constant 0 : i32
        %dma_wait3A_243 = tpu.memref_slice %arg8[%run_scoped3A_165, %dma_wait3A_242] : memref<2x80xi32, #tpu.memory_space<vmem>> -> memref<1x80xi32, #tpu.memory_space<vmem>>
        %dma_wait3A_244 = tpu.memref_squeeze %dma_wait3A_243 : memref<1x80xi32, #tpu.memory_space<vmem>> -> memref<80xi32, #tpu.memory_space<vmem>>
        %dma_wait3A_245 = arith.constant 0 : i32
        %dma_wait3A_246 = arith.constant 0 : i32
        %dma_wait3A_247 = tpu.memref_slice %arg11[%dma_wait3A_245, %dma_wait3A_246] : memref<10240x128xf32, #tpu.memory_space<vmem_shared>> -> memref<10240x128xf32, #tpu.memory_space<vmem_shared>>
        tpu.wait_indirect_dma semaphore(%run_scoped3A_235 : memref<!tpu.dma_semaphore, #tpu.memory_space<semaphore_mem>>) src(%arg9 : memref<80x128xf32, #tpu.memory_space<vmem>>) dst(%dma_wait3A_247 : memref<10240x128xf32, #tpu.memory_space<vmem_shared>>)
        tpu.yield
      }) : () -> ()
      %add3A_166 = arith.constant 2 : i32
      %add3A_167 = arith.addi %mul3A_107, %add3A_166 : i32
      %dma_start3A_168 = arith.constant 0 : i32
      %dma_start3A_169 = arith.constant 0 : i32
      %dma_start3A_170 = tpu.memref_slice %arg8[%dma_start3A_168, %dma_start3A_169] : memref<2x80xi32, #tpu.memory_space<vmem>> -> memref<1x80xi32, #tpu.memory_space<vmem>>
      %dma_start3A_171 = tpu.memref_squeeze %dma_start3A_170 : memref<1x80xi32, #tpu.memory_space<vmem>> -> memref<80xi32, #tpu.memory_space<vmem>>
      %dma_start3A_172 = arith.constant 0 : i32
      %dma_start3A_173 = tpu.memref_slice %arg3[%add3A, %add3A_167, %dma_start3A_172] : memref<32x125x80xi32, #tpu.memory_space<hbm>> -> memref<1x1x80xi32, #tpu.memory_space<hbm>>
      %dma_start3A_174 = tpu.memref_squeeze %dma_start3A_173 : memref<1x1x80xi32, #tpu.memory_space<hbm>> -> memref<80xi32, #tpu.memory_space<hbm>>
      %dma_start3A_175 = arith.constant 0 : i32
      %dma_start3A_176 = tpu.memref_slice %arg8[%dma_start3A_168, %dma_start3A_175] : memref<2x80xi32, #tpu.memory_space<vmem>> -> memref<1x80xi32, #tpu.memory_space<vmem>>
      %dma_start3A_177 = tpu.memref_squeeze %dma_start3A_176 : memref<1x80xi32, #tpu.memory_space<vmem>> -> memref<80xi32, #tpu.memory_space<vmem>>
      %dma_start3A_178 = arith.constant 0 : i32
      %dma_start3A_179 = tpu.memref_slice %arg3[%add3A, %add3A_167, %dma_start3A_178] : memref<32x125x80xi32, #tpu.memory_space<hbm>> -> memref<1x1x80xi32, #tpu.memory_space<hbm>>
      %dma_start3A_180 = tpu.memref_squeeze %dma_start3A_179 : memref<1x1x80xi32, #tpu.memory_space<hbm>> -> memref<80xi32, #tpu.memory_space<hbm>>
      tpu.enqueue_dma source(%dma_start3A_180 : memref<80xi32, #tpu.memory_space<hbm>>) target(%dma_start3A_177 : memref<80xi32, #tpu.memory_space<vmem>>) target_semaphore(%arg16 : memref<!tpu.dma_semaphore, #tpu.memory_space<semaphore_mem>>)
      %dma_wait3A_181 = arith.constant 0 : i32
      %dma_wait3A_182 = arith.constant 0 : i32
      %dma_wait3A_183 = arith.constant 0 : i32
      %dma_wait3A_184 = tpu.memref_slice %arg7[%dma_wait3A_182, %dma_wait3A_183] : memref<2x80xi32, #tpu.memory_space<vmem>> -> memref<1x80xi32, #tpu.memory_space<vmem>>
      %dma_wait3A_185 = tpu.memref_squeeze %dma_wait3A_184 : memref<1x80xi32, #tpu.memory_space<vmem>> -> memref<80xi32, #tpu.memory_space<vmem>>
      %dma_wait3A_186 = arith.constant 0 : i32
      %dma_wait3A_187 = tpu.memref_slice %arg2[%add3A, %dma_wait3A_181, %dma_wait3A_186] : memref<32x125x80xi32, #tpu.memory_space<hbm>> -> memref<1x1x80xi32, #tpu.memory_space<hbm>>
      %dma_wait3A_188 = tpu.memref_squeeze %dma_wait3A_187 : memref<1x1x80xi32, #tpu.memory_space<hbm>> -> memref<80xi32, #tpu.memory_space<hbm>>
      %dma_wait3A_189 = arith.constant 0 : i32
      %dma_wait3A_190 = tpu.memref_slice %arg7[%dma_wait3A_182, %dma_wait3A_189] : memref<2x80xi32, #tpu.memory_space<vmem>> -> memref<1x80xi32, #tpu.memory_space<vmem>>
      %dma_wait3A_191 = tpu.memref_squeeze %dma_wait3A_190 : memref<1x80xi32, #tpu.memory_space<vmem>> -> memref<80xi32, #tpu.memory_space<vmem>>
      %dma_wait3A_192 = arith.constant 0 : i32
      %dma_wait3A_193 = tpu.memref_slice %arg2[%add3A, %dma_wait3A_181, %dma_wait3A_192] : memref<32x125x80xi32, #tpu.memory_space<hbm>> -> memref<1x1x80xi32, #tpu.memory_space<hbm>>
      %dma_wait3A_194 = tpu.memref_squeeze %dma_wait3A_193 : memref<1x1x80xi32, #tpu.memory_space<hbm>> -> memref<80xi32, #tpu.memory_space<hbm>>
      tpu.wait_dma2 semaphore(%arg14 : memref<!tpu.dma_semaphore, #tpu.memory_space<semaphore_mem>>) src(%dma_wait3A_194 : memref<80xi32, #tpu.memory_space<hbm>>) dst(%dma_wait3A_191 : memref<80xi32, #tpu.memory_space<vmem>>)
      %dma_start3A_195 = arith.constant 0 : i32
      %dma_start3A_196 = arith.constant 0 : i32
      %dma_start3A_197 = tpu.memref_slice %arg7[%dma_start3A_195, %dma_start3A_196] : memref<2x80xi32, #tpu.memory_space<vmem>> -> memref<1x80xi32, #tpu.memory_space<vmem>>
      %dma_start3A_198 = tpu.memref_squeeze %dma_start3A_197 : memref<1x80xi32, #tpu.memory_space<vmem>> -> memref<80xi32, #tpu.memory_space<vmem>>
      %dma_start3A_199 = arith.constant 0 : i32
      %dma_start3A_200 = arith.constant 0 : i32
      %dma_start3A_201 = tpu.memref_slice %arg4[%dma_start3A_199, %dma_start3A_200] : memref<10240x128xf32, #tpu.memory_space<hbm>> -> memref<10240x128xf32, #tpu.memory_space<hbm>>
      tpu.enqueue_indirect_dma source(%dma_start3A_201 : memref<10240x128xf32, #tpu.memory_space<hbm>>) target(%arg9 : memref<80x128xf32, #tpu.memory_space<vmem>>) offsets(%dma_start3A_198 : memref<80xi32, #tpu.memory_space<vmem>>) semaphore(%arg12 : memref<!tpu.dma_semaphore, #tpu.memory_space<semaphore_mem>>)
      %dma_wait3A_202 = arith.constant 0 : i32
      %dma_wait3A_203 = arith.constant 0 : i32
      %dma_wait3A_204 = tpu.memref_slice %arg7[%dma_wait3A_202, %dma_wait3A_203] : memref<2x80xi32, #tpu.memory_space<vmem>> -> memref<1x80xi32, #tpu.memory_space<vmem>>
      %dma_wait3A_205 = tpu.memref_squeeze %dma_wait3A_204 : memref<1x80xi32, #tpu.memory_space<vmem>> -> memref<80xi32, #tpu.memory_space<vmem>>
      %dma_wait3A_206 = arith.constant 0 : i32
      %dma_wait3A_207 = arith.constant 0 : i32
      %dma_wait3A_208 = tpu.memref_slice %arg4[%dma_wait3A_206, %dma_wait3A_207] : memref<10240x128xf32, #tpu.memory_space<hbm>> -> memref<10240x128xf32, #tpu.memory_space<hbm>>
      tpu.wait_indirect_dma semaphore(%arg13 : memref<!tpu.dma_semaphore, #tpu.memory_space<semaphore_mem>>) src(%dma_wait3A_208 : memref<10240x128xf32, #tpu.memory_space<hbm>>) dst(%arg10 : memref<80x128xf32, #tpu.memory_space<vmem>>)
      %add3A_209 = arith.constant 3 : i32
      %add3A_210 = arith.addi %mul3A_107, %add3A_209 : i32
      %lt3A = arith.constant 125 : i32
      %lt3A_211 = arith.cmpi slt, %add3A_210, %lt3A : i32
      %convert_element_type3A = arith.extui %lt3A_211 : i1 to i32
      %cond3A = arith.constant 0 : i32
      %cond3A_212 = arith.cmpi ne, %convert_element_type3A, %cond3A : i32
      scf.if %cond3A_212 {
        %add3A_235 = arith.constant 3 : i32
        %add3A_236 = arith.addi %mul3A_107, %add3A_235 : i32
        %dma_start3A_237 = arith.constant 1 : i32
        %dma_start3A_238 = arith.constant 0 : i32
        %dma_start3A_239 = tpu.memref_slice %arg7[%dma_start3A_237, %dma_start3A_238] : memref<2x80xi32, #tpu.memory_space<vmem>> -> memref<1x80xi32, #tpu.memory_space<vmem>>
        %dma_start3A_240 = tpu.memref_squeeze %dma_start3A_239 : memref<1x80xi32, #tpu.memory_space<vmem>> -> memref<80xi32, #tpu.memory_space<vmem>>
        %dma_start3A_241 = arith.constant 0 : i32
        %dma_start3A_242 = tpu.memref_slice %arg2[%add3A, %add3A_236, %dma_start3A_241] : memref<32x125x80xi32, #tpu.memory_space<hbm>> -> memref<1x1x80xi32, #tpu.memory_space<hbm>>
        %dma_start3A_243 = tpu.memref_squeeze %dma_start3A_242 : memref<1x1x80xi32, #tpu.memory_space<hbm>> -> memref<80xi32, #tpu.memory_space<hbm>>
        %dma_start3A_244 = arith.constant 0 : i32
        %dma_start3A_245 = tpu.memref_slice %arg7[%dma_start3A_237, %dma_start3A_244] : memref<2x80xi32, #tpu.memory_space<vmem>> -> memref<1x80xi32, #tpu.memory_space<vmem>>
        %dma_start3A_246 = tpu.memref_squeeze %dma_start3A_245 : memref<1x80xi32, #tpu.memory_space<vmem>> -> memref<80xi32, #tpu.memory_space<vmem>>
        %dma_start3A_247 = arith.constant 0 : i32
        %dma_start3A_248 = tpu.memref_slice %arg2[%add3A, %add3A_236, %dma_start3A_247] : memref<32x125x80xi32, #tpu.memory_space<hbm>> -> memref<1x1x80xi32, #tpu.memory_space<hbm>>
        %dma_start3A_249 = tpu.memref_squeeze %dma_start3A_248 : memref<1x1x80xi32, #tpu.memory_space<hbm>> -> memref<80xi32, #tpu.memory_space<hbm>>
        tpu.enqueue_dma source(%dma_start3A_249 : memref<80xi32, #tpu.memory_space<hbm>>) target(%dma_start3A_246 : memref<80xi32, #tpu.memory_space<vmem>>) target_semaphore(%arg15 : memref<!tpu.dma_semaphore, #tpu.memory_space<semaphore_mem>>)
      } else {
      }
      %dma_wait3A_213 = arith.constant 0 : i32
      %dma_wait3A_214 = arith.constant 1 : i32
      %dma_wait3A_215 = arith.constant 0 : i32
      %dma_wait3A_216 = tpu.memref_slice %arg8[%dma_wait3A_214, %dma_wait3A_215] : memref<2x80xi32, #tpu.memory_space<vmem>> -> memref<1x80xi32, #tpu.memory_space<vmem>>
      %dma_wait3A_217 = tpu.memref_squeeze %dma_wait3A_216 : memref<1x80xi32, #tpu.memory_space<vmem>> -> memref<80xi32, #tpu.memory_space<vmem>>
      %dma_wait3A_218 = arith.constant 0 : i32
      %dma_wait3A_219 = tpu.memref_slice %arg3[%add3A, %dma_wait3A_213, %dma_wait3A_218] : memref<32x125x80xi32, #tpu.memory_space<hbm>> -> memref<1x1x80xi32, #tpu.memory_space<hbm>>
      %dma_wait3A_220 = tpu.memref_squeeze %dma_wait3A_219 : memref<1x1x80xi32, #tpu.memory_space<hbm>> -> memref<80xi32, #tpu.memory_space<hbm>>
      %dma_wait3A_221 = arith.constant 0 : i32
      %dma_wait3A_222 = tpu.memref_slice %arg8[%dma_wait3A_214, %dma_wait3A_221] : memref<2x80xi32, #tpu.memory_space<vmem>> -> memref<1x80xi32, #tpu.memory_space<vmem>>
      %dma_wait3A_223 = tpu.memref_squeeze %dma_wait3A_222 : memref<1x80xi32, #tpu.memory_space<vmem>> -> memref<80xi32, #tpu.memory_space<vmem>>
      %dma_wait3A_224 = arith.constant 0 : i32
      %dma_wait3A_225 = tpu.memref_slice %arg3[%add3A, %dma_wait3A_213, %dma_wait3A_224] : memref<32x125x80xi32, #tpu.memory_space<hbm>> -> memref<1x1x80xi32, #tpu.memory_space<hbm>>
      %dma_wait3A_226 = tpu.memref_squeeze %dma_wait3A_225 : memref<1x1x80xi32, #tpu.memory_space<hbm>> -> memref<80xi32, #tpu.memory_space<hbm>>
      tpu.wait_dma2 semaphore(%arg17 : memref<!tpu.dma_semaphore, #tpu.memory_space<semaphore_mem>>) src(%dma_wait3A_226 : memref<80xi32, #tpu.memory_space<hbm>>) dst(%dma_wait3A_223 : memref<80xi32, #tpu.memory_space<vmem>>)
      %run_scoped3A_227 = arith.constant 1 : i32
      "tpu.region"() ({
        %run_scoped3A_235 = tpu.sem_alloc : memref<!tpu.dma_semaphore, #tpu.memory_space<semaphore_mem>>
        %dma_start3A_236 = arith.constant 0 : i32
        %dma_start3A_237 = tpu.memref_slice %arg8[%run_scoped3A_227, %dma_start3A_236] : memref<2x80xi32, #tpu.memory_space<vmem>> -> memref<1x80xi32, #tpu.memory_space<vmem>>
        %dma_start3A_238 = tpu.memref_squeeze %dma_start3A_237 : memref<1x80xi32, #tpu.memory_space<vmem>> -> memref<80xi32, #tpu.memory_space<vmem>>
        %dma_start3A_239 = arith.constant 0 : i32
        %dma_start3A_240 = arith.constant 0 : i32
        %dma_start3A_241 = tpu.memref_slice %arg11[%dma_start3A_239, %dma_start3A_240] : memref<10240x128xf32, #tpu.memory_space<vmem_shared>> -> memref<10240x128xf32, #tpu.memory_space<vmem_shared>>
        tpu.enqueue_indirect_dma source(%arg10 : memref<80x128xf32, #tpu.memory_space<vmem>>) target(%dma_start3A_241 : memref<10240x128xf32, #tpu.memory_space<vmem_shared>>) offsets(%dma_start3A_238 : memref<80xi32, #tpu.memory_space<vmem>>) semaphore(%run_scoped3A_235 : memref<!tpu.dma_semaphore, #tpu.memory_space<semaphore_mem>>) {add = true}
        %dma_wait3A_242 = arith.constant 0 : i32
        %dma_wait3A_243 = tpu.memref_slice %arg8[%run_scoped3A_227, %dma_wait3A_242] : memref<2x80xi32, #tpu.memory_space<vmem>> -> memref<1x80xi32, #tpu.memory_space<vmem>>
        %dma_wait3A_244 = tpu.memref_squeeze %dma_wait3A_243 : memref<1x80xi32, #tpu.memory_space<vmem>> -> memref<80xi32, #tpu.memory_space<vmem>>
        %dma_wait3A_245 = arith.constant 0 : i32
        %dma_wait3A_246 = arith.constant 0 : i32
        %dma_wait3A_247 = tpu.memref_slice %arg11[%dma_wait3A_245, %dma_wait3A_246] : memref<10240x128xf32, #tpu.memory_space<vmem_shared>> -> memref<10240x128xf32, #tpu.memory_space<vmem_shared>>
        tpu.wait_indirect_dma semaphore(%run_scoped3A_235 : memref<!tpu.dma_semaphore, #tpu.memory_space<semaphore_mem>>) src(%arg10 : memref<80x128xf32, #tpu.memory_space<vmem>>) dst(%dma_wait3A_247 : memref<10240x128xf32, #tpu.memory_space<vmem_shared>>)
        tpu.yield
      }) : () -> ()
      %add3A_228 = arith.constant 3 : i32
      %add3A_229 = arith.addi %mul3A_107, %add3A_228 : i32
      %lt3A_230 = arith.constant 125 : i32
      %lt3A_231 = arith.cmpi slt, %add3A_229, %lt3A_230 : i32
      %convert_element_type3A_232 = arith.extui %lt3A_231 : i1 to i32
      %cond3A_233 = arith.constant 0 : i32
      %cond3A_234 = arith.cmpi ne, %convert_element_type3A_232, %cond3A_233 : i32
      scf.if %cond3A_234 {
        %add3A_235 = arith.constant 3 : i32
        %add3A_236 = arith.addi %mul3A_107, %add3A_235 : i32
        %dma_start3A_237 = arith.constant 1 : i32
        %dma_start3A_238 = arith.constant 0 : i32
        %dma_start3A_239 = tpu.memref_slice %arg8[%dma_start3A_237, %dma_start3A_238] : memref<2x80xi32, #tpu.memory_space<vmem>> -> memref<1x80xi32, #tpu.memory_space<vmem>>
        %dma_start3A_240 = tpu.memref_squeeze %dma_start3A_239 : memref<1x80xi32, #tpu.memory_space<vmem>> -> memref<80xi32, #tpu.memory_space<vmem>>
        %dma_start3A_241 = arith.constant 0 : i32
        %dma_start3A_242 = tpu.memref_slice %arg3[%add3A, %add3A_236, %dma_start3A_241] : memref<32x125x80xi32, #tpu.memory_space<hbm>> -> memref<1x1x80xi32, #tpu.memory_space<hbm>>
        %dma_start3A_243 = tpu.memref_squeeze %dma_start3A_242 : memref<1x1x80xi32, #tpu.memory_space<hbm>> -> memref<80xi32, #tpu.memory_space<hbm>>
        %dma_start3A_244 = arith.constant 0 : i32
        %dma_start3A_245 = tpu.memref_slice %arg8[%dma_start3A_237, %dma_start3A_244] : memref<2x80xi32, #tpu.memory_space<vmem>> -> memref<1x80xi32, #tpu.memory_space<vmem>>
        %dma_start3A_246 = tpu.memref_squeeze %dma_start3A_245 : memref<1x80xi32, #tpu.memory_space<vmem>> -> memref<80xi32, #tpu.memory_space<vmem>>
        %dma_start3A_247 = arith.constant 0 : i32
        %dma_start3A_248 = tpu.memref_slice %arg3[%add3A, %add3A_236, %dma_start3A_247] : memref<32x125x80xi32, #tpu.memory_space<hbm>> -> memref<1x1x80xi32, #tpu.memory_space<hbm>>
        %dma_start3A_249 = tpu.memref_squeeze %dma_start3A_248 : memref<1x1x80xi32, #tpu.memory_space<hbm>> -> memref<80xi32, #tpu.memory_space<hbm>>
        tpu.enqueue_dma source(%dma_start3A_249 : memref<80xi32, #tpu.memory_space<hbm>>) target(%dma_start3A_246 : memref<80xi32, #tpu.memory_space<vmem>>) target_semaphore(%arg17 : memref<!tpu.dma_semaphore, #tpu.memory_space<semaphore_mem>>)
      } else {
      }
    }
    %scan3A_82 = arith.constant 62 : i32
    %dma_wait3A_83 = arith.constant 0 : i32
    %dma_wait3A_84 = arith.constant 0 : i32
    %dma_wait3A_85 = tpu.memref_slice %arg7[%dma_wait3A_83, %dma_wait3A_84] : memref<2x80xi32, #tpu.memory_space<vmem>> -> memref<1x80xi32, #tpu.memory_space<vmem>>
    %dma_wait3A_86 = tpu.memref_squeeze %dma_wait3A_85 : memref<1x80xi32, #tpu.memory_space<vmem>> -> memref<80xi32, #tpu.memory_space<vmem>>
    %dma_wait3A_87 = arith.constant 0 : i32
    %dma_wait3A_88 = arith.constant 0 : i32
    %dma_wait3A_89 = tpu.memref_slice %arg4[%dma_wait3A_87, %dma_wait3A_88] : memref<10240x128xf32, #tpu.memory_space<hbm>> -> memref<10240x128xf32, #tpu.memory_space<hbm>>
    tpu.wait_indirect_dma semaphore(%arg12 : memref<!tpu.dma_semaphore, #tpu.memory_space<semaphore_mem>>) src(%dma_wait3A_89 : memref<10240x128xf32, #tpu.memory_space<hbm>>) dst(%arg9 : memref<80x128xf32, #tpu.memory_space<vmem>>)
    %dma_wait3A_90 = arith.constant 0 : i32
    %dma_wait3A_91 = arith.constant 0 : i32
    %dma_wait3A_92 = arith.constant 0 : i32
    %dma_wait3A_93 = tpu.memref_slice %arg8[%dma_wait3A_91, %dma_wait3A_92] : memref<2x80xi32, #tpu.memory_space<vmem>> -> memref<1x80xi32, #tpu.memory_space<vmem>>
    %dma_wait3A_94 = tpu.memref_squeeze %dma_wait3A_93 : memref<1x80xi32, #tpu.memory_space<vmem>> -> memref<80xi32, #tpu.memory_space<vmem>>
    %dma_wait3A_95 = arith.constant 0 : i32
    %dma_wait3A_96 = tpu.memref_slice %arg3[%add3A, %dma_wait3A_90, %dma_wait3A_95] : memref<32x125x80xi32, #tpu.memory_space<hbm>> -> memref<1x1x80xi32, #tpu.memory_space<hbm>>
    %dma_wait3A_97 = tpu.memref_squeeze %dma_wait3A_96 : memref<1x1x80xi32, #tpu.memory_space<hbm>> -> memref<80xi32, #tpu.memory_space<hbm>>
    %dma_wait3A_98 = arith.constant 0 : i32
    %dma_wait3A_99 = tpu.memref_slice %arg8[%dma_wait3A_91, %dma_wait3A_98] : memref<2x80xi32, #tpu.memory_space<vmem>> -> memref<1x80xi32, #tpu.memory_space<vmem>>
    %dma_wait3A_100 = tpu.memref_squeeze %dma_wait3A_99 : memref<1x80xi32, #tpu.memory_space<vmem>> -> memref<80xi32, #tpu.memory_space<vmem>>
    %dma_wait3A_101 = arith.constant 0 : i32
    %dma_wait3A_102 = tpu.memref_slice %arg3[%add3A, %dma_wait3A_90, %dma_wait3A_101] : memref<32x125x80xi32, #tpu.memory_space<hbm>> -> memref<1x1x80xi32, #tpu.memory_space<hbm>>
    %dma_wait3A_103 = tpu.memref_squeeze %dma_wait3A_102 : memref<1x1x80xi32, #tpu.memory_space<hbm>> -> memref<80xi32, #tpu.memory_space<hbm>>
    tpu.wait_dma2 semaphore(%arg16 : memref<!tpu.dma_semaphore, #tpu.memory_space<semaphore_mem>>) src(%dma_wait3A_103 : memref<80xi32, #tpu.memory_space<hbm>>) dst(%dma_wait3A_100 : memref<80xi32, #tpu.memory_space<vmem>>)
    %run_scoped3A = arith.constant 0 : i32
    "tpu.region"() ({
      %run_scoped3A_105 = tpu.sem_alloc : memref<!tpu.dma_semaphore, #tpu.memory_space<semaphore_mem>>
      %dma_start3A_106 = arith.constant 0 : i32
      %dma_start3A_107 = tpu.memref_slice %arg8[%run_scoped3A, %dma_start3A_106] : memref<2x80xi32, #tpu.memory_space<vmem>> -> memref<1x80xi32, #tpu.memory_space<vmem>>
      %dma_start3A_108 = tpu.memref_squeeze %dma_start3A_107 : memref<1x80xi32, #tpu.memory_space<vmem>> -> memref<80xi32, #tpu.memory_space<vmem>>
      %dma_start3A_109 = arith.constant 0 : i32
      %dma_start3A_110 = arith.constant 0 : i32
      %dma_start3A_111 = tpu.memref_slice %arg11[%dma_start3A_109, %dma_start3A_110] : memref<10240x128xf32, #tpu.memory_space<vmem_shared>> -> memref<10240x128xf32, #tpu.memory_space<vmem_shared>>
      tpu.enqueue_indirect_dma source(%arg9 : memref<80x128xf32, #tpu.memory_space<vmem>>) target(%dma_start3A_111 : memref<10240x128xf32, #tpu.memory_space<vmem_shared>>) offsets(%dma_start3A_108 : memref<80xi32, #tpu.memory_space<vmem>>) semaphore(%run_scoped3A_105 : memref<!tpu.dma_semaphore, #tpu.memory_space<semaphore_mem>>) {add = true}
      %dma_wait3A_112 = arith.constant 0 : i32
      %dma_wait3A_113 = tpu.memref_slice %arg8[%run_scoped3A, %dma_wait3A_112] : memref<2x80xi32, #tpu.memory_space<vmem>> -> memref<1x80xi32, #tpu.memory_space<vmem>>
      %dma_wait3A_114 = tpu.memref_squeeze %dma_wait3A_113 : memref<1x80xi32, #tpu.memory_space<vmem>> -> memref<80xi32, #tpu.memory_space<vmem>>
      %dma_wait3A_115 = arith.constant 0 : i32
      %dma_wait3A_116 = arith.constant 0 : i32
      %dma_wait3A_117 = tpu.memref_slice %arg11[%dma_wait3A_115, %dma_wait3A_116] : memref<10240x128xf32, #tpu.memory_space<vmem_shared>> -> memref<10240x128xf32, #tpu.memory_space<vmem_shared>>
      tpu.wait_indirect_dma semaphore(%run_scoped3A_105 : memref<!tpu.dma_semaphore, #tpu.memory_space<semaphore_mem>>) src(%arg9 : memref<80x128xf32, #tpu.memory_space<vmem>>) dst(%dma_wait3A_117 : memref<10240x128xf32, #tpu.memory_space<vmem_shared>>)
      tpu.yield
    }) : () -> ()
    %barrier3A_104 = arith.constant 0 : index
    tpu.barrier barrier_id(%barrier3A_104)
    "tpu.region"() ({
      %run_scoped3A_105 = tpu.sem_alloc : memref<!tpu.dma_semaphore, #tpu.memory_space<semaphore_mem>>
      %dma_start3A_106 = arith.constant 0 : i32
      %dma_start3A_107 = tpu.memref_slice %arg6[%arg0, %mul3A_2, %dma_start3A_106] : memref<2x10240x128xf32, #tpu.memory_space<hbm>> -> memref<1x640x128xf32, #tpu.memory_space<hbm>>
      %dma_start3A_108 = tpu.memref_squeeze %dma_start3A_107 : memref<1x640x128xf32, #tpu.memory_space<hbm>> -> memref<640x128xf32, #tpu.memory_space<hbm>>
      %dma_start3A_109 = arith.constant 0 : i32
      %dma_start3A_110 = tpu.memref_slice %arg11[%mul3A_2, %dma_start3A_109] : memref<10240x128xf32, #tpu.memory_space<vmem_shared>> -> memref<640x128xf32, #tpu.memory_space<vmem_shared>>
      tpu.enqueue_dma source(%dma_start3A_110 : memref<640x128xf32, #tpu.memory_space<vmem_shared>>) target(%dma_start3A_108 : memref<640x128xf32, #tpu.memory_space<hbm>>) target_semaphore(%run_scoped3A_105 : memref<!tpu.dma_semaphore, #tpu.memory_space<semaphore_mem>>)
      %dma_wait3A_111 = arith.constant 0 : i32
      %dma_wait3A_112 = tpu.memref_slice %arg6[%arg0, %mul3A_2, %dma_wait3A_111] : memref<2x10240x128xf32, #tpu.memory_space<hbm>> -> memref<1x640x128xf32, #tpu.memory_space<hbm>>
      %dma_wait3A_113 = tpu.memref_squeeze %dma_wait3A_112 : memref<1x640x128xf32, #tpu.memory_space<hbm>> -> memref<640x128xf32, #tpu.memory_space<hbm>>
      %dma_wait3A_114 = arith.constant 0 : i32
      %dma_wait3A_115 = tpu.memref_slice %arg11[%mul3A_2, %dma_wait3A_114] : memref<10240x128xf32, #tpu.memory_space<vmem_shared>> -> memref<640x128xf32, #tpu.memory_space<vmem_shared>>
      tpu.wait_dma2 semaphore(%run_scoped3A_105 : memref<!tpu.dma_semaphore, #tpu.memory_space<semaphore_mem>>) src(%dma_wait3A_115 : memref<640x128xf32, #tpu.memory_space<vmem_shared>>) dst(%dma_wait3A_113 : memref<640x128xf32, #tpu.memory_space<hbm>>)
      tpu.yield
    }) : () -> ()
    return
  }
}

#map = affine_map<(d0, d1) -> (0, 0, 0)>
#map1 = affine_map<(d0, d1) -> (0, 0)>
#map2 = affine_map<(d0, d1) -> (0)>
module attributes {stable_mosaic.version = 14 : i64} {
  func.func @body(%arg0: i32, %arg1: i32, %arg2: memref<32x125x80xi32, #tpu.memory_space<hbm>>, %arg3: memref<32x125x80xi32, #tpu.memory_space<hbm>>, %arg4: memref<10240x128xf32, #tpu.memory_space<hbm>>, %arg5: memref<10240x128xf32, #tpu.memory_space<hbm>>, %arg6: memref<10240xf32, #tpu.memory_space<hbm>>, %arg7: memref<2x10240x128xf32, #tpu.memory_space<hbm>>, %arg8: memref<2x10240xf32, #tpu.memory_space<hbm>>, %arg9: memref<2x80xi32, #tpu.memory_space<vmem>>, %arg10: memref<2x80xi32, #tpu.memory_space<vmem>>, %arg11: memref<80x128xf32, #tpu.memory_space<vmem>>, %arg12: memref<80x128xf32, #tpu.memory_space<vmem>>, %arg13: memref<10240x128xf32, #tpu.memory_space<vmem_shared>>, %arg14: memref<!tpu.dma_semaphore, #tpu.memory_space<semaphore_mem>>, %arg15: memref<!tpu.dma_semaphore, #tpu.memory_space<semaphore_mem>>, %arg16: memref<!tpu.dma_semaphore, #tpu.memory_space<semaphore_mem>>, %arg17: memref<!tpu.dma_semaphore, #tpu.memory_space<semaphore_mem>>, %arg18: memref<!tpu.dma_semaphore, #tpu.memory_space<semaphore_mem>>, %arg19: memref<!tpu.dma_semaphore, #tpu.memory_space<semaphore_mem>>, %arg20: memref<80xf32, #tpu.memory_space<vmem>>, %arg21: memref<10240xf32, #tpu.memory_space<vmem_shared>>) attributes {dimension_semantics = [#tpu.dimension_semantics<core_parallel>, #tpu.dimension_semantics<subcore_parallel>], iteration_bounds = array<i64: 2, 16>, scalar_prefetch = 0 : i64, scratch_operands = 13 : i64, tpu.core_type = #tpu.core_type<sc_vector_subcore>, window_params = [{transform_indices = #map}, {transform_indices = #map}, {transform_indices = #map1}, {transform_indices = #map1}, {transform_indices = #map2}, {transform_indices = #map}, {transform_indices = #map1}]} {
    %mul3A = arith.constant 16 : i32
    %mul3A_0 = arith.muli %arg0, %mul3A : i32
    %add3A = arith.addi %mul3A_0, %arg1 : i32
    %mul3A_1 = arith.constant 640 : i32
    %mul3A_2 = arith.muli %arg1, %mul3A_1 : i32
    "tpu.region"() ({
      %run_scoped3A_134 = tpu.sem_alloc : memref<!tpu.dma_semaphore, #tpu.memory_space<semaphore_mem>>
      %dma_start3A_135 = arith.constant 0 : i32
      %dma_start3A_136 = tpu.memref_slice %arg13[%mul3A_2, %dma_start3A_135] : memref<10240x128xf32, #tpu.memory_space<vmem_shared>> -> memref<640x128xf32, #tpu.memory_space<vmem_shared>>
      %dma_start3A_137 = arith.constant 0 : i32
      %dma_start3A_138 = tpu.memref_slice %arg5[%mul3A_2, %dma_start3A_137] : memref<10240x128xf32, #tpu.memory_space<hbm>> -> memref<640x128xf32, #tpu.memory_space<hbm>>
      tpu.enqueue_dma source(%dma_start3A_138 : memref<640x128xf32, #tpu.memory_space<hbm>>) target(%dma_start3A_136 : memref<640x128xf32, #tpu.memory_space<vmem_shared>>) target_semaphore(%run_scoped3A_134 : memref<!tpu.dma_semaphore, #tpu.memory_space<semaphore_mem>>)
      %dma_wait3A_139 = arith.constant 0 : i32
      %dma_wait3A_140 = tpu.memref_slice %arg13[%mul3A_2, %dma_wait3A_139] : memref<10240x128xf32, #tpu.memory_space<vmem_shared>> -> memref<640x128xf32, #tpu.memory_space<vmem_shared>>
      %dma_wait3A_141 = arith.constant 0 : i32
      %dma_wait3A_142 = tpu.memref_slice %arg5[%mul3A_2, %dma_wait3A_141] : memref<10240x128xf32, #tpu.memory_space<hbm>> -> memref<640x128xf32, #tpu.memory_space<hbm>>
      tpu.wait_dma2 semaphore(%run_scoped3A_134 : memref<!tpu.dma_semaphore, #tpu.memory_space<semaphore_mem>>) src(%dma_wait3A_142 : memref<640x128xf32, #tpu.memory_space<hbm>>) dst(%dma_wait3A_140 : memref<640x128xf32, #tpu.memory_space<vmem_shared>>)
      tpu.yield
    }) : () -> ()
    "tpu.region"() ({
      %run_scoped3A_134 = tpu.sem_alloc : memref<!tpu.dma_semaphore, #tpu.memory_space<semaphore_mem>>
      %dma_start3A_135 = tpu.memref_slice %arg21[%mul3A_2] : memref<10240xf32, #tpu.memory_space<vmem_shared>> -> memref<640xf32, #tpu.memory_space<vmem_shared>>
      %dma_start3A_136 = tpu.memref_slice %arg6[%mul3A_2] : memref<10240xf32, #tpu.memory_space<hbm>> -> memref<640xf32, #tpu.memory_space<hbm>>
      tpu.enqueue_dma source(%dma_start3A_136 : memref<640xf32, #tpu.memory_space<hbm>>) target(%dma_start3A_135 : memref<640xf32, #tpu.memory_space<vmem_shared>>) target_semaphore(%run_scoped3A_134 : memref<!tpu.dma_semaphore, #tpu.memory_space<semaphore_mem>>)
      %dma_wait3A_137 = tpu.memref_slice %arg21[%mul3A_2] : memref<10240xf32, #tpu.memory_space<vmem_shared>> -> memref<640xf32, #tpu.memory_space<vmem_shared>>
      %dma_wait3A_138 = tpu.memref_slice %arg6[%mul3A_2] : memref<10240xf32, #tpu.memory_space<hbm>> -> memref<640xf32, #tpu.memory_space<hbm>>
      tpu.wait_dma2 semaphore(%run_scoped3A_134 : memref<!tpu.dma_semaphore, #tpu.memory_space<semaphore_mem>>) src(%dma_wait3A_138 : memref<640xf32, #tpu.memory_space<hbm>>) dst(%dma_wait3A_137 : memref<640xf32, #tpu.memory_space<vmem_shared>>)
      tpu.yield
    }) : () -> ()
    %broadcast_in_dim3A = arith.constant 1.000000e+00 : f32
    %broadcast_in_dim3A_3 = vector.broadcast %broadcast_in_dim3A : f32 to vector<16xf32>
    %swap3A = arith.constant 0 : index
    %swap3A_4 = tpu.vector_load %arg20[%swap3A] {strides = array<i32>} : memref<80xf32, #tpu.memory_space<vmem>>, vector<16xf32>,
    %swap3A_5 = vector.shape_cast %swap3A_4 : vector<16xf32> to vector<16xf32>
    %swap3A_6 = vector.shape_cast %broadcast_in_dim3A_3 : vector<16xf32> to vector<16xf32>
    tpu.vector_store %arg20[%swap3A], %swap3A_6 {strides = array<i32>} : memref<80xf32, #tpu.memory_space<vmem>>, vector<16xf32>,
    %broadcast_in_dim3A_7 = arith.constant 1.000000e+00 : f32
    %broadcast_in_dim3A_8 = vector.broadcast %broadcast_in_dim3A_7 : f32 to vector<16xf32>
    %swap3A_9 = arith.constant 16 : index
    %swap3A_10 = tpu.vector_load %arg20[%swap3A_9] {strides = array<i32>} : memref<80xf32, #tpu.memory_space<vmem>>, vector<16xf32>,
    %swap3A_11 = vector.shape_cast %swap3A_10 : vector<16xf32> to vector<16xf32>
    %swap3A_12 = vector.shape_cast %broadcast_in_dim3A_8 : vector<16xf32> to vector<16xf32>
    tpu.vector_store %arg20[%swap3A_9], %swap3A_12 {strides = array<i32>} : memref<80xf32, #tpu.memory_space<vmem>>, vector<16xf32>,
    %broadcast_in_dim3A_13 = arith.constant 1.000000e+00 : f32
    %broadcast_in_dim3A_14 = vector.broadcast %broadcast_in_dim3A_13 : f32 to vector<16xf32>
    %swap3A_15 = arith.constant 32 : index
    %swap3A_16 = tpu.vector_load %arg20[%swap3A_15] {strides = array<i32>} : memref<80xf32, #tpu.memory_space<vmem>>, vector<16xf32>,
    %swap3A_17 = vector.shape_cast %swap3A_16 : vector<16xf32> to vector<16xf32>
    %swap3A_18 = vector.shape_cast %broadcast_in_dim3A_14 : vector<16xf32> to vector<16xf32>
    tpu.vector_store %arg20[%swap3A_15], %swap3A_18 {strides = array<i32>} : memref<80xf32, #tpu.memory_space<vmem>>, vector<16xf32>,
    %broadcast_in_dim3A_19 = arith.constant 1.000000e+00 : f32
    %broadcast_in_dim3A_20 = vector.broadcast %broadcast_in_dim3A_19 : f32 to vector<16xf32>
    %swap3A_21 = arith.constant 48 : index
    %swap3A_22 = tpu.vector_load %arg20[%swap3A_21] {strides = array<i32>} : memref<80xf32, #tpu.memory_space<vmem>>, vector<16xf32>,
    %swap3A_23 = vector.shape_cast %swap3A_22 : vector<16xf32> to vector<16xf32>
    %swap3A_24 = vector.shape_cast %broadcast_in_dim3A_20 : vector<16xf32> to vector<16xf32>
    tpu.vector_store %arg20[%swap3A_21], %swap3A_24 {strides = array<i32>} : memref<80xf32, #tpu.memory_space<vmem>>, vector<16xf32>,
    %broadcast_in_dim3A_25 = arith.constant 1.000000e+00 : f32
    %broadcast_in_dim3A_26 = vector.broadcast %broadcast_in_dim3A_25 : f32 to vector<16xf32>
    %swap3A_27 = arith.constant 64 : index
    %swap3A_28 = tpu.vector_load %arg20[%swap3A_27] {strides = array<i32>} : memref<80xf32, #tpu.memory_space<vmem>>, vector<16xf32>,
    %swap3A_29 = vector.shape_cast %swap3A_28 : vector<16xf32> to vector<16xf32>
    %swap3A_30 = vector.shape_cast %broadcast_in_dim3A_26 : vector<16xf32> to vector<16xf32>
    tpu.vector_store %arg20[%swap3A_27], %swap3A_30 {strides = array<i32>} : memref<80xf32, #tpu.memory_space<vmem>>, vector<16xf32>,
    %dma_start3A = arith.constant 0 : i32
    %dma_start3A_31 = arith.constant 0 : i32
    %dma_start3A_32 = arith.constant 0 : i32
    %dma_start3A_33 = tpu.memref_slice %arg9[%dma_start3A_31, %dma_start3A_32] : memref<2x80xi32, #tpu.memory_space<vmem>> -> memref<1x80xi32, #tpu.memory_space<vmem>>
    %dma_start3A_34 = tpu.memref_squeeze %dma_start3A_33 : memref<1x80xi32, #tpu.memory_space<vmem>> -> memref<80xi32, #tpu.memory_space<vmem>>
    %dma_start3A_35 = arith.constant 0 : i32
    %dma_start3A_36 = tpu.memref_slice %arg2[%add3A, %dma_start3A, %dma_start3A_35] : memref<32x125x80xi32, #tpu.memory_space<hbm>> -> memref<1x1x80xi32, #tpu.memory_space<hbm>>
    %dma_start3A_37 = tpu.memref_squeeze %dma_start3A_36 : memref<1x1x80xi32, #tpu.memory_space<hbm>> -> memref<80xi32, #tpu.memory_space<hbm>>
    %dma_start3A_38 = arith.constant 0 : i32
    %dma_start3A_39 = tpu.memref_slice %arg9[%dma_start3A_31, %dma_start3A_38] : memref<2x80xi32, #tpu.memory_space<vmem>> -> memref<1x80xi32, #tpu.memory_space<vmem>>
    %dma_start3A_40 = tpu.memref_squeeze %dma_start3A_39 : memref<1x80xi32, #tpu.memory_space<vmem>> -> memref<80xi32, #tpu.memory_space<vmem>>
    %dma_start3A_41 = arith.constant 0 : i32
    %dma_start3A_42 = tpu.memref_slice %arg2[%add3A, %dma_start3A, %dma_start3A_41] : memref<32x125x80xi32, #tpu.memory_space<hbm>> -> memref<1x1x80xi32, #tpu.memory_space<hbm>>
    %dma_start3A_43 = tpu.memref_squeeze %dma_start3A_42 : memref<1x1x80xi32, #tpu.memory_space<hbm>> -> memref<80xi32, #tpu.memory_space<hbm>>
    tpu.enqueue_dma source(%dma_start3A_43 : memref<80xi32, #tpu.memory_space<hbm>>) target(%dma_start3A_40 : memref<80xi32, #tpu.memory_space<vmem>>) target_semaphore(%arg16 : memref<!tpu.dma_semaphore, #tpu.memory_space<semaphore_mem>>)
    %dma_start3A_44 = arith.constant 0 : i32
    %dma_start3A_45 = arith.constant 0 : i32
    %dma_start3A_46 = arith.constant 0 : i32
    %dma_start3A_47 = tpu.memref_slice %arg10[%dma_start3A_45, %dma_start3A_46] : memref<2x80xi32, #tpu.memory_space<vmem>> -> memref<1x80xi32, #tpu.memory_space<vmem>>
    %dma_start3A_48 = tpu.memref_squeeze %dma_start3A_47 : memref<1x80xi32, #tpu.memory_space<vmem>> -> memref<80xi32, #tpu.memory_space<vmem>>
    %dma_start3A_49 = arith.constant 0 : i32
    %dma_start3A_50 = tpu.memref_slice %arg3[%add3A, %dma_start3A_44, %dma_start3A_49] : memref<32x125x80xi32, #tpu.memory_space<hbm>> -> memref<1x1x80xi32, #tpu.memory_space<hbm>>
    %dma_start3A_51 = tpu.memref_squeeze %dma_start3A_50 : memref<1x1x80xi32, #tpu.memory_space<hbm>> -> memref<80xi32, #tpu.memory_space<hbm>>
    %dma_start3A_52 = arith.constant 0 : i32
    %dma_start3A_53 = tpu.memref_slice %arg10[%dma_start3A_45, %dma_start3A_52] : memref<2x80xi32, #tpu.memory_space<vmem>> -> memref<1x80xi32, #tpu.memory_space<vmem>>
    %dma_start3A_54 = tpu.memref_squeeze %dma_start3A_53 : memref<1x80xi32, #tpu.memory_space<vmem>> -> memref<80xi32, #tpu.memory_space<vmem>>
    %dma_start3A_55 = arith.constant 0 : i32
    %dma_start3A_56 = tpu.memref_slice %arg3[%add3A, %dma_start3A_44, %dma_start3A_55] : memref<32x125x80xi32, #tpu.memory_space<hbm>> -> memref<1x1x80xi32, #tpu.memory_space<hbm>>
    %dma_start3A_57 = tpu.memref_squeeze %dma_start3A_56 : memref<1x1x80xi32, #tpu.memory_space<hbm>> -> memref<80xi32, #tpu.memory_space<hbm>>
    tpu.enqueue_dma source(%dma_start3A_57 : memref<80xi32, #tpu.memory_space<hbm>>) target(%dma_start3A_54 : memref<80xi32, #tpu.memory_space<vmem>>) target_semaphore(%arg18 : memref<!tpu.dma_semaphore, #tpu.memory_space<semaphore_mem>>)
    %dma_start3A_58 = arith.constant 1 : i32
    %dma_start3A_59 = arith.constant 1 : i32
    %dma_start3A_60 = arith.constant 0 : i32
    %dma_start3A_61 = tpu.memref_slice %arg9[%dma_start3A_59, %dma_start3A_60] : memref<2x80xi32, #tpu.memory_space<vmem>> -> memref<1x80xi32, #tpu.memory_space<vmem>>
    %dma_start3A_62 = tpu.memref_squeeze %dma_start3A_61 : memref<1x80xi32, #tpu.memory_space<vmem>> -> memref<80xi32, #tpu.memory_space<vmem>>
    %dma_start3A_63 = arith.constant 0 : i32
    %dma_start3A_64 = tpu.memref_slice %arg2[%add3A, %dma_start3A_58, %dma_start3A_63] : memref<32x125x80xi32, #tpu.memory_space<hbm>> -> memref<1x1x80xi32, #tpu.memory_space<hbm>>
    %dma_start3A_65 = tpu.memref_squeeze %dma_start3A_64 : memref<1x1x80xi32, #tpu.memory_space<hbm>> -> memref<80xi32, #tpu.memory_space<hbm>>
    %dma_start3A_66 = arith.constant 0 : i32
    %dma_start3A_67 = tpu.memref_slice %arg9[%dma_start3A_59, %dma_start3A_66] : memref<2x80xi32, #tpu.memory_space<vmem>> -> memref<1x80xi32, #tpu.memory_space<vmem>>
    %dma_start3A_68 = tpu.memref_squeeze %dma_start3A_67 : memref<1x80xi32, #tpu.memory_space<vmem>> -> memref<80xi32, #tpu.memory_space<vmem>>
    %dma_start3A_69 = arith.constant 0 : i32
    %dma_start3A_70 = tpu.memref_slice %arg2[%add3A, %dma_start3A_58, %dma_start3A_69] : memref<32x125x80xi32, #tpu.memory_space<hbm>> -> memref<1x1x80xi32, #tpu.memory_space<hbm>>
    %dma_start3A_71 = tpu.memref_squeeze %dma_start3A_70 : memref<1x1x80xi32, #tpu.memory_space<hbm>> -> memref<80xi32, #tpu.memory_space<hbm>>
    tpu.enqueue_dma source(%dma_start3A_71 : memref<80xi32, #tpu.memory_space<hbm>>) target(%dma_start3A_68 : memref<80xi32, #tpu.memory_space<vmem>>) target_semaphore(%arg17 : memref<!tpu.dma_semaphore, #tpu.memory_space<semaphore_mem>>)
    %dma_start3A_72 = arith.constant 1 : i32
    %dma_start3A_73 = arith.constant 1 : i32
    %dma_start3A_74 = arith.constant 0 : i32
    %dma_start3A_75 = tpu.memref_slice %arg10[%dma_start3A_73, %dma_start3A_74] : memref<2x80xi32, #tpu.memory_space<vmem>> -> memref<1x80xi32, #tpu.memory_space<vmem>>
    %dma_start3A_76 = tpu.memref_squeeze %dma_start3A_75 : memref<1x80xi32, #tpu.memory_space<vmem>> -> memref<80xi32, #tpu.memory_space<vmem>>
    %dma_start3A_77 = arith.constant 0 : i32
    %dma_start3A_78 = tpu.memref_slice %arg3[%add3A, %dma_start3A_72, %dma_start3A_77] : memref<32x125x80xi32, #tpu.memory_space<hbm>> -> memref<1x1x80xi32, #tpu.memory_space<hbm>>
    %dma_start3A_79 = tpu.memref_squeeze %dma_start3A_78 : memref<1x1x80xi32, #tpu.memory_space<hbm>> -> memref<80xi32, #tpu.memory_space<hbm>>
    %dma_start3A_80 = arith.constant 0 : i32
    %dma_start3A_81 = tpu.memref_slice %arg10[%dma_start3A_73, %dma_start3A_80] : memref<2x80xi32, #tpu.memory_space<vmem>> -> memref<1x80xi32, #tpu.memory_space<vmem>>
    %dma_start3A_82 = tpu.memref_squeeze %dma_start3A_81 : memref<1x80xi32, #tpu.memory_space<vmem>> -> memref<80xi32, #tpu.memory_space<vmem>>
    %dma_start3A_83 = arith.constant 0 : i32
    %dma_start3A_84 = tpu.memref_slice %arg3[%add3A, %dma_start3A_72, %dma_start3A_83] : memref<32x125x80xi32, #tpu.memory_space<hbm>> -> memref<1x1x80xi32, #tpu.memory_space<hbm>>
    %dma_start3A_85 = tpu.memref_squeeze %dma_start3A_84 : memref<1x1x80xi32, #tpu.memory_space<hbm>> -> memref<80xi32, #tpu.memory_space<hbm>>
    tpu.enqueue_dma source(%dma_start3A_85 : memref<80xi32, #tpu.memory_space<hbm>>) target(%dma_start3A_82 : memref<80xi32, #tpu.memory_space<vmem>>) target_semaphore(%arg19 : memref<!tpu.dma_semaphore, #tpu.memory_space<semaphore_mem>>)
    %dma_wait3A = arith.constant 0 : i32
    %dma_wait3A_86 = arith.constant 0 : i32
    %dma_wait3A_87 = arith.constant 0 : i32
    %dma_wait3A_88 = tpu.memref_slice %arg9[%dma_wait3A_86, %dma_wait3A_87] : memref<2x80xi32, #tpu.memory_space<vmem>> -> memref<1x80xi32, #tpu.memory_space<vmem>>
    %dma_wait3A_89 = tpu.memref_squeeze %dma_wait3A_88 : memref<1x80xi32, #tpu.memory_space<vmem>> -> memref<80xi32, #tpu.memory_space<vmem>>
    %dma_wait3A_90 = arith.constant 0 : i32
    %dma_wait3A_91 = tpu.memref_slice %arg2[%add3A, %dma_wait3A, %dma_wait3A_90] : memref<32x125x80xi32, #tpu.memory_space<hbm>> -> memref<1x1x80xi32, #tpu.memory_space<hbm>>
    %dma_wait3A_92 = tpu.memref_squeeze %dma_wait3A_91 : memref<1x1x80xi32, #tpu.memory_space<hbm>> -> memref<80xi32, #tpu.memory_space<hbm>>
    %dma_wait3A_93 = arith.constant 0 : i32
    %dma_wait3A_94 = tpu.memref_slice %arg9[%dma_wait3A_86, %dma_wait3A_93] : memref<2x80xi32, #tpu.memory_space<vmem>> -> memref<1x80xi32, #tpu.memory_space<vmem>>
    %dma_wait3A_95 = tpu.memref_squeeze %dma_wait3A_94 : memref<1x80xi32, #tpu.memory_space<vmem>> -> memref<80xi32, #tpu.memory_space<vmem>>
    %dma_wait3A_96 = arith.constant 0 : i32
    %dma_wait3A_97 = tpu.memref_slice %arg2[%add3A, %dma_wait3A, %dma_wait3A_96] : memref<32x125x80xi32, #tpu.memory_space<hbm>> -> memref<1x1x80xi32, #tpu.memory_space<hbm>>
    %dma_wait3A_98 = tpu.memref_squeeze %dma_wait3A_97 : memref<1x1x80xi32, #tpu.memory_space<hbm>> -> memref<80xi32, #tpu.memory_space<hbm>>
    tpu.wait_dma2 semaphore(%arg16 : memref<!tpu.dma_semaphore, #tpu.memory_space<semaphore_mem>>) src(%dma_wait3A_98 : memref<80xi32, #tpu.memory_space<hbm>>) dst(%dma_wait3A_95 : memref<80xi32, #tpu.memory_space<vmem>>)
    %dma_start3A_99 = arith.constant 0 : i32
    %dma_start3A_100 = arith.constant 0 : i32
    %dma_start3A_101 = tpu.memref_slice %arg9[%dma_start3A_99, %dma_start3A_100] : memref<2x80xi32, #tpu.memory_space<vmem>> -> memref<1x80xi32, #tpu.memory_space<vmem>>
    %dma_start3A_102 = tpu.memref_squeeze %dma_start3A_101 : memref<1x80xi32, #tpu.memory_space<vmem>> -> memref<80xi32, #tpu.memory_space<vmem>>
    %dma_start3A_103 = arith.constant 0 : i32
    %dma_start3A_104 = arith.constant 0 : i32
    %dma_start3A_105 = tpu.memref_slice %arg4[%dma_start3A_103, %dma_start3A_104] : memref<10240x128xf32, #tpu.memory_space<hbm>> -> memref<10240x128xf32, #tpu.memory_space<hbm>>
    tpu.enqueue_indirect_dma source(%dma_start3A_105 : memref<10240x128xf32, #tpu.memory_space<hbm>>) target(%arg11 : memref<80x128xf32, #tpu.memory_space<vmem>>) offsets(%dma_start3A_102 : memref<80xi32, #tpu.memory_space<vmem>>) semaphore(%arg14 : memref<!tpu.dma_semaphore, #tpu.memory_space<semaphore_mem>>)
    %barrier3A = arith.constant 0 : index
    tpu.barrier barrier_id(%barrier3A)
    %scan3A = arith.constant 0 : i32
    %scan3A_106 = arith.constant 0 : i32
    %scan3A_107 = arith.constant 62 : i32
    %scan3A_108 = arith.addi %scan3A_106, %scan3A_107 : i32
    %scan3A_109 = arith.constant 1 : i32
    scf.for %scan3A_134 = %scan3A_106 to %scan3A_108 step %scan3A_109  : i32 {
      %mul3A_135 = arith.constant 2 : i32
      %mul3A_136 = arith.muli %mul3A_135, %scan3A_134 : i32
      %dma_wait3A_137 = arith.constant 0 : i32
      %dma_wait3A_138 = arith.constant 1 : i32
      %dma_wait3A_139 = arith.constant 0 : i32
      %dma_wait3A_140 = tpu.memref_slice %arg9[%dma_wait3A_138, %dma_wait3A_139] : memref<2x80xi32, #tpu.memory_space<vmem>> -> memref<1x80xi32, #tpu.memory_space<vmem>>
      %dma_wait3A_141 = tpu.memref_squeeze %dma_wait3A_140 : memref<1x80xi32, #tpu.memory_space<vmem>> -> memref<80xi32, #tpu.memory_space<vmem>>
      %dma_wait3A_142 = arith.constant 0 : i32
      %dma_wait3A_143 = tpu.memref_slice %arg2[%add3A, %dma_wait3A_137, %dma_wait3A_142] : memref<32x125x80xi32, #tpu.memory_space<hbm>> -> memref<1x1x80xi32, #tpu.memory_space<hbm>>
      %dma_wait3A_144 = tpu.memref_squeeze %dma_wait3A_143 : memref<1x1x80xi32, #tpu.memory_space<hbm>> -> memref<80xi32, #tpu.memory_space<hbm>>
      %dma_wait3A_145 = arith.constant 0 : i32
      %dma_wait3A_146 = tpu.memref_slice %arg9[%dma_wait3A_138, %dma_wait3A_145] : memref<2x80xi32, #tpu.memory_space<vmem>> -> memref<1x80xi32, #tpu.memory_space<vmem>>
      %dma_wait3A_147 = tpu.memref_squeeze %dma_wait3A_146 : memref<1x80xi32, #tpu.memory_space<vmem>> -> memref<80xi32, #tpu.memory_space<vmem>>
      %dma_wait3A_148 = arith.constant 0 : i32
      %dma_wait3A_149 = tpu.memref_slice %arg2[%add3A, %dma_wait3A_137, %dma_wait3A_148] : memref<32x125x80xi32, #tpu.memory_space<hbm>> -> memref<1x1x80xi32, #tpu.memory_space<hbm>>
      %dma_wait3A_150 = tpu.memref_squeeze %dma_wait3A_149 : memref<1x1x80xi32, #tpu.memory_space<hbm>> -> memref<80xi32, #tpu.memory_space<hbm>>
      tpu.wait_dma2 semaphore(%arg17 : memref<!tpu.dma_semaphore, #tpu.memory_space<semaphore_mem>>) src(%dma_wait3A_150 : memref<80xi32, #tpu.memory_space<hbm>>) dst(%dma_wait3A_147 : memref<80xi32, #tpu.memory_space<vmem>>)
      %dma_start3A_151 = arith.constant 1 : i32
      %dma_start3A_152 = arith.constant 0 : i32
      %dma_start3A_153 = tpu.memref_slice %arg9[%dma_start3A_151, %dma_start3A_152] : memref<2x80xi32, #tpu.memory_space<vmem>> -> memref<1x80xi32, #tpu.memory_space<vmem>>
      %dma_start3A_154 = tpu.memref_squeeze %dma_start3A_153 : memref<1x80xi32, #tpu.memory_space<vmem>> -> memref<80xi32, #tpu.memory_space<vmem>>
      %dma_start3A_155 = arith.constant 0 : i32
      %dma_start3A_156 = arith.constant 0 : i32
      %dma_start3A_157 = tpu.memref_slice %arg4[%dma_start3A_155, %dma_start3A_156] : memref<10240x128xf32, #tpu.memory_space<hbm>> -> memref<10240x128xf32, #tpu.memory_space<hbm>>
      tpu.enqueue_indirect_dma source(%dma_start3A_157 : memref<10240x128xf32, #tpu.memory_space<hbm>>) target(%arg12 : memref<80x128xf32, #tpu.memory_space<vmem>>) offsets(%dma_start3A_154 : memref<80xi32, #tpu.memory_space<vmem>>) semaphore(%arg15 : memref<!tpu.dma_semaphore, #tpu.memory_space<semaphore_mem>>)
      %dma_wait3A_158 = arith.constant 0 : i32
      %dma_wait3A_159 = arith.constant 0 : i32
      %dma_wait3A_160 = tpu.memref_slice %arg9[%dma_wait3A_158, %dma_wait3A_159] : memref<2x80xi32, #tpu.memory_space<vmem>> -> memref<1x80xi32, #tpu.memory_space<vmem>>
      %dma_wait3A_161 = tpu.memref_squeeze %dma_wait3A_160 : memref<1x80xi32, #tpu.memory_space<vmem>> -> memref<80xi32, #tpu.memory_space<vmem>>
      %dma_wait3A_162 = arith.constant 0 : i32
      %dma_wait3A_163 = arith.constant 0 : i32
      %dma_wait3A_164 = tpu.memref_slice %arg4[%dma_wait3A_162, %dma_wait3A_163] : memref<10240x128xf32, #tpu.memory_space<hbm>> -> memref<10240x128xf32, #tpu.memory_space<hbm>>
      tpu.wait_indirect_dma semaphore(%arg14 : memref<!tpu.dma_semaphore, #tpu.memory_space<semaphore_mem>>) src(%dma_wait3A_164 : memref<10240x128xf32, #tpu.memory_space<hbm>>) dst(%arg11 : memref<80x128xf32, #tpu.memory_space<vmem>>)
      %add3A_165 = arith.constant 2 : i32
      %add3A_166 = arith.addi %mul3A_136, %add3A_165 : i32
      %dma_start3A_167 = arith.constant 0 : i32
      %dma_start3A_168 = arith.constant 0 : i32
      %dma_start3A_169 = tpu.memref_slice %arg9[%dma_start3A_167, %dma_start3A_168] : memref<2x80xi32, #tpu.memory_space<vmem>> -> memref<1x80xi32, #tpu.memory_space<vmem>>
      %dma_start3A_170 = tpu.memref_squeeze %dma_start3A_169 : memref<1x80xi32, #tpu.memory_space<vmem>> -> memref<80xi32, #tpu.memory_space<vmem>>
      %dma_start3A_171 = arith.constant 0 : i32
      %dma_start3A_172 = tpu.memref_slice %arg2[%add3A, %add3A_166, %dma_start3A_171] : memref<32x125x80xi32, #tpu.memory_space<hbm>> -> memref<1x1x80xi32, #tpu.memory_space<hbm>>
      %dma_start3A_173 = tpu.memref_squeeze %dma_start3A_172 : memref<1x1x80xi32, #tpu.memory_space<hbm>> -> memref<80xi32, #tpu.memory_space<hbm>>
      %dma_start3A_174 = arith.constant 0 : i32
      %dma_start3A_175 = tpu.memref_slice %arg9[%dma_start3A_167, %dma_start3A_174] : memref<2x80xi32, #tpu.memory_space<vmem>> -> memref<1x80xi32, #tpu.memory_space<vmem>>
      %dma_start3A_176 = tpu.memref_squeeze %dma_start3A_175 : memref<1x80xi32, #tpu.memory_space<vmem>> -> memref<80xi32, #tpu.memory_space<vmem>>
      %dma_start3A_177 = arith.constant 0 : i32
      %dma_start3A_178 = tpu.memref_slice %arg2[%add3A, %add3A_166, %dma_start3A_177] : memref<32x125x80xi32, #tpu.memory_space<hbm>> -> memref<1x1x80xi32, #tpu.memory_space<hbm>>
      %dma_start3A_179 = tpu.memref_squeeze %dma_start3A_178 : memref<1x1x80xi32, #tpu.memory_space<hbm>> -> memref<80xi32, #tpu.memory_space<hbm>>
      tpu.enqueue_dma source(%dma_start3A_179 : memref<80xi32, #tpu.memory_space<hbm>>) target(%dma_start3A_176 : memref<80xi32, #tpu.memory_space<vmem>>) target_semaphore(%arg16 : memref<!tpu.dma_semaphore, #tpu.memory_space<semaphore_mem>>)
      %dma_wait3A_180 = arith.constant 0 : i32
      %dma_wait3A_181 = arith.constant 0 : i32
      %dma_wait3A_182 = arith.constant 0 : i32
      %dma_wait3A_183 = tpu.memref_slice %arg10[%dma_wait3A_181, %dma_wait3A_182] : memref<2x80xi32, #tpu.memory_space<vmem>> -> memref<1x80xi32, #tpu.memory_space<vmem>>
      %dma_wait3A_184 = tpu.memref_squeeze %dma_wait3A_183 : memref<1x80xi32, #tpu.memory_space<vmem>> -> memref<80xi32, #tpu.memory_space<vmem>>
      %dma_wait3A_185 = arith.constant 0 : i32
      %dma_wait3A_186 = tpu.memref_slice %arg3[%add3A, %dma_wait3A_180, %dma_wait3A_185] : memref<32x125x80xi32, #tpu.memory_space<hbm>> -> memref<1x1x80xi32, #tpu.memory_space<hbm>>
      %dma_wait3A_187 = tpu.memref_squeeze %dma_wait3A_186 : memref<1x1x80xi32, #tpu.memory_space<hbm>> -> memref<80xi32, #tpu.memory_space<hbm>>
      %dma_wait3A_188 = arith.constant 0 : i32
      %dma_wait3A_189 = tpu.memref_slice %arg10[%dma_wait3A_181, %dma_wait3A_188] : memref<2x80xi32, #tpu.memory_space<vmem>> -> memref<1x80xi32, #tpu.memory_space<vmem>>
      %dma_wait3A_190 = tpu.memref_squeeze %dma_wait3A_189 : memref<1x80xi32, #tpu.memory_space<vmem>> -> memref<80xi32, #tpu.memory_space<vmem>>
      %dma_wait3A_191 = arith.constant 0 : i32
      %dma_wait3A_192 = tpu.memref_slice %arg3[%add3A, %dma_wait3A_180, %dma_wait3A_191] : memref<32x125x80xi32, #tpu.memory_space<hbm>> -> memref<1x1x80xi32, #tpu.memory_space<hbm>>
      %dma_wait3A_193 = tpu.memref_squeeze %dma_wait3A_192 : memref<1x1x80xi32, #tpu.memory_space<hbm>> -> memref<80xi32, #tpu.memory_space<hbm>>
      tpu.wait_dma2 semaphore(%arg18 : memref<!tpu.dma_semaphore, #tpu.memory_space<semaphore_mem>>) src(%dma_wait3A_193 : memref<80xi32, #tpu.memory_space<hbm>>) dst(%dma_wait3A_190 : memref<80xi32, #tpu.memory_space<vmem>>)
      %run_scoped3A_194 = arith.constant 0 : i32
      "tpu.region"() ({
        %run_scoped3A_266 = tpu.sem_alloc : memref<!tpu.dma_semaphore, #tpu.memory_space<semaphore_mem>>
        %dma_start3A_267 = arith.constant 0 : i32
        %dma_start3A_268 = tpu.memref_slice %arg10[%run_scoped3A_194, %dma_start3A_267] : memref<2x80xi32, #tpu.memory_space<vmem>> -> memref<1x80xi32, #tpu.memory_space<vmem>>
        %dma_start3A_269 = tpu.memref_squeeze %dma_start3A_268 : memref<1x80xi32, #tpu.memory_space<vmem>> -> memref<80xi32, #tpu.memory_space<vmem>>
        %dma_start3A_270 = arith.constant 0 : i32
        %dma_start3A_271 = arith.constant 0 : i32
        %dma_start3A_272 = tpu.memref_slice %arg13[%dma_start3A_270, %dma_start3A_271] : memref<10240x128xf32, #tpu.memory_space<vmem_shared>> -> memref<10240x128xf32, #tpu.memory_space<vmem_shared>>
        tpu.enqueue_indirect_dma source(%arg11 : memref<80x128xf32, #tpu.memory_space<vmem>>) target(%dma_start3A_272 : memref<10240x128xf32, #tpu.memory_space<vmem_shared>>) offsets(%dma_start3A_269 : memref<80xi32, #tpu.memory_space<vmem>>) semaphore(%run_scoped3A_266 : memref<!tpu.dma_semaphore, #tpu.memory_space<semaphore_mem>>) {add = true}
        %dma_wait3A_273 = arith.constant 0 : i32
        %dma_wait3A_274 = tpu.memref_slice %arg10[%run_scoped3A_194, %dma_wait3A_273] : memref<2x80xi32, #tpu.memory_space<vmem>> -> memref<1x80xi32, #tpu.memory_space<vmem>>
        %dma_wait3A_275 = tpu.memref_squeeze %dma_wait3A_274 : memref<1x80xi32, #tpu.memory_space<vmem>> -> memref<80xi32, #tpu.memory_space<vmem>>
        %dma_wait3A_276 = arith.constant 0 : i32
        %dma_wait3A_277 = arith.constant 0 : i32
        %dma_wait3A_278 = tpu.memref_slice %arg13[%dma_wait3A_276, %dma_wait3A_277] : memref<10240x128xf32, #tpu.memory_space<vmem_shared>> -> memref<10240x128xf32, #tpu.memory_space<vmem_shared>>
        tpu.wait_indirect_dma semaphore(%run_scoped3A_266 : memref<!tpu.dma_semaphore, #tpu.memory_space<semaphore_mem>>) src(%arg11 : memref<80x128xf32, #tpu.memory_space<vmem>>) dst(%dma_wait3A_278 : memref<10240x128xf32, #tpu.memory_space<vmem_shared>>)
        tpu.yield
      }) : () -> ()
      %run_scoped3A_195 = arith.constant 0 : i32
      "tpu.region"() ({
        %run_scoped3A_266 = tpu.sem_alloc : memref<!tpu.dma_semaphore, #tpu.memory_space<semaphore_mem>>
        %dma_start3A_267 = arith.constant 0 : i32
        %dma_start3A_268 = tpu.memref_slice %arg10[%run_scoped3A_195, %dma_start3A_267] : memref<2x80xi32, #tpu.memory_space<vmem>> -> memref<1x80xi32, #tpu.memory_space<vmem>>
        %dma_start3A_269 = tpu.memref_squeeze %dma_start3A_268 : memref<1x80xi32, #tpu.memory_space<vmem>> -> memref<80xi32, #tpu.memory_space<vmem>>
        %dma_start3A_270 = arith.constant 0 : i32
        %dma_start3A_271 = tpu.memref_slice %arg21[%dma_start3A_270] : memref<10240xf32, #tpu.memory_space<vmem_shared>> -> memref<10240xf32, #tpu.memory_space<vmem_shared>>
        tpu.enqueue_indirect_dma source(%arg20 : memref<80xf32, #tpu.memory_space<vmem>>) target(%dma_start3A_271 : memref<10240xf32, #tpu.memory_space<vmem_shared>>) offsets(%dma_start3A_269 : memref<80xi32, #tpu.memory_space<vmem>>) semaphore(%run_scoped3A_266 : memref<!tpu.dma_semaphore, #tpu.memory_space<semaphore_mem>>) {add = true}
        %dma_wait3A_272 = arith.constant 0 : i32
        %dma_wait3A_273 = tpu.memref_slice %arg10[%run_scoped3A_195, %dma_wait3A_272] : memref<2x80xi32, #tpu.memory_space<vmem>> -> memref<1x80xi32, #tpu.memory_space<vmem>>
        %dma_wait3A_274 = tpu.memref_squeeze %dma_wait3A_273 : memref<1x80xi32, #tpu.memory_space<vmem>> -> memref<80xi32, #tpu.memory_space<vmem>>
        %dma_wait3A_275 = arith.constant 0 : i32
        %dma_wait3A_276 = tpu.memref_slice %arg21[%dma_wait3A_275] : memref<10240xf32, #tpu.memory_space<vmem_shared>> -> memref<10240xf32, #tpu.memory_space<vmem_shared>>
        tpu.wait_indirect_dma semaphore(%run_scoped3A_266 : memref<!tpu.dma_semaphore, #tpu.memory_space<semaphore_mem>>) src(%arg20 : memref<80xf32, #tpu.memory_space<vmem>>) dst(%dma_wait3A_276 : memref<10240xf32, #tpu.memory_space<vmem_shared>>)
        tpu.yield
      }) : () -> ()
      %add3A_196 = arith.constant 2 : i32
      %add3A_197 = arith.addi %mul3A_136, %add3A_196 : i32
      %dma_start3A_198 = arith.constant 0 : i32
      %dma_start3A_199 = arith.constant 0 : i32
      %dma_start3A_200 = tpu.memref_slice %arg10[%dma_start3A_198, %dma_start3A_199] : memref<2x80xi32, #tpu.memory_space<vmem>> -> memref<1x80xi32, #tpu.memory_space<vmem>>
      %dma_start3A_201 = tpu.memref_squeeze %dma_start3A_200 : memref<1x80xi32, #tpu.memory_space<vmem>> -> memref<80xi32, #tpu.memory_space<vmem>>
      %dma_start3A_202 = arith.constant 0 : i32
      %dma_start3A_203 = tpu.memref_slice %arg3[%add3A, %add3A_197, %dma_start3A_202] : memref<32x125x80xi32, #tpu.memory_space<hbm>> -> memref<1x1x80xi32, #tpu.memory_space<hbm>>
      %dma_start3A_204 = tpu.memref_squeeze %dma_start3A_203 : memref<1x1x80xi32, #tpu.memory_space<hbm>> -> memref<80xi32, #tpu.memory_space<hbm>>
      %dma_start3A_205 = arith.constant 0 : i32
      %dma_start3A_206 = tpu.memref_slice %arg10[%dma_start3A_198, %dma_start3A_205] : memref<2x80xi32, #tpu.memory_space<vmem>> -> memref<1x80xi32, #tpu.memory_space<vmem>>
      %dma_start3A_207 = tpu.memref_squeeze %dma_start3A_206 : memref<1x80xi32, #tpu.memory_space<vmem>> -> memref<80xi32, #tpu.memory_space<vmem>>
      %dma_start3A_208 = arith.constant 0 : i32
      %dma_start3A_209 = tpu.memref_slice %arg3[%add3A, %add3A_197, %dma_start3A_208] : memref<32x125x80xi32, #tpu.memory_space<hbm>> -> memref<1x1x80xi32, #tpu.memory_space<hbm>>
      %dma_start3A_210 = tpu.memref_squeeze %dma_start3A_209 : memref<1x1x80xi32, #tpu.memory_space<hbm>> -> memref<80xi32, #tpu.memory_space<hbm>>
      tpu.enqueue_dma source(%dma_start3A_210 : memref<80xi32, #tpu.memory_space<hbm>>) target(%dma_start3A_207 : memref<80xi32, #tpu.memory_space<vmem>>) target_semaphore(%arg18 : memref<!tpu.dma_semaphore, #tpu.memory_space<semaphore_mem>>)
      %dma_wait3A_211 = arith.constant 0 : i32
      %dma_wait3A_212 = arith.constant 0 : i32
      %dma_wait3A_213 = arith.constant 0 : i32
      %dma_wait3A_214 = tpu.memref_slice %arg9[%dma_wait3A_212, %dma_wait3A_213] : memref<2x80xi32, #tpu.memory_space<vmem>> -> memref<1x80xi32, #tpu.memory_space<vmem>>
      %dma_wait3A_215 = tpu.memref_squeeze %dma_wait3A_214 : memref<1x80xi32, #tpu.memory_space<vmem>> -> memref<80xi32, #tpu.memory_space<vmem>>
      %dma_wait3A_216 = arith.constant 0 : i32
      %dma_wait3A_217 = tpu.memref_slice %arg2[%add3A, %dma_wait3A_211, %dma_wait3A_216] : memref<32x125x80xi32, #tpu.memory_space<hbm>> -> memref<1x1x80xi32, #tpu.memory_space<hbm>>
      %dma_wait3A_218 = tpu.memref_squeeze %dma_wait3A_217 : memref<1x1x80xi32, #tpu.memory_space<hbm>> -> memref<80xi32, #tpu.memory_space<hbm>>
      %dma_wait3A_219 = arith.constant 0 : i32
      %dma_wait3A_220 = tpu.memref_slice %arg9[%dma_wait3A_212, %dma_wait3A_219] : memref<2x80xi32, #tpu.memory_space<vmem>> -> memref<1x80xi32, #tpu.memory_space<vmem>>
      %dma_wait3A_221 = tpu.memref_squeeze %dma_wait3A_220 : memref<1x80xi32, #tpu.memory_space<vmem>> -> memref<80xi32, #tpu.memory_space<vmem>>
      %dma_wait3A_222 = arith.constant 0 : i32
      %dma_wait3A_223 = tpu.memref_slice %arg2[%add3A, %dma_wait3A_211, %dma_wait3A_222] : memref<32x125x80xi32, #tpu.memory_space<hbm>> -> memref<1x1x80xi32, #tpu.memory_space<hbm>>
      %dma_wait3A_224 = tpu.memref_squeeze %dma_wait3A_223 : memref<1x1x80xi32, #tpu.memory_space<hbm>> -> memref<80xi32, #tpu.memory_space<hbm>>
      tpu.wait_dma2 semaphore(%arg16 : memref<!tpu.dma_semaphore, #tpu.memory_space<semaphore_mem>>) src(%dma_wait3A_224 : memref<80xi32, #tpu.memory_space<hbm>>) dst(%dma_wait3A_221 : memref<80xi32, #tpu.memory_space<vmem>>)
      %dma_start3A_225 = arith.constant 0 : i32
      %dma_start3A_226 = arith.constant 0 : i32
      %dma_start3A_227 = tpu.memref_slice %arg9[%dma_start3A_225, %dma_start3A_226] : memref<2x80xi32, #tpu.memory_space<vmem>> -> memref<1x80xi32, #tpu.memory_space<vmem>>
      %dma_start3A_228 = tpu.memref_squeeze %dma_start3A_227 : memref<1x80xi32, #tpu.memory_space<vmem>> -> memref<80xi32, #tpu.memory_space<vmem>>
      %dma_start3A_229 = arith.constant 0 : i32
      %dma_start3A_230 = arith.constant 0 : i32
      %dma_start3A_231 = tpu.memref_slice %arg4[%dma_start3A_229, %dma_start3A_230] : memref<10240x128xf32, #tpu.memory_space<hbm>> -> memref<10240x128xf32, #tpu.memory_space<hbm>>
      tpu.enqueue_indirect_dma source(%dma_start3A_231 : memref<10240x128xf32, #tpu.memory_space<hbm>>) target(%arg11 : memref<80x128xf32, #tpu.memory_space<vmem>>) offsets(%dma_start3A_228 : memref<80xi32, #tpu.memory_space<vmem>>) semaphore(%arg14 : memref<!tpu.dma_semaphore, #tpu.memory_space<semaphore_mem>>)
      %dma_wait3A_232 = arith.constant 0 : i32
      %dma_wait3A_233 = arith.constant 0 : i32
      %dma_wait3A_234 = tpu.memref_slice %arg9[%dma_wait3A_232, %dma_wait3A_233] : memref<2x80xi32, #tpu.memory_space<vmem>> -> memref<1x80xi32, #tpu.memory_space<vmem>>
      %dma_wait3A_235 = tpu.memref_squeeze %dma_wait3A_234 : memref<1x80xi32, #tpu.memory_space<vmem>> -> memref<80xi32, #tpu.memory_space<vmem>>
      %dma_wait3A_236 = arith.constant 0 : i32
      %dma_wait3A_237 = arith.constant 0 : i32
      %dma_wait3A_238 = tpu.memref_slice %arg4[%dma_wait3A_236, %dma_wait3A_237] : memref<10240x128xf32, #tpu.memory_space<hbm>> -> memref<10240x128xf32, #tpu.memory_space<hbm>>
      tpu.wait_indirect_dma semaphore(%arg15 : memref<!tpu.dma_semaphore, #tpu.memory_space<semaphore_mem>>) src(%dma_wait3A_238 : memref<10240x128xf32, #tpu.memory_space<hbm>>) dst(%arg12 : memref<80x128xf32, #tpu.memory_space<vmem>>)
      %add3A_239 = arith.constant 3 : i32
      %add3A_240 = arith.addi %mul3A_136, %add3A_239 : i32
      %lt3A = arith.constant 125 : i32
      %lt3A_241 = arith.cmpi slt, %add3A_240, %lt3A : i32
      %convert_element_type3A = arith.extui %lt3A_241 : i1 to i32
      %cond3A = arith.constant 0 : i32
      %cond3A_242 = arith.cmpi ne, %convert_element_type3A, %cond3A : i32
      scf.if %cond3A_242 {
        %add3A_266 = arith.constant 3 : i32
        %add3A_267 = arith.addi %mul3A_136, %add3A_266 : i32
        %dma_start3A_268 = arith.constant 1 : i32
        %dma_start3A_269 = arith.constant 0 : i32
        %dma_start3A_270 = tpu.memref_slice %arg9[%dma_start3A_268, %dma_start3A_269] : memref<2x80xi32, #tpu.memory_space<vmem>> -> memref<1x80xi32, #tpu.memory_space<vmem>>
        %dma_start3A_271 = tpu.memref_squeeze %dma_start3A_270 : memref<1x80xi32, #tpu.memory_space<vmem>> -> memref<80xi32, #tpu.memory_space<vmem>>
        %dma_start3A_272 = arith.constant 0 : i32
        %dma_start3A_273 = tpu.memref_slice %arg2[%add3A, %add3A_267, %dma_start3A_272] : memref<32x125x80xi32, #tpu.memory_space<hbm>> -> memref<1x1x80xi32, #tpu.memory_space<hbm>>
        %dma_start3A_274 = tpu.memref_squeeze %dma_start3A_273 : memref<1x1x80xi32, #tpu.memory_space<hbm>> -> memref<80xi32, #tpu.memory_space<hbm>>
        %dma_start3A_275 = arith.constant 0 : i32
        %dma_start3A_276 = tpu.memref_slice %arg9[%dma_start3A_268, %dma_start3A_275] : memref<2x80xi32, #tpu.memory_space<vmem>> -> memref<1x80xi32, #tpu.memory_space<vmem>>
        %dma_start3A_277 = tpu.memref_squeeze %dma_start3A_276 : memref<1x80xi32, #tpu.memory_space<vmem>> -> memref<80xi32, #tpu.memory_space<vmem>>
        %dma_start3A_278 = arith.constant 0 : i32
        %dma_start3A_279 = tpu.memref_slice %arg2[%add3A, %add3A_267, %dma_start3A_278] : memref<32x125x80xi32, #tpu.memory_space<hbm>> -> memref<1x1x80xi32, #tpu.memory_space<hbm>>
        %dma_start3A_280 = tpu.memref_squeeze %dma_start3A_279 : memref<1x1x80xi32, #tpu.memory_space<hbm>> -> memref<80xi32, #tpu.memory_space<hbm>>
        tpu.enqueue_dma source(%dma_start3A_280 : memref<80xi32, #tpu.memory_space<hbm>>) target(%dma_start3A_277 : memref<80xi32, #tpu.memory_space<vmem>>) target_semaphore(%arg17 : memref<!tpu.dma_semaphore, #tpu.memory_space<semaphore_mem>>)
      } else {
      }
      %dma_wait3A_243 = arith.constant 0 : i32
      %dma_wait3A_244 = arith.constant 1 : i32
      %dma_wait3A_245 = arith.constant 0 : i32
      %dma_wait3A_246 = tpu.memref_slice %arg10[%dma_wait3A_244, %dma_wait3A_245] : memref<2x80xi32, #tpu.memory_space<vmem>> -> memref<1x80xi32, #tpu.memory_space<vmem>>
      %dma_wait3A_247 = tpu.memref_squeeze %dma_wait3A_246 : memref<1x80xi32, #tpu.memory_space<vmem>> -> memref<80xi32, #tpu.memory_space<vmem>>
      %dma_wait3A_248 = arith.constant 0 : i32
      %dma_wait3A_249 = tpu.memref_slice %arg3[%add3A, %dma_wait3A_243, %dma_wait3A_248] : memref<32x125x80xi32, #tpu.memory_space<hbm>> -> memref<1x1x80xi32, #tpu.memory_space<hbm>>
      %dma_wait3A_250 = tpu.memref_squeeze %dma_wait3A_249 : memref<1x1x80xi32, #tpu.memory_space<hbm>> -> memref<80xi32, #tpu.memory_space<hbm>>
      %dma_wait3A_251 = arith.constant 0 : i32
      %dma_wait3A_252 = tpu.memref_slice %arg10[%dma_wait3A_244, %dma_wait3A_251] : memref<2x80xi32, #tpu.memory_space<vmem>> -> memref<1x80xi32, #tpu.memory_space<vmem>>
      %dma_wait3A_253 = tpu.memref_squeeze %dma_wait3A_252 : memref<1x80xi32, #tpu.memory_space<vmem>> -> memref<80xi32, #tpu.memory_space<vmem>>
      %dma_wait3A_254 = arith.constant 0 : i32
      %dma_wait3A_255 = tpu.memref_slice %arg3[%add3A, %dma_wait3A_243, %dma_wait3A_254] : memref<32x125x80xi32, #tpu.memory_space<hbm>> -> memref<1x1x80xi32, #tpu.memory_space<hbm>>
      %dma_wait3A_256 = tpu.memref_squeeze %dma_wait3A_255 : memref<1x1x80xi32, #tpu.memory_space<hbm>> -> memref<80xi32, #tpu.memory_space<hbm>>
      tpu.wait_dma2 semaphore(%arg19 : memref<!tpu.dma_semaphore, #tpu.memory_space<semaphore_mem>>) src(%dma_wait3A_256 : memref<80xi32, #tpu.memory_space<hbm>>) dst(%dma_wait3A_253 : memref<80xi32, #tpu.memory_space<vmem>>)
      %run_scoped3A_257 = arith.constant 1 : i32
      "tpu.region"() ({
        %run_scoped3A_266 = tpu.sem_alloc : memref<!tpu.dma_semaphore, #tpu.memory_space<semaphore_mem>>
        %dma_start3A_267 = arith.constant 0 : i32
        %dma_start3A_268 = tpu.memref_slice %arg10[%run_scoped3A_257, %dma_start3A_267] : memref<2x80xi32, #tpu.memory_space<vmem>> -> memref<1x80xi32, #tpu.memory_space<vmem>>
        %dma_start3A_269 = tpu.memref_squeeze %dma_start3A_268 : memref<1x80xi32, #tpu.memory_space<vmem>> -> memref<80xi32, #tpu.memory_space<vmem>>
        %dma_start3A_270 = arith.constant 0 : i32
        %dma_start3A_271 = arith.constant 0 : i32
        %dma_start3A_272 = tpu.memref_slice %arg13[%dma_start3A_270, %dma_start3A_271] : memref<10240x128xf32, #tpu.memory_space<vmem_shared>> -> memref<10240x128xf32, #tpu.memory_space<vmem_shared>>
        tpu.enqueue_indirect_dma source(%arg12 : memref<80x128xf32, #tpu.memory_space<vmem>>) target(%dma_start3A_272 : memref<10240x128xf32, #tpu.memory_space<vmem_shared>>) offsets(%dma_start3A_269 : memref<80xi32, #tpu.memory_space<vmem>>) semaphore(%run_scoped3A_266 : memref<!tpu.dma_semaphore, #tpu.memory_space<semaphore_mem>>) {add = true}
        %dma_wait3A_273 = arith.constant 0 : i32
        %dma_wait3A_274 = tpu.memref_slice %arg10[%run_scoped3A_257, %dma_wait3A_273] : memref<2x80xi32, #tpu.memory_space<vmem>> -> memref<1x80xi32, #tpu.memory_space<vmem>>
        %dma_wait3A_275 = tpu.memref_squeeze %dma_wait3A_274 : memref<1x80xi32, #tpu.memory_space<vmem>> -> memref<80xi32, #tpu.memory_space<vmem>>
        %dma_wait3A_276 = arith.constant 0 : i32
        %dma_wait3A_277 = arith.constant 0 : i32
        %dma_wait3A_278 = tpu.memref_slice %arg13[%dma_wait3A_276, %dma_wait3A_277] : memref<10240x128xf32, #tpu.memory_space<vmem_shared>> -> memref<10240x128xf32, #tpu.memory_space<vmem_shared>>
        tpu.wait_indirect_dma semaphore(%run_scoped3A_266 : memref<!tpu.dma_semaphore, #tpu.memory_space<semaphore_mem>>) src(%arg12 : memref<80x128xf32, #tpu.memory_space<vmem>>) dst(%dma_wait3A_278 : memref<10240x128xf32, #tpu.memory_space<vmem_shared>>)
        tpu.yield
      }) : () -> ()
      %run_scoped3A_258 = arith.constant 1 : i32
      "tpu.region"() ({
        %run_scoped3A_266 = tpu.sem_alloc : memref<!tpu.dma_semaphore, #tpu.memory_space<semaphore_mem>>
        %dma_start3A_267 = arith.constant 0 : i32
        %dma_start3A_268 = tpu.memref_slice %arg10[%run_scoped3A_258, %dma_start3A_267] : memref<2x80xi32, #tpu.memory_space<vmem>> -> memref<1x80xi32, #tpu.memory_space<vmem>>
        %dma_start3A_269 = tpu.memref_squeeze %dma_start3A_268 : memref<1x80xi32, #tpu.memory_space<vmem>> -> memref<80xi32, #tpu.memory_space<vmem>>
        %dma_start3A_270 = arith.constant 0 : i32
        %dma_start3A_271 = tpu.memref_slice %arg21[%dma_start3A_270] : memref<10240xf32, #tpu.memory_space<vmem_shared>> -> memref<10240xf32, #tpu.memory_space<vmem_shared>>
        tpu.enqueue_indirect_dma source(%arg20 : memref<80xf32, #tpu.memory_space<vmem>>) target(%dma_start3A_271 : memref<10240xf32, #tpu.memory_space<vmem_shared>>) offsets(%dma_start3A_269 : memref<80xi32, #tpu.memory_space<vmem>>) semaphore(%run_scoped3A_266 : memref<!tpu.dma_semaphore, #tpu.memory_space<semaphore_mem>>) {add = true}
        %dma_wait3A_272 = arith.constant 0 : i32
        %dma_wait3A_273 = tpu.memref_slice %arg10[%run_scoped3A_258, %dma_wait3A_272] : memref<2x80xi32, #tpu.memory_space<vmem>> -> memref<1x80xi32, #tpu.memory_space<vmem>>
        %dma_wait3A_274 = tpu.memref_squeeze %dma_wait3A_273 : memref<1x80xi32, #tpu.memory_space<vmem>> -> memref<80xi32, #tpu.memory_space<vmem>>
        %dma_wait3A_275 = arith.constant 0 : i32
        %dma_wait3A_276 = tpu.memref_slice %arg21[%dma_wait3A_275] : memref<10240xf32, #tpu.memory_space<vmem_shared>> -> memref<10240xf32, #tpu.memory_space<vmem_shared>>
        tpu.wait_indirect_dma semaphore(%run_scoped3A_266 : memref<!tpu.dma_semaphore, #tpu.memory_space<semaphore_mem>>) src(%arg20 : memref<80xf32, #tpu.memory_space<vmem>>) dst(%dma_wait3A_276 : memref<10240xf32, #tpu.memory_space<vmem_shared>>)
        tpu.yield
      }) : () -> ()
      %add3A_259 = arith.constant 3 : i32
      %add3A_260 = arith.addi %mul3A_136, %add3A_259 : i32
      %lt3A_261 = arith.constant 125 : i32
      %lt3A_262 = arith.cmpi slt, %add3A_260, %lt3A_261 : i32
      %convert_element_type3A_263 = arith.extui %lt3A_262 : i1 to i32
      %cond3A_264 = arith.constant 0 : i32
      %cond3A_265 = arith.cmpi ne, %convert_element_type3A_263, %cond3A_264 : i32
      scf.if %cond3A_265 {
        %add3A_266 = arith.constant 3 : i32
        %add3A_267 = arith.addi %mul3A_136, %add3A_266 : i32
        %dma_start3A_268 = arith.constant 1 : i32
        %dma_start3A_269 = arith.constant 0 : i32
        %dma_start3A_270 = tpu.memref_slice %arg10[%dma_start3A_268, %dma_start3A_269] : memref<2x80xi32, #tpu.memory_space<vmem>> -> memref<1x80xi32, #tpu.memory_space<vmem>>
        %dma_start3A_271 = tpu.memref_squeeze %dma_start3A_270 : memref<1x80xi32, #tpu.memory_space<vmem>> -> memref<80xi32, #tpu.memory_space<vmem>>
        %dma_start3A_272 = arith.constant 0 : i32
        %dma_start3A_273 = tpu.memref_slice %arg3[%add3A, %add3A_267, %dma_start3A_272] : memref<32x125x80xi32, #tpu.memory_space<hbm>> -> memref<1x1x80xi32, #tpu.memory_space<hbm>>
        %dma_start3A_274 = tpu.memref_squeeze %dma_start3A_273 : memref<1x1x80xi32, #tpu.memory_space<hbm>> -> memref<80xi32, #tpu.memory_space<hbm>>
        %dma_start3A_275 = arith.constant 0 : i32
        %dma_start3A_276 = tpu.memref_slice %arg10[%dma_start3A_268, %dma_start3A_275] : memref<2x80xi32, #tpu.memory_space<vmem>> -> memref<1x80xi32, #tpu.memory_space<vmem>>
        %dma_start3A_277 = tpu.memref_squeeze %dma_start3A_276 : memref<1x80xi32, #tpu.memory_space<vmem>> -> memref<80xi32, #tpu.memory_space<vmem>>
        %dma_start3A_278 = arith.constant 0 : i32
        %dma_start3A_279 = tpu.memref_slice %arg3[%add3A, %add3A_267, %dma_start3A_278] : memref<32x125x80xi32, #tpu.memory_space<hbm>> -> memref<1x1x80xi32, #tpu.memory_space<hbm>>
        %dma_start3A_280 = tpu.memref_squeeze %dma_start3A_279 : memref<1x1x80xi32, #tpu.memory_space<hbm>> -> memref<80xi32, #tpu.memory_space<hbm>>
        tpu.enqueue_dma source(%dma_start3A_280 : memref<80xi32, #tpu.memory_space<hbm>>) target(%dma_start3A_277 : memref<80xi32, #tpu.memory_space<vmem>>) target_semaphore(%arg19 : memref<!tpu.dma_semaphore, #tpu.memory_space<semaphore_mem>>)
      } else {
      }
    }
    %scan3A_110 = arith.constant 62 : i32
    %dma_wait3A_111 = arith.constant 0 : i32
    %dma_wait3A_112 = arith.constant 0 : i32
    %dma_wait3A_113 = tpu.memref_slice %arg9[%dma_wait3A_111, %dma_wait3A_112] : memref<2x80xi32, #tpu.memory_space<vmem>> -> memref<1x80xi32, #tpu.memory_space<vmem>>
    %dma_wait3A_114 = tpu.memref_squeeze %dma_wait3A_113 : memref<1x80xi32, #tpu.memory_space<vmem>> -> memref<80xi32, #tpu.memory_space<vmem>>
    %dma_wait3A_115 = arith.constant 0 : i32
    %dma_wait3A_116 = arith.constant 0 : i32
    %dma_wait3A_117 = tpu.memref_slice %arg4[%dma_wait3A_115, %dma_wait3A_116] : memref<10240x128xf32, #tpu.memory_space<hbm>> -> memref<10240x128xf32, #tpu.memory_space<hbm>>
    tpu.wait_indirect_dma semaphore(%arg14 : memref<!tpu.dma_semaphore, #tpu.memory_space<semaphore_mem>>) src(%dma_wait3A_117 : memref<10240x128xf32, #tpu.memory_space<hbm>>) dst(%arg11 : memref<80x128xf32, #tpu.memory_space<vmem>>)
    %dma_wait3A_118 = arith.constant 0 : i32
    %dma_wait3A_119 = arith.constant 0 : i32
    %dma_wait3A_120 = arith.constant 0 : i32
    %dma_wait3A_121 = tpu.memref_slice %arg10[%dma_wait3A_119, %dma_wait3A_120] : memref<2x80xi32, #tpu.memory_space<vmem>> -> memref<1x80xi32, #tpu.memory_space<vmem>>
    %dma_wait3A_122 = tpu.memref_squeeze %dma_wait3A_121 : memref<1x80xi32, #tpu.memory_space<vmem>> -> memref<80xi32, #tpu.memory_space<vmem>>
    %dma_wait3A_123 = arith.constant 0 : i32
    %dma_wait3A_124 = tpu.memref_slice %arg3[%add3A, %dma_wait3A_118, %dma_wait3A_123] : memref<32x125x80xi32, #tpu.memory_space<hbm>> -> memref<1x1x80xi32, #tpu.memory_space<hbm>>
    %dma_wait3A_125 = tpu.memref_squeeze %dma_wait3A_124 : memref<1x1x80xi32, #tpu.memory_space<hbm>> -> memref<80xi32, #tpu.memory_space<hbm>>
    %dma_wait3A_126 = arith.constant 0 : i32
    %dma_wait3A_127 = tpu.memref_slice %arg10[%dma_wait3A_119, %dma_wait3A_126] : memref<2x80xi32, #tpu.memory_space<vmem>> -> memref<1x80xi32, #tpu.memory_space<vmem>>
    %dma_wait3A_128 = tpu.memref_squeeze %dma_wait3A_127 : memref<1x80xi32, #tpu.memory_space<vmem>> -> memref<80xi32, #tpu.memory_space<vmem>>
    %dma_wait3A_129 = arith.constant 0 : i32
    %dma_wait3A_130 = tpu.memref_slice %arg3[%add3A, %dma_wait3A_118, %dma_wait3A_129] : memref<32x125x80xi32, #tpu.memory_space<hbm>> -> memref<1x1x80xi32, #tpu.memory_space<hbm>>
    %dma_wait3A_131 = tpu.memref_squeeze %dma_wait3A_130 : memref<1x1x80xi32, #tpu.memory_space<hbm>> -> memref<80xi32, #tpu.memory_space<hbm>>
    tpu.wait_dma2 semaphore(%arg18 : memref<!tpu.dma_semaphore, #tpu.memory_space<semaphore_mem>>) src(%dma_wait3A_131 : memref<80xi32, #tpu.memory_space<hbm>>) dst(%dma_wait3A_128 : memref<80xi32, #tpu.memory_space<vmem>>)
    %run_scoped3A = arith.constant 0 : i32
    "tpu.region"() ({
      %run_scoped3A_134 = tpu.sem_alloc : memref<!tpu.dma_semaphore, #tpu.memory_space<semaphore_mem>>
      %dma_start3A_135 = arith.constant 0 : i32
      %dma_start3A_136 = tpu.memref_slice %arg10[%run_scoped3A, %dma_start3A_135] : memref<2x80xi32, #tpu.memory_space<vmem>> -> memref<1x80xi32, #tpu.memory_space<vmem>>
      %dma_start3A_137 = tpu.memref_squeeze %dma_start3A_136 : memref<1x80xi32, #tpu.memory_space<vmem>> -> memref<80xi32, #tpu.memory_space<vmem>>
      %dma_start3A_138 = arith.constant 0 : i32
      %dma_start3A_139 = arith.constant 0 : i32
      %dma_start3A_140 = tpu.memref_slice %arg13[%dma_start3A_138, %dma_start3A_139] : memref<10240x128xf32, #tpu.memory_space<vmem_shared>> -> memref<10240x128xf32, #tpu.memory_space<vmem_shared>>
      tpu.enqueue_indirect_dma source(%arg11 : memref<80x128xf32, #tpu.memory_space<vmem>>) target(%dma_start3A_140 : memref<10240x128xf32, #tpu.memory_space<vmem_shared>>) offsets(%dma_start3A_137 : memref<80xi32, #tpu.memory_space<vmem>>) semaphore(%run_scoped3A_134 : memref<!tpu.dma_semaphore, #tpu.memory_space<semaphore_mem>>) {add = true}
      %dma_wait3A_141 = arith.constant 0 : i32
      %dma_wait3A_142 = tpu.memref_slice %arg10[%run_scoped3A, %dma_wait3A_141] : memref<2x80xi32, #tpu.memory_space<vmem>> -> memref<1x80xi32, #tpu.memory_space<vmem>>
      %dma_wait3A_143 = tpu.memref_squeeze %dma_wait3A_142 : memref<1x80xi32, #tpu.memory_space<vmem>> -> memref<80xi32, #tpu.memory_space<vmem>>
      %dma_wait3A_144 = arith.constant 0 : i32
      %dma_wait3A_145 = arith.constant 0 : i32
      %dma_wait3A_146 = tpu.memref_slice %arg13[%dma_wait3A_144, %dma_wait3A_145] : memref<10240x128xf32, #tpu.memory_space<vmem_shared>> -> memref<10240x128xf32, #tpu.memory_space<vmem_shared>>
      tpu.wait_indirect_dma semaphore(%run_scoped3A_134 : memref<!tpu.dma_semaphore, #tpu.memory_space<semaphore_mem>>) src(%arg11 : memref<80x128xf32, #tpu.memory_space<vmem>>) dst(%dma_wait3A_146 : memref<10240x128xf32, #tpu.memory_space<vmem_shared>>)
      tpu.yield
    }) : () -> ()
    %run_scoped3A_132 = arith.constant 0 : i32
    "tpu.region"() ({
      %run_scoped3A_134 = tpu.sem_alloc : memref<!tpu.dma_semaphore, #tpu.memory_space<semaphore_mem>>
      %dma_start3A_135 = arith.constant 0 : i32
      %dma_start3A_136 = tpu.memref_slice %arg10[%run_scoped3A_132, %dma_start3A_135] : memref<2x80xi32, #tpu.memory_space<vmem>> -> memref<1x80xi32, #tpu.memory_space<vmem>>
      %dma_start3A_137 = tpu.memref_squeeze %dma_start3A_136 : memref<1x80xi32, #tpu.memory_space<vmem>> -> memref<80xi32, #tpu.memory_space<vmem>>
      %dma_start3A_138 = arith.constant 0 : i32
      %dma_start3A_139 = tpu.memref_slice %arg21[%dma_start3A_138] : memref<10240xf32, #tpu.memory_space<vmem_shared>> -> memref<10240xf32, #tpu.memory_space<vmem_shared>>
      tpu.enqueue_indirect_dma source(%arg20 : memref<80xf32, #tpu.memory_space<vmem>>) target(%dma_start3A_139 : memref<10240xf32, #tpu.memory_space<vmem_shared>>) offsets(%dma_start3A_137 : memref<80xi32, #tpu.memory_space<vmem>>) semaphore(%run_scoped3A_134 : memref<!tpu.dma_semaphore, #tpu.memory_space<semaphore_mem>>) {add = true}
      %dma_wait3A_140 = arith.constant 0 : i32
      %dma_wait3A_141 = tpu.memref_slice %arg10[%run_scoped3A_132, %dma_wait3A_140] : memref<2x80xi32, #tpu.memory_space<vmem>> -> memref<1x80xi32, #tpu.memory_space<vmem>>
      %dma_wait3A_142 = tpu.memref_squeeze %dma_wait3A_141 : memref<1x80xi32, #tpu.memory_space<vmem>> -> memref<80xi32, #tpu.memory_space<vmem>>
      %dma_wait3A_143 = arith.constant 0 : i32
      %dma_wait3A_144 = tpu.memref_slice %arg21[%dma_wait3A_143] : memref<10240xf32, #tpu.memory_space<vmem_shared>> -> memref<10240xf32, #tpu.memory_space<vmem_shared>>
      tpu.wait_indirect_dma semaphore(%run_scoped3A_134 : memref<!tpu.dma_semaphore, #tpu.memory_space<semaphore_mem>>) src(%arg20 : memref<80xf32, #tpu.memory_space<vmem>>) dst(%dma_wait3A_144 : memref<10240xf32, #tpu.memory_space<vmem_shared>>)
      tpu.yield
    }) : () -> ()
    %barrier3A_133 = arith.constant 0 : index
    tpu.barrier barrier_id(%barrier3A_133)
    "tpu.region"() ({
      %run_scoped3A_134 = tpu.sem_alloc : memref<!tpu.dma_semaphore, #tpu.memory_space<semaphore_mem>>
      %dma_start3A_135 = arith.constant 0 : i32
      %dma_start3A_136 = tpu.memref_slice %arg7[%arg0, %mul3A_2, %dma_start3A_135] : memref<2x10240x128xf32, #tpu.memory_space<hbm>> -> memref<1x640x128xf32, #tpu.memory_space<hbm>>
      %dma_start3A_137 = tpu.memref_squeeze %dma_start3A_136 : memref<1x640x128xf32, #tpu.memory_space<hbm>> -> memref<640x128xf32, #tpu.memory_space<hbm>>
      %dma_start3A_138 = arith.constant 0 : i32
      %dma_start3A_139 = tpu.memref_slice %arg13[%mul3A_2, %dma_start3A_138] : memref<10240x128xf32, #tpu.memory_space<vmem_shared>> -> memref<640x128xf32, #tpu.memory_space<vmem_shared>>
      tpu.enqueue_dma source(%dma_start3A_139 : memref<640x128xf32, #tpu.memory_space<vmem_shared>>) target(%dma_start3A_137 : memref<640x128xf32, #tpu.memory_space<hbm>>) target_semaphore(%run_scoped3A_134 : memref<!tpu.dma_semaphore, #tpu.memory_space<semaphore_mem>>)
      %dma_wait3A_140 = arith.constant 0 : i32
      %dma_wait3A_141 = tpu.memref_slice %arg7[%arg0, %mul3A_2, %dma_wait3A_140] : memref<2x10240x128xf32, #tpu.memory_space<hbm>> -> memref<1x640x128xf32, #tpu.memory_space<hbm>>
      %dma_wait3A_142 = tpu.memref_squeeze %dma_wait3A_141 : memref<1x640x128xf32, #tpu.memory_space<hbm>> -> memref<640x128xf32, #tpu.memory_space<hbm>>
      %dma_wait3A_143 = arith.constant 0 : i32
      %dma_wait3A_144 = tpu.memref_slice %arg13[%mul3A_2, %dma_wait3A_143] : memref<10240x128xf32, #tpu.memory_space<vmem_shared>> -> memref<640x128xf32, #tpu.memory_space<vmem_shared>>
      tpu.wait_dma2 semaphore(%run_scoped3A_134 : memref<!tpu.dma_semaphore, #tpu.memory_space<semaphore_mem>>) src(%dma_wait3A_144 : memref<640x128xf32, #tpu.memory_space<vmem_shared>>) dst(%dma_wait3A_142 : memref<640x128xf32, #tpu.memory_space<hbm>>)
      tpu.yield
    }) : () -> ()
    "tpu.region"() ({
      %run_scoped3A_134 = tpu.sem_alloc : memref<!tpu.dma_semaphore, #tpu.memory_space<semaphore_mem>>
      %dma_start3A_135 = tpu.memref_slice %arg8[%arg0, %mul3A_2] : memref<2x10240xf32, #tpu.memory_space<hbm>> -> memref<1x640xf32, #tpu.memory_space<hbm>>
      %dma_start3A_136 = tpu.memref_squeeze %dma_start3A_135 : memref<1x640xf32, #tpu.memory_space<hbm>> -> memref<640xf32, #tpu.memory_space<hbm>>
      %dma_start3A_137 = tpu.memref_slice %arg21[%mul3A_2] : memref<10240xf32, #tpu.memory_space<vmem_shared>> -> memref<640xf32, #tpu.memory_space<vmem_shared>>
      tpu.enqueue_dma source(%dma_start3A_137 : memref<640xf32, #tpu.memory_space<vmem_shared>>) target(%dma_start3A_136 : memref<640xf32, #tpu.memory_space<hbm>>) target_semaphore(%run_scoped3A_134 : memref<!tpu.dma_semaphore, #tpu.memory_space<semaphore_mem>>)
      %dma_wait3A_138 = tpu.memref_slice %arg8[%arg0, %mul3A_2] : memref<2x10240xf32, #tpu.memory_space<hbm>> -> memref<1x640xf32, #tpu.memory_space<hbm>>
      %dma_wait3A_139 = tpu.memref_squeeze %dma_wait3A_138 : memref<1x640xf32, #tpu.memory_space<hbm>> -> memref<640xf32, #tpu.memory_space<hbm>>
      %dma_wait3A_140 = tpu.memref_slice %arg21[%mul3A_2] : memref<10240xf32, #tpu.memory_space<vmem_shared>> -> memref<640xf32, #tpu.memory_space<vmem_shared>>
      tpu.wait_dma2 semaphore(%run_scoped3A_134 : memref<!tpu.dma_semaphore, #tpu.memory_space<semaphore_mem>>) src(%dma_wait3A_140 : memref<640xf32, #tpu.memory_space<vmem_shared>>) dst(%dma_wait3A_139 : memref<640xf32, #tpu.memory_space<hbm>>)
      tpu.yield
    }) : () -> ()
    return
  }
}

module attributes {stable_mosaic.version = 14 : i64} {
  func.func @_dense_body(%arg0: i32, %arg1: memref<512x128xf32, #tpu.memory_space<vmem>>, %arg2: memref<512x128xf32, #tpu.memory_space<vmem>>, %arg3: memref<512x1xf32, #tpu.memory_space<vmem>>, %arg4: memref<512x1xf32, #tpu.memory_space<vmem>>, %arg5: memref<512x128xf32, #tpu.memory_space<vmem>>, %arg6: memref<128x128xf32, #tpu.memory_space<vmem>>, %arg7: memref<128x128xf32, #tpu.memory_space<vmem>>, %arg8: memref<1x128xf32, #tpu.memory_space<vmem>>, %arg9: memref<512x128xf32, #tpu.memory_space<vmem>>) attributes {dimension_semantics = [#tpu.dimension_semantics<arbitrary>], iteration_bounds = array<i64: 20>, scalar_prefetch = 0 : i64, scratch_operands = 0 : i64, tpu.core_type = #tpu.core_type<tc>, window_params = [{transform_indices = @transform_0, window_bounds = array<i64: 512, 128>}, {transform_indices = @transform_1, window_bounds = array<i64: 512, 128>}, {transform_indices = @transform_2, window_bounds = array<i64: 512, 1>}, {transform_indices = @transform_3, window_bounds = array<i64: 512, 1>}, {transform_indices = @transform_4, window_bounds = array<i64: 512, 128>}, {pipeline_mode = #tpu.pipeline_mode<synchronous>, transform_indices = @transform_5, window_bounds = array<i64: 128, 128>}, {pipeline_mode = #tpu.pipeline_mode<synchronous>, transform_indices = @transform_6, window_bounds = array<i64: 128, 128>}, {pipeline_mode = #tpu.pipeline_mode<synchronous>, transform_indices = @transform_7, window_bounds = array<i64: 1, 128>}, {transform_indices = @transform_8, window_bounds = array<i64: 512, 128>}]} {
    %get3A = arith.constant 0 : index
    %get3A_0 = arith.constant 0 : index
    %get3A_1 = vector.load %arg3[%get3A, %get3A_0] : memref<512x1xf32, #tpu.memory_space<vmem>>, vector<512x1xf32>
    %get3A_2 = arith.constant 0 : index
    %get3A_3 = arith.constant 0 : index
    %get3A_4 = vector.load %arg4[%get3A_2, %get3A_3] : memref<512x1xf32, #tpu.memory_space<vmem>>, vector<512x1xf32>
    %add3A = arith.addf %get3A_1, %get3A_4 : vector<512x1xf32>
    %max3A = arith.constant 1.000000e+00 : f32
    %max3A_5 = vector.broadcast %max3A : f32 to vector<512x1xf32>
    %max3A_6 = arith.maximumf %add3A, %max3A_5 : vector<512x1xf32>
    %get3A_7 = arith.constant 0 : index
    %get3A_8 = arith.constant 0 : index
    %get3A_9 = vector.load %arg1[%get3A_7, %get3A_8] : memref<512x128xf32, #tpu.memory_space<vmem>>, vector<512x128xf32>
    %get3A_10 = arith.constant 0 : index
    %get3A_11 = arith.constant 0 : index
    %get3A_12 = vector.load %arg2[%get3A_10, %get3A_11] : memref<512x128xf32, #tpu.memory_space<vmem>>, vector<512x128xf32>
    %add3A_13 = arith.addf %get3A_9, %get3A_12 : vector<512x128xf32>
    %div3A = vector.broadcast %max3A_6 : vector<512x1xf32> to vector<512x128xf32>
    %div3A_14 = arith.divf %add3A_13, %div3A : vector<512x128xf32>
    %get3A_15 = arith.constant 0 : index
    %get3A_16 = arith.constant 0 : index
    %get3A_17 = vector.load %arg6[%get3A_15, %get3A_16] : memref<128x128xf32, #tpu.memory_space<vmem>>, vector<128x128xf32>
    %dot_general3A = arith.constant dense<0.000000e+00> : vector<512x128xf32>
    %dot_general3A_18 = tpu.matmul %div3A_14, %get3A_17, %dot_general3A {dimension_numbers = #tpu.dot_dimension_numbers<[1], [0], [0], [1], [0, 0, 1, 1], [], []>, transpose_lhs_hint = false} : vector<512x128xf32>, vector<128x128xf32>, vector<512x128xf32> -> vector<512x128xf32>
    %get3A_19 = arith.constant 0 : index
    %get3A_20 = arith.constant 0 : index
    %get3A_21 = vector.load %arg5[%get3A_19, %get3A_20] : memref<512x128xf32, #tpu.memory_space<vmem>>, vector<512x128xf32>
    %get3A_22 = arith.constant 0 : index
    %get3A_23 = arith.constant 0 : index
    %get3A_24 = vector.load %arg7[%get3A_22, %get3A_23] : memref<128x128xf32, #tpu.memory_space<vmem>>, vector<128x128xf32>
    %dot_general3A_25 = arith.constant dense<0.000000e+00> : vector<512x128xf32>
    %dot_general3A_26 = tpu.matmul %get3A_21, %get3A_24, %dot_general3A_25 {dimension_numbers = #tpu.dot_dimension_numbers<[1], [0], [0], [1], [0, 0, 1, 1], [], []>, transpose_lhs_hint = false} : vector<512x128xf32>, vector<128x128xf32>, vector<512x128xf32> -> vector<512x128xf32>
    %add3A_27 = arith.addf %dot_general3A_18, %dot_general3A_26 : vector<512x128xf32>
    %get3A_28 = arith.constant 0 : index
    %get3A_29 = arith.constant 0 : index
    %get3A_30 = vector.load %arg8[%get3A_28, %get3A_29] : memref<1x128xf32, #tpu.memory_space<vmem>>, vector<1x128xf32>
    %add3A_31 = vector.broadcast %get3A_30 : vector<1x128xf32> to vector<512x128xf32>
    %add3A_32 = arith.addf %add3A_27, %add3A_31 : vector<512x128xf32>
    %max3A_33 = arith.constant 0.000000e+00 : f32
    %max3A_34 = vector.broadcast %max3A_33 : f32 to vector<512x128xf32>
    %max3A_35 = arith.maximumf %add3A_32, %max3A_34 : vector<512x128xf32>
    %swap3A = arith.constant 0 : index
    %swap3A_36 = arith.constant 0 : index
    %swap3A_37 = vector.load %arg9[%swap3A, %swap3A_36] : memref<512x128xf32, #tpu.memory_space<vmem>>, vector<512x128xf32>
    tpu.vector_store %arg9[%swap3A, %swap3A_36], %max3A_35 {strides = array<i32>} : memref<512x128xf32, #tpu.memory_space<vmem>>, vector<512x128xf32>,
    return
  }
  func.func @transform_0(%arg0: i32) -> (i32, i32) {
    %c0_i32 = arith.constant 0 : i32
    %c0_i32_0 = arith.constant 0 : i32
    return %arg0, %c0_i32 : i32, i32
  }
  func.func @transform_1(%arg0: i32) -> (i32, i32) {
    %c0_i32 = arith.constant 0 : i32
    %c0_i32_0 = arith.constant 0 : i32
    return %arg0, %c0_i32 : i32, i32
  }
  func.func @transform_2(%arg0: i32) -> (i32, i32) {
    %c0_i32 = arith.constant 0 : i32
    %c0_i32_0 = arith.constant 0 : i32
    return %arg0, %c0_i32 : i32, i32
  }
  func.func @transform_3(%arg0: i32) -> (i32, i32) {
    %c0_i32 = arith.constant 0 : i32
    %c0_i32_0 = arith.constant 0 : i32
    return %arg0, %c0_i32 : i32, i32
  }
  func.func @transform_4(%arg0: i32) -> (i32, i32) {
    %c0_i32 = arith.constant 0 : i32
    %c0_i32_0 = arith.constant 0 : i32
    return %arg0, %c0_i32 : i32, i32
  }
  func.func @transform_5(%arg0: i32) -> (i32, i32) {
    %c0_i32 = arith.constant 0 : i32
    %c0_i32_0 = arith.constant 0 : i32
    %c0_i32_1 = arith.constant 0 : i32
    return %c0_i32, %c0_i32_0 : i32, i32
  }
  func.func @transform_6(%arg0: i32) -> (i32, i32) {
    %c0_i32 = arith.constant 0 : i32
    %c0_i32_0 = arith.constant 0 : i32
    %c0_i32_1 = arith.constant 0 : i32
    return %c0_i32, %c0_i32_0 : i32, i32
  }
  func.func @transform_7(%arg0: i32) -> (i32, i32) {
    %c0_i32 = arith.constant 0 : i32
    %c0_i32_0 = arith.constant 0 : i32
    %c0_i32_1 = arith.constant 0 : i32
    return %c0_i32, %c0_i32_0 : i32, i32
  }
  func.func @transform_8(%arg0: i32) -> (i32, i32) {
    %c0_i32 = arith.constant 0 : i32
    %c0_i32_0 = arith.constant 0 : i32
    return %arg0, %c0_i32 : i32, i32
  }
}

module attributes {stable_mosaic.version = 14 : i64} {
  func.func @_dense_mid_body(%arg0: i32, %arg1: memref<512x128xf32, #tpu.memory_space<vmem>>, %arg2: memref<512x128xf32, #tpu.memory_space<vmem>>, %arg3: memref<512x1xf32, #tpu.memory_space<vmem>>, %arg4: memref<512x1xf32, #tpu.memory_space<vmem>>, %arg5: memref<512x128xf32, #tpu.memory_space<vmem>>, %arg6: memref<128x128xf32, #tpu.memory_space<vmem>>, %arg7: memref<128x128xf32, #tpu.memory_space<vmem>>, %arg8: memref<1x128xf32, #tpu.memory_space<vmem>>, %arg9: memref<128x128xf32, #tpu.memory_space<vmem>>, %arg10: memref<512x128xf32, #tpu.memory_space<vmem>>, %arg11: memref<512x128xf32, #tpu.memory_space<vmem>>) attributes {dimension_semantics = [#tpu.dimension_semantics<arbitrary>], iteration_bounds = array<i64: 20>, scalar_prefetch = 0 : i64, scratch_operands = 0 : i64, tpu.core_type = #tpu.core_type<tc>, window_params = [{transform_indices = @transform_0, window_bounds = array<i64: 512, 128>}, {transform_indices = @transform_1, window_bounds = array<i64: 512, 128>}, {transform_indices = @transform_2, window_bounds = array<i64: 512, 1>}, {transform_indices = @transform_3, window_bounds = array<i64: 512, 1>}, {transform_indices = @transform_4, window_bounds = array<i64: 512, 128>}, {pipeline_mode = #tpu.pipeline_mode<synchronous>, transform_indices = @transform_5, window_bounds = array<i64: 128, 128>}, {pipeline_mode = #tpu.pipeline_mode<synchronous>, transform_indices = @transform_6, window_bounds = array<i64: 128, 128>}, {pipeline_mode = #tpu.pipeline_mode<synchronous>, transform_indices = @transform_7, window_bounds = array<i64: 1, 128>}, {pipeline_mode = #tpu.pipeline_mode<synchronous>, transform_indices = @transform_8, window_bounds = array<i64: 128, 128>}, {transform_indices = @transform_9, window_bounds = array<i64: 512, 128>}, {transform_indices = @transform_10, window_bounds = array<i64: 512, 128>}]} {
    %get3A = arith.constant 0 : index
    %get3A_0 = arith.constant 0 : index
    %get3A_1 = vector.load %arg3[%get3A, %get3A_0] : memref<512x1xf32, #tpu.memory_space<vmem>>, vector<512x1xf32>
    %get3A_2 = arith.constant 0 : index
    %get3A_3 = arith.constant 0 : index
    %get3A_4 = vector.load %arg4[%get3A_2, %get3A_3] : memref<512x1xf32, #tpu.memory_space<vmem>>, vector<512x1xf32>
    %add3A = arith.addf %get3A_1, %get3A_4 : vector<512x1xf32>
    %max3A = arith.constant 1.000000e+00 : f32
    %max3A_5 = vector.broadcast %max3A : f32 to vector<512x1xf32>
    %max3A_6 = arith.maximumf %add3A, %max3A_5 : vector<512x1xf32>
    %get3A_7 = arith.constant 0 : index
    %get3A_8 = arith.constant 0 : index
    %get3A_9 = vector.load %arg1[%get3A_7, %get3A_8] : memref<512x128xf32, #tpu.memory_space<vmem>>, vector<512x128xf32>
    %get3A_10 = arith.constant 0 : index
    %get3A_11 = arith.constant 0 : index
    %get3A_12 = vector.load %arg2[%get3A_10, %get3A_11] : memref<512x128xf32, #tpu.memory_space<vmem>>, vector<512x128xf32>
    %add3A_13 = arith.addf %get3A_9, %get3A_12 : vector<512x128xf32>
    %div3A = vector.broadcast %max3A_6 : vector<512x1xf32> to vector<512x128xf32>
    %div3A_14 = arith.divf %add3A_13, %div3A : vector<512x128xf32>
    %get3A_15 = arith.constant 0 : index
    %get3A_16 = arith.constant 0 : index
    %get3A_17 = vector.load %arg6[%get3A_15, %get3A_16] : memref<128x128xf32, #tpu.memory_space<vmem>>, vector<128x128xf32>
    %dot_general3A = arith.constant dense<0.000000e+00> : vector<512x128xf32>
    %dot_general3A_18 = tpu.matmul %div3A_14, %get3A_17, %dot_general3A {dimension_numbers = #tpu.dot_dimension_numbers<[1], [0], [0], [1], [0, 0, 1, 1], [], []>, transpose_lhs_hint = false} : vector<512x128xf32>, vector<128x128xf32>, vector<512x128xf32> -> vector<512x128xf32>
    %get3A_19 = arith.constant 0 : index
    %get3A_20 = arith.constant 0 : index
    %get3A_21 = vector.load %arg5[%get3A_19, %get3A_20] : memref<512x128xf32, #tpu.memory_space<vmem>>, vector<512x128xf32>
    %get3A_22 = arith.constant 0 : index
    %get3A_23 = arith.constant 0 : index
    %get3A_24 = vector.load %arg7[%get3A_22, %get3A_23] : memref<128x128xf32, #tpu.memory_space<vmem>>, vector<128x128xf32>
    %dot_general3A_25 = arith.constant dense<0.000000e+00> : vector<512x128xf32>
    %dot_general3A_26 = tpu.matmul %get3A_21, %get3A_24, %dot_general3A_25 {dimension_numbers = #tpu.dot_dimension_numbers<[1], [0], [0], [1], [0, 0, 1, 1], [], []>, transpose_lhs_hint = false} : vector<512x128xf32>, vector<128x128xf32>, vector<512x128xf32> -> vector<512x128xf32>
    %add3A_27 = arith.addf %dot_general3A_18, %dot_general3A_26 : vector<512x128xf32>
    %get3A_28 = arith.constant 0 : index
    %get3A_29 = arith.constant 0 : index
    %get3A_30 = vector.load %arg8[%get3A_28, %get3A_29] : memref<1x128xf32, #tpu.memory_space<vmem>>, vector<1x128xf32>
    %add3A_31 = vector.broadcast %get3A_30 : vector<1x128xf32> to vector<512x128xf32>
    %add3A_32 = arith.addf %add3A_27, %add3A_31 : vector<512x128xf32>
    %max3A_33 = arith.constant 0.000000e+00 : f32
    %max3A_34 = vector.broadcast %max3A_33 : f32 to vector<512x128xf32>
    %max3A_35 = arith.maximumf %add3A_32, %max3A_34 : vector<512x128xf32>
    %swap3A = arith.constant 0 : index
    %swap3A_36 = arith.constant 0 : index
    %swap3A_37 = vector.load %arg10[%swap3A, %swap3A_36] : memref<512x128xf32, #tpu.memory_space<vmem>>, vector<512x128xf32>
    tpu.vector_store %arg10[%swap3A, %swap3A_36], %max3A_35 {strides = array<i32>} : memref<512x128xf32, #tpu.memory_space<vmem>>, vector<512x128xf32>,
    %get3A_38 = arith.constant 0 : index
    %get3A_39 = arith.constant 0 : index
    %get3A_40 = vector.load %arg9[%get3A_38, %get3A_39] : memref<128x128xf32, #tpu.memory_space<vmem>>, vector<128x128xf32>
    %dot_general3A_41 = arith.constant dense<0.000000e+00> : vector<512x128xf32>
    %dot_general3A_42 = tpu.matmul %max3A_35, %get3A_40, %dot_general3A_41 {dimension_numbers = #tpu.dot_dimension_numbers<[1], [0], [0], [1], [0, 0, 1, 1], [], []>, transpose_lhs_hint = false} : vector<512x128xf32>, vector<128x128xf32>, vector<512x128xf32> -> vector<512x128xf32>
    %swap3A_43 = arith.constant 0 : index
    %swap3A_44 = arith.constant 0 : index
    %swap3A_45 = vector.load %arg11[%swap3A_43, %swap3A_44] : memref<512x128xf32, #tpu.memory_space<vmem>>, vector<512x128xf32>
    tpu.vector_store %arg11[%swap3A_43, %swap3A_44], %dot_general3A_42 {strides = array<i32>} : memref<512x128xf32, #tpu.memory_space<vmem>>, vector<512x128xf32>,
    return
  }
  func.func @transform_0(%arg0: i32) -> (i32, i32) {
    %c0_i32 = arith.constant 0 : i32
    %c0_i32_0 = arith.constant 0 : i32
    return %arg0, %c0_i32 : i32, i32
  }
  func.func @transform_1(%arg0: i32) -> (i32, i32) {
    %c0_i32 = arith.constant 0 : i32
    %c0_i32_0 = arith.constant 0 : i32
    return %arg0, %c0_i32 : i32, i32
  }
  func.func @transform_2(%arg0: i32) -> (i32, i32) {
    %c0_i32 = arith.constant 0 : i32
    %c0_i32_0 = arith.constant 0 : i32
    return %arg0, %c0_i32 : i32, i32
  }
  func.func @transform_3(%arg0: i32) -> (i32, i32) {
    %c0_i32 = arith.constant 0 : i32
    %c0_i32_0 = arith.constant 0 : i32
    return %arg0, %c0_i32 : i32, i32
  }
  func.func @transform_4(%arg0: i32) -> (i32, i32) {
    %c0_i32 = arith.constant 0 : i32
    %c0_i32_0 = arith.constant 0 : i32
    return %arg0, %c0_i32 : i32, i32
  }
  func.func @transform_5(%arg0: i32) -> (i32, i32) {
    %c0_i32 = arith.constant 0 : i32
    %c0_i32_0 = arith.constant 0 : i32
    %c0_i32_1 = arith.constant 0 : i32
    return %c0_i32, %c0_i32_0 : i32, i32
  }
  func.func @transform_6(%arg0: i32) -> (i32, i32) {
    %c0_i32 = arith.constant 0 : i32
    %c0_i32_0 = arith.constant 0 : i32
    %c0_i32_1 = arith.constant 0 : i32
    return %c0_i32, %c0_i32_0 : i32, i32
  }
  func.func @transform_7(%arg0: i32) -> (i32, i32) {
    %c0_i32 = arith.constant 0 : i32
    %c0_i32_0 = arith.constant 0 : i32
    %c0_i32_1 = arith.constant 0 : i32
    return %c0_i32, %c0_i32_0 : i32, i32
  }
  func.func @transform_8(%arg0: i32) -> (i32, i32) {
    %c0_i32 = arith.constant 0 : i32
    %c0_i32_0 = arith.constant 0 : i32
    %c0_i32_1 = arith.constant 0 : i32
    return %c0_i32, %c0_i32_0 : i32, i32
  }
  func.func @transform_9(%arg0: i32) -> (i32, i32) {
    %c0_i32 = arith.constant 0 : i32
    %c0_i32_0 = arith.constant 0 : i32
    return %arg0, %c0_i32 : i32, i32
  }
  func.func @transform_10(%arg0: i32) -> (i32, i32) {
    %c0_i32 = arith.constant 0 : i32
    %c0_i32_0 = arith.constant 0 : i32
    return %arg0, %c0_i32 : i32, i32
  }
}

module attributes {stable_mosaic.version = 14 : i64} {
  func.func @_final_body(%arg0: i32, %arg1: memref<512x128xf32, #tpu.memory_space<vmem>>, %arg2: memref<512x128xf32, #tpu.memory_space<vmem>>, %arg3: memref<512x1xf32, #tpu.memory_space<vmem>>, %arg4: memref<512x1xf32, #tpu.memory_space<vmem>>, %arg5: memref<512x128xf32, #tpu.memory_space<vmem>>, %arg6: memref<128x128xf32, #tpu.memory_space<vmem>>, %arg7: memref<1x128xf32, #tpu.memory_space<vmem>>, %arg8: memref<512x128xf32, #tpu.memory_space<vmem>>) attributes {dimension_semantics = [#tpu.dimension_semantics<arbitrary>], iteration_bounds = array<i64: 20>, scalar_prefetch = 0 : i64, scratch_operands = 0 : i64, tpu.core_type = #tpu.core_type<tc>, window_params = [{transform_indices = @transform_0, window_bounds = array<i64: 512, 128>}, {transform_indices = @transform_1, window_bounds = array<i64: 512, 128>}, {transform_indices = @transform_2, window_bounds = array<i64: 512, 1>}, {transform_indices = @transform_3, window_bounds = array<i64: 512, 1>}, {transform_indices = @transform_4, window_bounds = array<i64: 512, 128>}, {pipeline_mode = #tpu.pipeline_mode<synchronous>, transform_indices = @transform_5, window_bounds = array<i64: 128, 128>}, {pipeline_mode = #tpu.pipeline_mode<synchronous>, transform_indices = @transform_6, window_bounds = array<i64: 1, 128>}, {transform_indices = @transform_7, window_bounds = array<i64: 512, 128>}]} {
    %get3A = arith.constant 0 : index
    %get3A_0 = arith.constant 0 : index
    %get3A_1 = vector.load %arg3[%get3A, %get3A_0] : memref<512x1xf32, #tpu.memory_space<vmem>>, vector<512x1xf32>
    %get3A_2 = arith.constant 0 : index
    %get3A_3 = arith.constant 0 : index
    %get3A_4 = vector.load %arg4[%get3A_2, %get3A_3] : memref<512x1xf32, #tpu.memory_space<vmem>>, vector<512x1xf32>
    %add3A = arith.addf %get3A_1, %get3A_4 : vector<512x1xf32>
    %max3A = arith.constant 1.000000e+00 : f32
    %max3A_5 = vector.broadcast %max3A : f32 to vector<512x1xf32>
    %max3A_6 = arith.maximumf %add3A, %max3A_5 : vector<512x1xf32>
    %get3A_7 = arith.constant 0 : index
    %get3A_8 = arith.constant 0 : index
    %get3A_9 = vector.load %arg1[%get3A_7, %get3A_8] : memref<512x128xf32, #tpu.memory_space<vmem>>, vector<512x128xf32>
    %get3A_10 = arith.constant 0 : index
    %get3A_11 = arith.constant 0 : index
    %get3A_12 = vector.load %arg2[%get3A_10, %get3A_11] : memref<512x128xf32, #tpu.memory_space<vmem>>, vector<512x128xf32>
    %add3A_13 = arith.addf %get3A_9, %get3A_12 : vector<512x128xf32>
    %div3A = vector.broadcast %max3A_6 : vector<512x1xf32> to vector<512x128xf32>
    %div3A_14 = arith.divf %add3A_13, %div3A : vector<512x128xf32>
    %get3A_15 = arith.constant 0 : index
    %get3A_16 = arith.constant 0 : index
    %get3A_17 = vector.load %arg5[%get3A_15, %get3A_16] : memref<512x128xf32, #tpu.memory_space<vmem>>, vector<512x128xf32>
    %get3A_18 = arith.constant 0 : index
    %get3A_19 = arith.constant 0 : index
    %get3A_20 = vector.load %arg6[%get3A_18, %get3A_19] : memref<128x128xf32, #tpu.memory_space<vmem>>, vector<128x128xf32>
    %dot_general3A = arith.constant dense<0.000000e+00> : vector<512x128xf32>
    %dot_general3A_21 = tpu.matmul %get3A_17, %get3A_20, %dot_general3A {dimension_numbers = #tpu.dot_dimension_numbers<[1], [0], [0], [1], [0, 0, 1, 1], [], []>, transpose_lhs_hint = false} : vector<512x128xf32>, vector<128x128xf32>, vector<512x128xf32> -> vector<512x128xf32>
    %add3A_22 = arith.addf %div3A_14, %dot_general3A_21 : vector<512x128xf32>
    %get3A_23 = arith.constant 0 : index
    %get3A_24 = arith.constant 0 : index
    %get3A_25 = vector.load %arg7[%get3A_23, %get3A_24] : memref<1x128xf32, #tpu.memory_space<vmem>>, vector<1x128xf32>
    %add3A_26 = vector.broadcast %get3A_25 : vector<1x128xf32> to vector<512x128xf32>
    %add3A_27 = arith.addf %add3A_22, %add3A_26 : vector<512x128xf32>
    %swap3A = arith.constant 0 : index
    %swap3A_28 = arith.constant 0 : index
    %swap3A_29 = vector.load %arg8[%swap3A, %swap3A_28] : memref<512x128xf32, #tpu.memory_space<vmem>>, vector<512x128xf32>
    tpu.vector_store %arg8[%swap3A, %swap3A_28], %add3A_27 {strides = array<i32>} : memref<512x128xf32, #tpu.memory_space<vmem>>, vector<512x128xf32>,
    return
  }
  func.func @transform_0(%arg0: i32) -> (i32, i32) {
    %c0_i32 = arith.constant 0 : i32
    %c0_i32_0 = arith.constant 0 : i32
    return %arg0, %c0_i32 : i32, i32
  }
  func.func @transform_1(%arg0: i32) -> (i32, i32) {
    %c0_i32 = arith.constant 0 : i32
    %c0_i32_0 = arith.constant 0 : i32
    return %arg0, %c0_i32 : i32, i32
  }
  func.func @transform_2(%arg0: i32) -> (i32, i32) {
    %c0_i32 = arith.constant 0 : i32
    %c0_i32_0 = arith.constant 0 : i32
    return %arg0, %c0_i32 : i32, i32
  }
  func.func @transform_3(%arg0: i32) -> (i32, i32) {
    %c0_i32 = arith.constant 0 : i32
    %c0_i32_0 = arith.constant 0 : i32
    return %arg0, %c0_i32 : i32, i32
  }
  func.func @transform_4(%arg0: i32) -> (i32, i32) {
    %c0_i32 = arith.constant 0 : i32
    %c0_i32_0 = arith.constant 0 : i32
    return %arg0, %c0_i32 : i32, i32
  }
  func.func @transform_5(%arg0: i32) -> (i32, i32) {
    %c0_i32 = arith.constant 0 : i32
    %c0_i32_0 = arith.constant 0 : i32
    %c0_i32_1 = arith.constant 0 : i32
    return %c0_i32, %c0_i32_0 : i32, i32
  }
  func.func @transform_6(%arg0: i32) -> (i32, i32) {
    %c0_i32 = arith.constant 0 : i32
    %c0_i32_0 = arith.constant 0 : i32
    %c0_i32_1 = arith.constant 0 : i32
    return %c0_i32, %c0_i32_0 : i32, i32
  }
  func.func @transform_7(%arg0: i32) -> (i32, i32) {
    %c0_i32 = arith.constant 0 : i32
    %c0_i32_0 = arith.constant 0 : i32
    return %arg0, %c0_i32 : i32, i32
  }
}

</mosaic_0001>

<sc_bundles>
// kernel: kernel.11.cloned.1.call-start
scs
__scs_entry_jumppad:
0x0: {  	(pc) =	sbr.rel $0x88, $3  }
0x1: {  	(tag) =	ssettag $0x0;
	lr =	simm.s32 $0x1  }
0x2: {  	[smem:$0x3F96] =	sst lr;
	_ =	strace $0xD0000000  }
0x3: {  	_ = 	snop  }
0x4: {  	_ = 	snop  }
0x5: {  	_ = 	snop  }
0x6: {  	_ = 	snop  }
0x7: {  	_ = 	snop  }
__scs_overlays_trampoline_lowered:
0x8: {  	[smem:$0x3FA5] =	sst s0  }
0x9: {  	[smem:$0x3FA6] =	sst s1  }
0xa: {  	[smem:$0x3FA7] =	sst s2  }
0xb: {  	[smem:$0x3FA8] =	sst s3  }
0xc: {  	[smem:$0x3FA9] =	sst s4  }
0xd: {  	[smem:$0x3FAA] =	sst s5  }
0xe: {  	[smem:$0x3FAB] =	sst s6  }
0xf: {  	[smem:$0x3FAC] =	sst s7  }
0x10: {  	[smem:$0x3FAD] =	sst s8  }
0x11: {  	[smem:$0x3FAE] =	sst s9;
	s0 =	simm.s32 @!p0 $0x0  }
0x12: {  	s1 =	sld [smem:$0x3F94];
	s0 =	simm.s32 @p0 $0x1  }
0x13: {  	[smem:$0x3FAF] =	sst s0;
	s0 =	simm.s32 @!p1 $0x0  }
0x14: {  	s2 =	sld [smem:$0x3F93];
	s0 =	simm.s32 @p1 $0x1  }
0x15: {  	[smem:$0x3FB0] =	sst s0;
	s0 =	simm.s32 @!p2 $0x0  }
0x16: {  	s3 =	sld [smem:$0x3FDB];
	s0 =	simm.s32 @p2 $0x1  }
0x17: {  	s4 =	simm.s32 $0x1BF5;
	[smem:$0x3FB2] =	sst s0  }
0x18: {  	s0 =	sld [smem:$0x3F95];
	_ =	swait.ge [sflag:s4], $0x0  }
0x19: {  	s7 =	sld [smem:$0x3F96]  }
0x1a: {  	s8 =	sadd.s32 $0xFFFFE003, lr  }
0x1b: {  	s9 =	sadd.s32 $0xFFFFFEF7, lr;
	s5 =	simm.s32 $0xFFFFFFFF;
	p2 =	slt.u32 s8, $0xFFFFF086  }
0x1c: {  	p1 =	slt.u32 s9, $0xF7A;
	s5 =	simm.s32 @!p2 $0x0  }
0x1d: {  	s5 =	simm.s32 @p1 $0x1;
	p0 =	seq.s32 s7, s2  }
0x1e: {  	s7 =	smul.u32 @!p0 $0xF7A, s2;
	p2 =	seq.s32 @!p0 s5, $0x0  }
0x1f: {  	s9 =	smul.u32 $0xF7A, s1;
	s8 =	simm.s32 @!p0 $0x1BF5;
	p2 =	por !p2, p0  }
0x20: {  	[sflag:s8] =	ssyncset.s32 @!p0 $0xFFFFF086;
	s6 =	sadd.s32 @!p0 s3, s7;
	s7 =	simm.s32 @!p0 $0x108  }
0x21: {  	s3 =	sadd.s32 s3, s9;
	s6 =	sadd.s32 @!p0 $0x88, s6;
	s7 =	simm.s32 @p2 $0x1082  }
0x22: {  	[simem:s7], [sflag:s8] =	dma.local @!p0 [hbm:s6], $0xF7A  }
0x23: {  	s9 =	sor.u32 $0xD0000000, s2;
	s6 =	simm.s32 $0x108;
	_ =	swait.ge @!p0 [sflag:s8], $0x0  }
0x24: {  	s3 =	sadd.s32 $0x88, s3;
	s6 =	simm.s32 @!p1 $0x1082;
	[sflag:s4] =	ssyncset.s32 $0xFFFFF086  }
0x25: {  	[simem:s6], [sflag:s4] =	dma.local [hbm:s3], $0xF7A  }
0x26: {  	[smem:$0x3F96] =	sst s1;
	(tag) =	ssettag s2;
	_ =	strace s9  }
0x27: {  	s1 =	sld [smem:$0x3FA6]  }
0x28: {  	s2 =	sld [smem:$0x3FA7]  }
0x29: {  	s4 =	sld [smem:$0x3FA9]  }
0x2a: {  	p0 =	seq.s32 s5, $0x0;
	s5 =	sld [smem:$0x3FAA]  }
0x2b: {  	s6 =	sld [smem:$0x3FAB]  }
0x2c: {  	s7 =	sld [smem:$0x3FAC]  }
0x2d: {  	s3 =	simm.s32 $0x108;
	s8 =	sld [smem:$0x3FAD]  }
0x2e: {  	s3 =	simm.s32 @!p0 $0x1082;
	s9 =	sld [smem:$0x3FAE]  }
0x2f: {  	lr =	sadd.s32 s0, s3;
	s0 =	sld [smem:$0x3FA5]  }
0x30: {  	s3 =	sld [smem:$0x3FA8]  }
0x31: {  	[smem:$0x3FB1] =	sst s10  }
0x32: {  	s10 =	sld [smem:$0x3FAF];
	_ =	sdelay $0x3  }
0x33: {  	p0 =	seq.s32 s10, $0x1;
	s10 =	sld [smem:$0x3FB1];
	_ =	sdelay $0x3  }
0x34: {  	[smem:$0x3FB1] =	sst s10  }
0x35: {  	s10 =	sld [smem:$0x3FB0];
	_ =	sdelay $0x3  }
0x36: {  	p1 =	seq.s32 s10, $0x1;
	s10 =	sld [smem:$0x3FB1];
	_ =	sdelay $0x3  }
0x37: {  	[smem:$0x3FB1] =	sst s10  }
0x38: {  	s10 =	sld [smem:$0x3FB2]  }
0x39: {  	_ = 	snop;
	(pc) =	sbr.ind lr, $3  }
0x3a: {  	_ = 	snop  }
0x3b: {  	_ = 	snop  }
0x3c: {  	p2 =	seq.s32 s10, $0x1;
	s10 =	sld [smem:$0x3FB1]  }
0x3d: {  	_ =	shalt  }
0x3e: {  	_ =	shalt  }
0x3f: {  	_ =	shalt  }
0x40: {  	_ =	shalt  }
0x41: {  	_ =	shalt  }
0x42: {  	_ =	shalt  }
0x43: {  	_ =	shalt  }
0x44: {  	_ =	shalt  }
0x45: {  	_ =	shalt  }
0x46: {  	_ =	shalt  }
0x47: {  	_ =	shalt  }
0x48: {  	_ =	shalt  }
0x49: {  	_ =	shalt  }
0x4a: {  	_ =	shalt  }
0x4b: {  	_ =	shalt  }
0x4c: {  	_ =	shalt  }
0x4d: {  	_ =	shalt  }
0x4e: {  	_ =	shalt  }
0x4f: {  	_ =	shalt  }
0x50: {  	_ =	shalt  }
0x51: {  	_ =	shalt  }
0x52: {  	_ =	shalt  }
0x53: {  	_ =	shalt  }
0x54: {  	_ =	shalt  }
0x55: {  	_ =	shalt  }
0x56: {  	_ =	shalt  }
0x57: {  	_ =	shalt  }
0x58: {  	_ =	shalt  }
0x59: {  	_ =	shalt  }
0x5a: {  	_ =	shalt  }
0x5b: {  	_ =	shalt  }
0x5c: {  	_ =	shalt  }
0x5d: {  	_ =	shalt  }
0x5e: {  	_ =	shalt  }
0x5f: {  	_ =	shalt  }
0x60: {  	_ =	shalt  }
0x61: {  	_ =	shalt  }
0x62: {  	_ =	shalt  }
0x63: {  	_ =	shalt  }
0x64: {  	_ =	shalt  }
0x65: {  	_ =	shalt  }
0x66: {  	_ =	shalt  }
0x67: {  	_ =	shalt  }
0x68: {  	_ =	shalt  }
0x69: {  	_ =	shalt  }
0x6a: {  	_ =	shalt  }
0x6b: {  	_ =	shalt  }
0x6c: {  	_ =	shalt  }
0x6d: {  	_ =	shalt  }
0x6e: {  	_ =	shalt  }
0x6f: {  	_ =	shalt  }
0x70: {  	_ =	shalt  }
0x71: {  	_ =	shalt  }
0x72: {  	_ =	shalt  }
0x73: {  	_ =	shalt  }
0x74: {  	_ =	shalt  }
0x75: {  	_ =	shalt  }
0x76: {  	_ =	shalt  }
0x77: {  	_ =	shalt  }
0x78: {  	_ =	shalt  }
0x79: {  	_ =	shalt  }
0x7a: {  	_ =	shalt  }
0x7b: {  	_ =	shalt  }
0x7c: {  	_ =	shalt  }
0x7d: {  	_ =	shalt  }
0x7e: {  	_ =	shalt  }
0x7f: {  	_ =	shalt  }
0x80: {  	_ =	shalt  }
0x81: {  	_ =	shalt  }
0x82: {  	_ =	shalt  }
0x83: {  	_ =	shalt  }
0x84: {  	_ =	shalt  }
0x85: {  	_ =	shalt  }
0x86: {  	_ =	shalt  }
0x87: {  	_ =	shalt  }
.Lfunc_end0:
.L_simem_size_0:
called_computation.1_lowered:
.L_overlay_start_0:
0x88: {  	s2 =	sld [smem:$0x3FD9]  }
0x89: {  	s3 =	sld [smem:$0x3FFE];
	_ =	sdelay $0x1  }
0x8a: {  	s1 =	srdreg.scid  }
0x8b: {  	s0 =	sand.u32 $0x1, s1  }
0x8c: {  	s16 =	sshll.u32 s0, $0xA;
	s2 =	sadd.s32 s3, s2  }
0x8d: {  	s2 =	sadd.s32 s2, s16  }
0x8e: {  	[smem:$0x3FBD] =	sst s2  }
0x8f: {  	_ = 	snop  }
0x90: {  	(tm) =	ssettm $0x1  }
0x91: {  	s17 =	sld [smem:$0x3FFB];
	_ =	sdelay $0x3  }
0x92: {  	_ =	strace s17  }
0x93: {  	s2 =	sld [smem:$0x3FFC];
	_ =	sdelay $0x3  }
0x94: {  	_ =	strace s2  }
0x95: {  	s2 =	sld [smem:$0x3FFD];
	_ =	sdelay $0x3  }
0x96: {  	_ =	strace s2  }
0x97: {  	_ =	strace $0x8FFFFFFF  }
0x98: {  	s18 =	sld [smem:$0x3FDB];
	_ =	sdelay $0x1  }
0x99: {  	s19 =	simm.s32 $_scs_section_size  }
0x9a: {  	s4 =	simm.s32 $_size__tile_overlayer_lowered;
	s5 =	simm.s32 $_tile_overlayer_lowered  }
0x9b: {  	s22 =	simm.s32 $0x1BFF;
	s21 =	sshll.u32 s5, $0x1;
	s2 =	sadd.s32 s19, s18  }
0x9c: {  	s6 =	simm.s32 $0x0;
	s20 =	sshll.u32 s4, $0x1;
	s4 =	sadd.s32 s21, s2  }
0x9d: {  	[timem:s6], [sflag:s22] =	dma.local [hbm:s4], s20  }
0x9e: {  	_ =	swait.ge [sflag:s22], s20  }
0x9f: {  	s3 =	ssub.s32 $0x0, s20;
	[sflag:s22] =	ssyncset.done $0x0  }
0xa0: {  	[sflag:s22] =	ssyncadd.s32 s3;
	_ =	sdelay $0x1  }
0xa1: {  	s23 =	simm.s32 $0x1B8B  }
0xa2: {  	_ =	swait.ge [sflag:s23], $0x1  }
0xa3: {  	[sflag:s23] =	ssyncset.done $0x0  }
0xa4: {  	s25 =	simm.s32 $0x1B8E;
	s24 =	sld [smem:$0x3FFE];
	[sflag:s23] =	ssyncadd.s32 $0xFFFFFFFF  }
0xa5: {  	s26 =	simm.s32 $execute0_lowered;
	[smem:$0x3FD2] =	sst s25  }
0xa6: {  	s4 =	sshll.u32 s26, $0x1;
	_ =	strace $0x80000049;
	[dreg:$0x1] =	wrdreg $0xFFFFFFFF  }
0xa7: {  	s28 =	simm.s32 $_size_execute0_lowered;
	s2 =	sadd.s32 s2, s4;
	[dreg:$0x0] =	wrdreg $0x0  }
0xa8: {  	s4 =	sshll.u32 s28, $0x1;
	[dreg:$0x2] =	wrdreg s2  }
0xa9: {  	[dreg:$0x3] =	wrdreg s4  }
0xaa: {  	[dreg:$0x4] =	wrdreg $0xC0  }
0xab: {  	_ =	task [dreg:s6], $0x5FFFF  }
0xac: {  	[dreg:$0x1] =	wrdreg $0xFFFFFFFF  }
0xad: {  	[dreg:$0x0] =	wrdreg $0x60  }
0xae: {  	[dreg:$0x2] =	wrdreg s24  }
0xaf: {  	[dreg:$0x3] =	wrdreg $0x52000  }
0xb0: {  	[dreg:$0x4] =	wrdreg $0x9  }
0xb1: {  	_ =	task.clear_ibuf [dreg:s6], $0x5FFFF;
	_ =	strace $0x90000049  }
0xb2: {  	s29 =	simm.s32 $0x9;
	_ =	strace $0x8000004B  }
0xb3: {  	_ =	swait.ge [sflag:s29], $0x1  }
0xb4: {  	[sflag:s29] =	ssyncadd.s32 $0xFFFFFFFF  }
0xb5: {  	_ =	strace $0x9000004B  }
0xb6: {  	_ =	sfence  }
0xb7: {  	s30 =	sld [smem:$0x0];
	_ =	sdelay $0x2  }
0xb8: {  	s31 =	sshll.u32 s1, $0xD;
	s1 =	sshrl.u32 s1, $0x2  }
0xb9: {  	s3 =	sand.u32 $0x4000, s31;
	s1 =	sadd.s32 s1, s30  }
0xba: {  	s0 =	sor.u32 s3, s0;
	s1 =	sshll.u32 s1, $0x11  }
0xbb: {  	s0 =	sor.u32 s1, s0  }
0xbc: {  	s0 =	sadd.s32 $0x8F2B, s0  }
0xbd: {  	[sflag:s0] =	ssyncadd.remote.s32 $0x1  }
0xbe: {  	_ =	sfence.sel $0xFFFF  }
0xbf: {  	[dreg:$0x0] =	wrdreg $0xFFFFFFFF;
	(pc) =	sbr.abs _section_cstart, $3  }
0xc0: {  	[dreg:$0x1] =	wrdreg $0xFFFFFFFF  }
0xc1: {  	_ =	task.clear_ibuf [dreg:s6], $0x2FFFF;
	_ =	strace $0x9FFFFFFF  }
0xc2: {  	(tm) =	ssettm $0x7FFFFFFF  }
0xc3: {  	_ =	shalt  }
tec
execute0_lowered:
.L_overlay_start_1:
0x0: {  	(tag) =	ssettag $0x1  }
0x1: {  	s0 =	rddreg [dreg:$0x0]  }
0x2: {  	s2 =	rddreg [dreg:$0x1]  }
0x3: {  	s1 =	stileid.u32;
	s4 =	srdreg.scid  }
0x4: {  	s3 =	simm.s32 $0x0;
	s17 =	simm.s32 $0x7;
	s18 =	simm.s32 $0x100  }
0x5: {  	s19 =	simm.s32 $0x80;
	s20 =	simm.s32 $0x3;
	s21 =	simm.s32 $0x50  }
0x6: {  	s28 =	simm.s32 $0x2;
	s29 =	simm.s32 $0x6;
	s30 =	simm.s32 $0x180  }
0x7: {  	s31 =	simm.s32 $0x0;
	s6 =	smul.u32 $0x14000, s1;
	s7 =	sand.u32 $0x1, s4  }
0x8: {  	[smem:$0x7FF] =	sst s3;
	s4 =	sadd.s32 $0x3800, s0;
	s5 =	sadd.s32 $0x13800, s0  }
0x9: {  	s10 =	smul.u32 $0x50000, s1;
	s12 =	sshll.u32 s1, $0xE;
	s24 =	sshll.u32 s1, $0x6  }
0xa: {  	s8 =	smul.u32 $0x140000, s7;
	_ =	strace $0x8000004A;
	s22 =	ssub.s32 $0x2, s7  }
0xb: {  	s7 =	sshll.u32 s7, $0x12;
	s9 =	sshrl.u32 s6, $0x3;
	s11 =	sshrl.u32 s22, $0x1  }
0xc: {  	s23 =	sshrl.u32 s10, $0x2;
	s7 =	sor.u32 s12, s7;
	s8 =	sadd.s32 s6, s8  }
0xd: {  	s6 =	sadd.s32 $0x23800, s0;
	s9 =	sadd.s32 s9, s0;
	s15 =	ssub.s32 s22, s11  }
0xe: {  	s16 =	sadd.s32 s23, s2;
	s25 =	sshrl.u32 s7, $0x3;
	s22 =	simm.s32 $0x200  }
0xf: {  	s23 =	simm.s32 $0x4;
	s8 =	sshrl.u32 s8, $0x3;
	s26 =	sadd.s32 $0x4B800, s9  }
.Ltmp0:
0x10: {  	s9 =	sor.u32 $0x1C07, s24;
	s13 =	sor.u32 $0x10, s25;
	(pc) =	sbr.rel .LBB2_1-.Ltmp0, $4  }
0x11: {  	s10 =	sadd.s32 s4, s25;
	s11 =	sadd.s32 s5, s25;
	s15 =	smax.u32 s15, $0x1  }
0x12: {  	s16 =	sshrl.u32 s16, $0x3;
	s24 =	simm.s32 $0x2A00;
	s25 =	simm.s32 $0x1  }
0x13: {  	s0 =	sadd.s32 s8, s0;
	[dreg:$0x3] =	wrdreg s26;
	s12 =	sadd.s32 s4, s13  }
0x14: {  	s13 =	sadd.s32 s5, s13;
	s26 =	simm.s32 $0x5;
	s14 =	sadd.s32 $0x73800, s0  }
.LBB2_4:
0x15: {  	_ =	swait.ge [sflag:s29], $0x80  }
0x16: {  	[sflag:s29] =	ssyncset.done $0x0  }
0x17: {  	[sflag:s29] =	ssyncadd.s32 $0xFFFFFF80  }
0x18: {  	[spmem:s2] =	stream.indirect.scatter.add.f32 [tilespmem:s24], [sflag:$0x7], $0x80, s30, s21, $0xb8;
	[tilespmem:$0x19200] =	vst v63  }
0x19: {  	_ =	swait.ge [sflag:s17], $0x2800  }
0x1a: {  	[sflag:s17] =	ssyncset.done $0x0  }
0x1b: {  	[sflag:s17] =	ssyncadd.s32 $0xFFFFD800  }
0x1c: {  	_ =	swait.ge [sflag:s25], $0x2800  }
0x1d: {  	[sflag:s25] =	ssyncset.done $0x0  }
0x1e: {  	[sflag:s25] =	ssyncadd.s32 $0xFFFFD800  }
0x1f: {  	_ =	swait.ge [sflag:s26], $0x80  }
0x20: {  	[sflag:s26] =	ssyncset.done $0x0  }
0x21: {  	[sflag:s26] =	ssyncadd.s32 $0xFFFFFF80  }
0x22: {  	[spmem:s2] =	stream.indirect.scatter.add.f32 [tilespmem:s22], [sflag:$0x7], $0x80, s18, s21, $0xb8;
	[tilespmem:$0x19200] =	vst v63  }
0x23: {  	_ =	swait.ge [sflag:s17], $0x2800  }
0x24: {  	s31 =	sadd.s32 $0x1, s31;
	[sflag:s17] =	ssyncset.done $0x0  }
0x25: {  	p0 =	sne.s32 s31, s15;
	[sflag:s17] =	ssyncadd.s32 $0xFFFFD800  }
.Ltmp1:
0x26: {  	[bflag:$0x0] =	sbarrier.arrive $0xFFFF;
	(pc) =	sbr.rel @!p0 .LBB2_5-.Ltmp1, $4  }
0x27: {  	[hbm:s14], [sflag:s9] =	dma.local [spmem:s16], $0x2800  }
0x28: {  	_ =	swait.ge [sflag:s17], $0x2800  }
0x29: {  	[sflag:s17] =	ssyncset.done $0x0  }
0x2a: {  	[sflag:s17] =	ssyncadd.s32 $0xFFFFD800  }
.LBB2_1:
0x2b: {  	s0 =	rddreg [dreg:$0x3]  }
0x2c: {  	[spmem:s16], [sflag:s9] =	dma.local [hbm:s0], $0x2800  }
0x2d: {  	_ =	swait.ge [sflag:s17], $0x2800  }
0x2e: {  	[sflag:s17] =	ssyncset.done $0x0  }
0x2f: {  	[sflag:s17] =	ssyncadd.s32 $0xFFFFD800  }
0x30: {  	[tilespmem:s3], [sflag:$0x3] =	stream.linear.gather [hbm4b:s10+s3], $0x80, $0x38;
	[tilespmem:$0x19200] =	vst v63  }
0x31: {  	_ = 	snop  }
0x32: {  	[tilespmem:s18], [sflag:$0x5] =	stream.linear.gather [hbm4b:s11+s3], $0x80, $0x38;
	[tilespmem:$0x19200] =	vst v63  }
0x33: {  	_ = 	snop  }
0x34: {  	[tilespmem:s19], [sflag:$0x4] =	stream.linear.gather [hbm4b:s12+s3], $0x80, $0x38;
	[tilespmem:$0x19200] =	vst v63  }
0x35: {  	_ = 	snop  }
0x36: {  	[tilespmem:s30], [sflag:$0x6] =	stream.linear.gather [hbm4b:s13+s3], $0x80, $0x38;
	[tilespmem:$0x19200] =	vst v63  }
0x37: {  	_ =	swait.ge [sflag:s20], $0x80  }
0x38: {  	[sflag:s20] =	ssyncset.done $0x0  }
0x39: {  	[sflag:s20] =	ssyncadd.s32 $0xFFFFFF80  }
0x3a: {  	[tilespmem:s22], [sflag:$0x1] =	stream.indirect.gather [hbm4b:s6+s21], $0x80, s3, s21, $0xb8;
	[tilespmem:$0x19200] =	vst v63  }
0x3b: {  	s0 =	simm.s32 $0x180;
	[bflag:$0x0] =	sbarrier.arrive $0xFFFF  }
.LBB2_2:
0x3c: {  	_ =	swait.ge [sflag:s23], $0x80;
	s1 =	sadd.s32 $0xFFFFFF80, s0  }
0x3d: {  	[sflag:s23] =	ssyncset.done $0x0;
	s8 =	sand.u32 $0x7C00, s1  }
0x3e: {  	s1 =	sand.u32 $0x300, s1;
	[sflag:s23] =	ssyncadd.s32 $0xFFFFFF80;
	s8 =	sadd.s32 s7, s8  }
0x3f: {  	[tilespmem:s24], [sflag:$0x2] =	stream.indirect.gather [hbm4b:s6+s21], $0x80, s19, s21, $0xb8;
	[tilespmem:$0x19200] =	vst v63  }
0x40: {  	s1 =	sor.u32 s1, s8;
	_ =	swait.ge [sflag:s25], $0x2800  }
0x41: {  	s1 =	sshrl.u32 s1, $0x3;
	[sflag:s25] =	ssyncset.done $0x0  }
0x42: {  	s8 =	sadd.s32 s4, s1;
	[sflag:s25] =	ssyncadd.s32 $0xFFFFD800  }
0x43: {  	[tilespmem:s3], [sflag:$0x3] =	stream.linear.gather [hbm4b:s8+s3], $0x80, $0x38;
	[tilespmem:$0x19200] =	vst v63  }
0x44: {  	_ =	swait.ge [sflag:s26], $0x80  }
0x45: {  	[sflag:s26] =	ssyncset.done $0x0  }
0x46: {  	[sflag:s26] =	ssyncadd.s32 $0xFFFFFF80  }
0x47: {  	[spmem:s2] =	stream.indirect.scatter.add.f32 [tilespmem:s22], [sflag:$0x7], $0x80, s18, s21, $0xb8;
	[tilespmem:$0x19200] =	vst v63  }
0x48: {  	_ =	swait.ge [sflag:s17], $0x2800  }
0x49: {  	[sflag:s17] =	ssyncset.done $0x0  }
0x4a: {  	s1 =	sadd.s32 s5, s1;
	[sflag:s17] =	ssyncadd.s32 $0xFFFFD800  }
0x4b: {  	[tilespmem:s18], [sflag:$0x5] =	stream.linear.gather [hbm4b:s1+s3], $0x80, $0x38;
	[tilespmem:$0x19200] =	vst v63  }
0x4c: {  	_ =	swait.ge [sflag:s20], $0x80  }
0x4d: {  	p0 =	seq.s32 s0, $0x3E80;
	[sflag:s20] =	ssyncset.done $0x0  }
.Ltmp2:
0x4e: {  	[sflag:s20] =	ssyncadd.s32 $0xFFFFFF80;
	(pc) =	sbr.rel @p0 .LBB2_4-.Ltmp2, $4  }
0x4f: {  	[tilespmem:s22], [sflag:$0x1] =	stream.indirect.gather [hbm4b:s6+s21], $0x80, s3, s21, $0xb8;
	[tilespmem:$0x19200] =	vst v63  }
0x50: {  	_ =	swait.ge [sflag:s28], $0x2800  }
0x51: {  	[sflag:s28] =	ssyncset.done $0x0  }
0x52: {  	[sflag:s28] =	ssyncadd.s32 $0xFFFFD800  }
0x53: {  	s1 =	sand.u32 $0x7C00, s0  }
0x54: {  	s8 =	sand.u32 $0x380, s0;
	s1 =	sadd.s32 s7, s1  }
0x55: {  	s1 =	sor.u32 s8, s1  }
0x56: {  	s1 =	sshrl.u32 s1, $0x3  }
0x57: {  	s8 =	sadd.s32 s4, s1  }
0x58: {  	[tilespmem:s19], [sflag:$0x4] =	stream.linear.gather [hbm4b:s8+s3], $0x80, $0x38;
	[tilespmem:$0x19200] =	vst v63  }
0x59: {  	_ =	swait.ge [sflag:s29], $0x80  }
0x5a: {  	[sflag:s29] =	ssyncset.done $0x0  }
0x5b: {  	[sflag:s29] =	ssyncadd.s32 $0xFFFFFF80  }
0x5c: {  	[spmem:s2] =	stream.indirect.scatter.add.f32 [tilespmem:s24], [sflag:$0x7], $0x80, s30, s21, $0xb8;
	[tilespmem:$0x19200] =	vst v63  }
.Ltmp3:
0x5d: {  	_ = 	snop;
	(pc) =	sbr.rel .LBB2_2-.Ltmp3, $4  }
0x5e: {  	_ =	swait.ge [sflag:s17], $0x2800  }
0x5f: {  	[sflag:s17] =	ssyncset.done $0x0  }
0x60: {  	s0 =	sadd.s32 $0x100, s0;
	s1 =	sadd.s32 s5, s1;
	[sflag:s17] =	ssyncadd.s32 $0xFFFFD800  }
0x61: {  	[tilespmem:s30], [sflag:$0x6] =	stream.linear.gather [hbm4b:s1+s3], $0x80, $0x38;
	[tilespmem:$0x19200] =	vst v63  }
.LBB2_5:
0x62: {  	_ =	sfence.sel $0x180000  }
0x63: {  	[bflag:$0x0] =	sbarrier.arrive $0xFFFF  }
0x64: {  	_ =	strace $0x9000004A  }
0x65: {  	s0 =	stileid.u32;
	[bflag:$0x2] =	sbarrier.arrive $0xFFFF  }
0x66: {  	p0 =	sne.s32 s0, $0x0;
	s0 =	rddreg [dreg:$0x2]  }
0x67: {  	s0 =	sadd.s32 @!p0 $0x100000, s0  }
0x68: {  	[sflag:s0] =	ssyncadd.tile.s32 @!p0 $0x1;
	_ =	shalt  }
.Lfunc_end2:
_tile_overlayer_lowered:
.L_overlay_start_2:
0x69: {  	(tag) =	ssettag $0x2  }
0x6a: {  	s0 =	rddreg [dreg:$0x0];
	s2 =	stileid.u32  }
0x6b: {  	s1 =	rddreg [dreg:$0x1];
	p0 =	sne.s32 s2, $0x0  }
0x6c: {  	s3 =	rddreg [dreg:$0x2];
	[bflag:$0x3] =	sbarrier.arrive $0xFFFF;
	s2 =	simm.s32 @!p0 $0x1C07  }
0x6d: {  	[timem:s3], [sflag:s2] =	dma.local @!p0 [hbm:s0], s1  }
0x6e: {  	s0 =	simm.s32 @!p0 $0x7  }
0x6f: {  	_ =	swait.ge @!p0 [sflag:s0], s1  }
0x70: {  	s1 =	ssub.s32 @!p0 $0x0, s1;
	[sflag:s0] =	ssyncset.done @!p0 $0x0  }
0x71: {  	[sflag:s0] =	ssyncadd.s32 @!p0 s1  }
0x72: {  	[bflag:$0x3] =	sbarrier.arrive $0xFFFF  }
0x73: {  	_ =	shalt  }

// kernel: kernel.14.cloned.1.call-start
scs
__scs_entry_jumppad:
0x0: {  	(pc) =	sbr.rel $0x88, $3  }
0x1: {  	(tag) =	ssettag $0x0;
	lr =	simm.s32 $0x1  }
0x2: {  	[smem:$0x3F96] =	sst lr;
	_ =	strace $0xD0000000  }
0x3: {  	_ = 	snop  }
0x4: {  	_ = 	snop  }
0x5: {  	_ = 	snop  }
0x6: {  	_ = 	snop  }
0x7: {  	_ = 	snop  }
__scs_overlays_trampoline_lowered:
0x8: {  	[smem:$0x3FA5] =	sst s0  }
0x9: {  	[smem:$0x3FA6] =	sst s1  }
0xa: {  	[smem:$0x3FA7] =	sst s2  }
0xb: {  	[smem:$0x3FA8] =	sst s3  }
0xc: {  	[smem:$0x3FA9] =	sst s4  }
0xd: {  	[smem:$0x3FAA] =	sst s5  }
0xe: {  	[smem:$0x3FAB] =	sst s6  }
0xf: {  	[smem:$0x3FAC] =	sst s7  }
0x10: {  	[smem:$0x3FAD] =	sst s8  }
0x11: {  	[smem:$0x3FAE] =	sst s9;
	s0 =	simm.s32 @!p0 $0x0  }
0x12: {  	s1 =	sld [smem:$0x3F94];
	s0 =	simm.s32 @p0 $0x1  }
0x13: {  	[smem:$0x3FAF] =	sst s0;
	s0 =	simm.s32 @!p1 $0x0  }
0x14: {  	s2 =	sld [smem:$0x3F93];
	s0 =	simm.s32 @p1 $0x1  }
0x15: {  	[smem:$0x3FB0] =	sst s0;
	s0 =	simm.s32 @!p2 $0x0  }
0x16: {  	s3 =	sld [smem:$0x3FDB];
	s0 =	simm.s32 @p2 $0x1  }
0x17: {  	s4 =	simm.s32 $0x1BF5;
	[smem:$0x3FB2] =	sst s0  }
0x18: {  	s0 =	sld [smem:$0x3F95];
	_ =	swait.ge [sflag:s4], $0x0  }
0x19: {  	s7 =	sld [smem:$0x3F96]  }
0x1a: {  	s8 =	sadd.s32 $0xFFFFE003, lr  }
0x1b: {  	s9 =	sadd.s32 $0xFFFFFEF7, lr;
	s5 =	simm.s32 $0xFFFFFFFF;
	p2 =	slt.u32 s8, $0xFFFFF086  }
0x1c: {  	p1 =	slt.u32 s9, $0xF7A;
	s5 =	simm.s32 @!p2 $0x0  }
0x1d: {  	s5 =	simm.s32 @p1 $0x1;
	p0 =	seq.s32 s7, s2  }
0x1e: {  	s7 =	smul.u32 @!p0 $0xF7A, s2;
	p2 =	seq.s32 @!p0 s5, $0x0  }
0x1f: {  	s9 =	smul.u32 $0xF7A, s1;
	s8 =	simm.s32 @!p0 $0x1BF5;
	p2 =	por !p2, p0  }
0x20: {  	[sflag:s8] =	ssyncset.s32 @!p0 $0xFFFFF086;
	s6 =	sadd.s32 @!p0 s3, s7;
	s7 =	simm.s32 @!p0 $0x108  }
0x21: {  	s3 =	sadd.s32 s3, s9;
	s6 =	sadd.s32 @!p0 $0x88, s6;
	s7 =	simm.s32 @p2 $0x1082  }
0x22: {  	[simem:s7], [sflag:s8] =	dma.local @!p0 [hbm:s6], $0xF7A  }
0x23: {  	s9 =	sor.u32 $0xD0000000, s2;
	s6 =	simm.s32 $0x108;
	_ =	swait.ge @!p0 [sflag:s8], $0x0  }
0x24: {  	s3 =	sadd.s32 $0x88, s3;
	s6 =	simm.s32 @!p1 $0x1082;
	[sflag:s4] =	ssyncset.s32 $0xFFFFF086  }
0x25: {  	[simem:s6], [sflag:s4] =	dma.local [hbm:s3], $0xF7A  }
0x26: {  	[smem:$0x3F96] =	sst s1;
	(tag) =	ssettag s2;
	_ =	strace s9  }
0x27: {  	s1 =	sld [smem:$0x3FA6]  }
0x28: {  	s2 =	sld [smem:$0x3FA7]  }
0x29: {  	s4 =	sld [smem:$0x3FA9]  }
0x2a: {  	p0 =	seq.s32 s5, $0x0;
	s5 =	sld [smem:$0x3FAA]  }
0x2b: {  	s6 =	sld [smem:$0x3FAB]  }
0x2c: {  	s7 =	sld [smem:$0x3FAC]  }
0x2d: {  	s3 =	simm.s32 $0x108;
	s8 =	sld [smem:$0x3FAD]  }
0x2e: {  	s3 =	simm.s32 @!p0 $0x1082;
	s9 =	sld [smem:$0x3FAE]  }
0x2f: {  	lr =	sadd.s32 s0, s3;
	s0 =	sld [smem:$0x3FA5]  }
0x30: {  	s3 =	sld [smem:$0x3FA8]  }
0x31: {  	[smem:$0x3FB1] =	sst s10  }
0x32: {  	s10 =	sld [smem:$0x3FAF];
	_ =	sdelay $0x3  }
0x33: {  	p0 =	seq.s32 s10, $0x1;
	s10 =	sld [smem:$0x3FB1];
	_ =	sdelay $0x3  }
0x34: {  	[smem:$0x3FB1] =	sst s10  }
0x35: {  	s10 =	sld [smem:$0x3FB0];
	_ =	sdelay $0x3  }
0x36: {  	p1 =	seq.s32 s10, $0x1;
	s10 =	sld [smem:$0x3FB1];
	_ =	sdelay $0x3  }
0x37: {  	[smem:$0x3FB1] =	sst s10  }
0x38: {  	s10 =	sld [smem:$0x3FB2]  }
0x39: {  	_ = 	snop;
	(pc) =	sbr.ind lr, $3  }
0x3a: {  	_ = 	snop  }
0x3b: {  	_ = 	snop  }
0x3c: {  	p2 =	seq.s32 s10, $0x1;
	s10 =	sld [smem:$0x3FB1]  }
0x3d: {  	_ =	shalt  }
0x3e: {  	_ =	shalt  }
0x3f: {  	_ =	shalt  }
0x40: {  	_ =	shalt  }
0x41: {  	_ =	shalt  }
0x42: {  	_ =	shalt  }
0x43: {  	_ =	shalt  }
0x44: {  	_ =	shalt  }
0x45: {  	_ =	shalt  }
0x46: {  	_ =	shalt  }
0x47: {  	_ =	shalt  }
0x48: {  	_ =	shalt  }
0x49: {  	_ =	shalt  }
0x4a: {  	_ =	shalt  }
0x4b: {  	_ =	shalt  }
0x4c: {  	_ =	shalt  }
0x4d: {  	_ =	shalt  }
0x4e: {  	_ =	shalt  }
0x4f: {  	_ =	shalt  }
0x50: {  	_ =	shalt  }
0x51: {  	_ =	shalt  }
0x52: {  	_ =	shalt  }
0x53: {  	_ =	shalt  }
0x54: {  	_ =	shalt  }
0x55: {  	_ =	shalt  }
0x56: {  	_ =	shalt  }
0x57: {  	_ =	shalt  }
0x58: {  	_ =	shalt  }
0x59: {  	_ =	shalt  }
0x5a: {  	_ =	shalt  }
0x5b: {  	_ =	shalt  }
0x5c: {  	_ =	shalt  }
0x5d: {  	_ =	shalt  }
0x5e: {  	_ =	shalt  }
0x5f: {  	_ =	shalt  }
0x60: {  	_ =	shalt  }
0x61: {  	_ =	shalt  }
0x62: {  	_ =	shalt  }
0x63: {  	_ =	shalt  }
0x64: {  	_ =	shalt  }
0x65: {  	_ =	shalt  }
0x66: {  	_ =	shalt  }
0x67: {  	_ =	shalt  }
0x68: {  	_ =	shalt  }
0x69: {  	_ =	shalt  }
0x6a: {  	_ =	shalt  }
0x6b: {  	_ =	shalt  }
0x6c: {  	_ =	shalt  }
0x6d: {  	_ =	shalt  }
0x6e: {  	_ =	shalt  }
0x6f: {  	_ =	shalt  }
0x70: {  	_ =	shalt  }
0x71: {  	_ =	shalt  }
0x72: {  	_ =	shalt  }
0x73: {  	_ =	shalt  }
0x74: {  	_ =	shalt  }
0x75: {  	_ =	shalt  }
0x76: {  	_ =	shalt  }
0x77: {  	_ =	shalt  }
0x78: {  	_ =	shalt  }
0x79: {  	_ =	shalt  }
0x7a: {  	_ =	shalt  }
0x7b: {  	_ =	shalt  }
0x7c: {  	_ =	shalt  }
0x7d: {  	_ =	shalt  }
0x7e: {  	_ =	shalt  }
0x7f: {  	_ =	shalt  }
0x80: {  	_ =	shalt  }
0x81: {  	_ =	shalt  }
0x82: {  	_ =	shalt  }
0x83: {  	_ =	shalt  }
0x84: {  	_ =	shalt  }
0x85: {  	_ =	shalt  }
0x86: {  	_ =	shalt  }
0x87: {  	_ =	shalt  }
.Lfunc_end0:
.L_simem_size_0:
called_computation.2_lowered:
.L_overlay_start_0:
0x88: {  	s2 =	sld [smem:$0x3FD9]  }
0x89: {  	s3 =	sld [smem:$0x3FFE];
	_ =	sdelay $0x1  }
0x8a: {  	s1 =	srdreg.scid  }
0x8b: {  	s0 =	sand.u32 $0x1, s1  }
0x8c: {  	s16 =	sshll.u32 s0, $0xA;
	s2 =	sadd.s32 s3, s2  }
0x8d: {  	s2 =	sadd.s32 s2, s16  }
0x8e: {  	[smem:$0x3FBD] =	sst s2  }
0x8f: {  	_ = 	snop  }
0x90: {  	(tm) =	ssettm $0x1  }
0x91: {  	s17 =	sld [smem:$0x3FFB];
	_ =	sdelay $0x3  }
0x92: {  	_ =	strace s17  }
0x93: {  	s2 =	sld [smem:$0x3FFC];
	_ =	sdelay $0x3  }
0x94: {  	_ =	strace s2  }
0x95: {  	s2 =	sld [smem:$0x3FFD];
	_ =	sdelay $0x3  }
0x96: {  	_ =	strace s2  }
0x97: {  	_ =	strace $0x8FFFFFFF  }
0x98: {  	s18 =	sld [smem:$0x3FDB];
	_ =	sdelay $0x1  }
0x99: {  	s19 =	simm.s32 $_scs_section_size  }
0x9a: {  	s4 =	simm.s32 $_size__tile_overlayer_lowered;
	s5 =	simm.s32 $_tile_overlayer_lowered  }
0x9b: {  	s22 =	simm.s32 $0x1BFF;
	s21 =	sshll.u32 s5, $0x1;
	s2 =	sadd.s32 s19, s18  }
0x9c: {  	s6 =	simm.s32 $0x0;
	s20 =	sshll.u32 s4, $0x1;
	s4 =	sadd.s32 s21, s2  }
0x9d: {  	[timem:s6], [sflag:s22] =	dma.local [hbm:s4], s20  }
0x9e: {  	_ =	swait.ge [sflag:s22], s20  }
0x9f: {  	s3 =	ssub.s32 $0x0, s20;
	[sflag:s22] =	ssyncset.done $0x0  }
0xa0: {  	[sflag:s22] =	ssyncadd.s32 s3;
	_ =	sdelay $0x1  }
0xa1: {  	s23 =	simm.s32 $0x1B8B  }
0xa2: {  	_ =	swait.ge [sflag:s23], $0x1  }
0xa3: {  	[sflag:s23] =	ssyncset.done $0x0  }
0xa4: {  	s25 =	simm.s32 $0x1B8E;
	s24 =	sld [smem:$0x3FFE];
	[sflag:s23] =	ssyncadd.s32 $0xFFFFFFFF  }
0xa5: {  	s26 =	simm.s32 $execute0_lowered;
	[smem:$0x3FD2] =	sst s25  }
0xa6: {  	s4 =	sshll.u32 s26, $0x1;
	_ =	strace $0x8000004C;
	[dreg:$0x1] =	wrdreg $0xFFFFFFFF  }
0xa7: {  	s28 =	simm.s32 $_size_execute0_lowered;
	s2 =	sadd.s32 s2, s4;
	[dreg:$0x0] =	wrdreg $0x0  }
0xa8: {  	s4 =	sshll.u32 s28, $0x1;
	[dreg:$0x2] =	wrdreg s2  }
0xa9: {  	[dreg:$0x3] =	wrdreg s4  }
0xaa: {  	[dreg:$0x4] =	wrdreg $0xC0  }
0xab: {  	_ =	task [dreg:s6], $0x5FFFF  }
0xac: {  	[dreg:$0x1] =	wrdreg $0xFFFFFFFF  }
0xad: {  	[dreg:$0x0] =	wrdreg $0x60  }
0xae: {  	[dreg:$0x2] =	wrdreg s24  }
0xaf: {  	[dreg:$0x3] =	wrdreg $0x52000  }
0xb0: {  	[dreg:$0x4] =	wrdreg $0x9  }
0xb1: {  	_ =	task.clear_ibuf [dreg:s6], $0x5FFFF;
	_ =	strace $0x9000004C  }
0xb2: {  	s29 =	simm.s32 $0x9;
	_ =	strace $0x8000004E  }
0xb3: {  	_ =	swait.ge [sflag:s29], $0x1  }
0xb4: {  	[sflag:s29] =	ssyncadd.s32 $0xFFFFFFFF  }
0xb5: {  	_ =	strace $0x9000004E  }
0xb6: {  	_ =	sfence  }
0xb7: {  	s30 =	sld [smem:$0x0];
	_ =	sdelay $0x2  }
0xb8: {  	s31 =	sshll.u32 s1, $0xD;
	s1 =	sshrl.u32 s1, $0x2  }
0xb9: {  	s3 =	sand.u32 $0x4000, s31;
	s1 =	sadd.s32 s1, s30  }
0xba: {  	s0 =	sor.u32 s3, s0;
	s1 =	sshll.u32 s1, $0x11  }
0xbb: {  	s0 =	sor.u32 s1, s0  }
0xbc: {  	s0 =	sadd.s32 $0x8F2B, s0  }
0xbd: {  	[sflag:s0] =	ssyncadd.remote.s32 $0x1  }
0xbe: {  	_ =	sfence.sel $0xFFFF  }
0xbf: {  	[dreg:$0x0] =	wrdreg $0xFFFFFFFF;
	(pc) =	sbr.abs _section_cstart, $3  }
0xc0: {  	[dreg:$0x1] =	wrdreg $0xFFFFFFFF  }
0xc1: {  	_ =	task.clear_ibuf [dreg:s6], $0x2FFFF;
	_ =	strace $0x9FFFFFFF  }
0xc2: {  	(tm) =	ssettm $0x7FFFFFFF  }
0xc3: {  	_ =	shalt  }
tec
execute0_lowered:
.L_overlay_start_1:
0x0: {  	(tag) =	ssettag $0x1  }
0x1: {  	s0 =	rddreg [dreg:$0x0]  }
0x2: {  	s2 =	rddreg [dreg:$0x1]  }
0x3: {  	s1 =	stileid.u32;
	s4 =	srdreg.scid  }
0x4: {  	s3 =	simm.s32 $0x0;
	s17 =	simm.s32 $0x7;
	s18 =	simm.s32 $0x100  }
0x5: {  	s19 =	simm.s32 $0x80;
	s20 =	simm.s32 $0x3;
	s21 =	simm.s32 $0x50  }
0x6: {  	s28 =	simm.s32 $0x2;
	s29 =	simm.s32 $0x6;
	s30 =	simm.s32 $0x180  }
0x7: {  	s31 =	simm.s32 $0x0;
	s6 =	smul.u32 $0x14000, s1;
	s7 =	sand.u32 $0x1, s4  }
0x8: {  	[smem:$0x7FF] =	sst s3;
	s4 =	sadd.s32 $0x3800, s0;
	s5 =	sadd.s32 $0x13800, s0  }
0x9: {  	s10 =	smul.u32 $0x50000, s1;
	s12 =	sshll.u32 s1, $0xE;
	s24 =	sshll.u32 s1, $0x6  }
0xa: {  	s8 =	smul.u32 $0x140000, s7;
	_ =	strace $0x8000004D;
	s22 =	ssub.s32 $0x2, s7  }
0xb: {  	s7 =	sshll.u32 s7, $0x12;
	s9 =	sshrl.u32 s6, $0x3;
	s11 =	sshrl.u32 s22, $0x1  }
0xc: {  	s23 =	sshrl.u32 s10, $0x2;
	s7 =	sor.u32 s12, s7;
	s8 =	sadd.s32 s6, s8  }
0xd: {  	s6 =	sadd.s32 $0x23800, s0;
	s9 =	sadd.s32 s9, s0;
	s15 =	ssub.s32 s22, s11  }
0xe: {  	s16 =	sadd.s32 s23, s2;
	s25 =	sshrl.u32 s7, $0x3;
	s22 =	simm.s32 $0x200  }
0xf: {  	s23 =	simm.s32 $0x4;
	s8 =	sshrl.u32 s8, $0x3;
	s26 =	sadd.s32 $0x4B800, s9  }
.Ltmp0:
0x10: {  	s9 =	sor.u32 $0x1C07, s24;
	s13 =	sor.u32 $0x10, s25;
	(pc) =	sbr.rel .LBB2_1-.Ltmp0, $4  }
0x11: {  	s10 =	sadd.s32 s4, s25;
	s11 =	sadd.s32 s5, s25;
	s15 =	smax.u32 s15, $0x1  }
0x12: {  	s16 =	sshrl.u32 s16, $0x3;
	s24 =	simm.s32 $0x2A00;
	s25 =	simm.s32 $0x1  }
0x13: {  	s0 =	sadd.s32 s8, s0;
	[dreg:$0x3] =	wrdreg s26;
	s12 =	sadd.s32 s4, s13  }
0x14: {  	s13 =	sadd.s32 s5, s13;
	s26 =	simm.s32 $0x5;
	s14 =	sadd.s32 $0x113E00, s0  }
.LBB2_4:
0x15: {  	_ =	swait.ge [sflag:s29], $0x80  }
0x16: {  	[sflag:s29] =	ssyncset.done $0x0  }
0x17: {  	[sflag:s29] =	ssyncadd.s32 $0xFFFFFF80  }
0x18: {  	[spmem:s2] =	stream.indirect.scatter.add.f32 [tilespmem:s24], [sflag:$0x7], $0x80, s30, s21, $0xb8;
	[tilespmem:$0x19200] =	vst v63  }
0x19: {  	_ =	swait.ge [sflag:s17], $0x2800  }
0x1a: {  	[sflag:s17] =	ssyncset.done $0x0  }
0x1b: {  	[sflag:s17] =	ssyncadd.s32 $0xFFFFD800  }
0x1c: {  	_ =	swait.ge [sflag:s25], $0x2800  }
0x1d: {  	[sflag:s25] =	ssyncset.done $0x0  }
0x1e: {  	[sflag:s25] =	ssyncadd.s32 $0xFFFFD800  }
0x1f: {  	_ =	swait.ge [sflag:s26], $0x80  }
0x20: {  	[sflag:s26] =	ssyncset.done $0x0  }
0x21: {  	[sflag:s26] =	ssyncadd.s32 $0xFFFFFF80  }
0x22: {  	[spmem:s2] =	stream.indirect.scatter.add.f32 [tilespmem:s22], [sflag:$0x7], $0x80, s18, s21, $0xb8;
	[tilespmem:$0x19200] =	vst v63  }
0x23: {  	_ =	swait.ge [sflag:s17], $0x2800  }
0x24: {  	s31 =	sadd.s32 $0x1, s31;
	[sflag:s17] =	ssyncset.done $0x0  }
0x25: {  	p0 =	sne.s32 s31, s15;
	[sflag:s17] =	ssyncadd.s32 $0xFFFFD800  }
.Ltmp1:
0x26: {  	[bflag:$0x0] =	sbarrier.arrive $0xFFFF;
	(pc) =	sbr.rel @!p0 .LBB2_5-.Ltmp1, $4  }
0x27: {  	[hbm:s14], [sflag:s9] =	dma.local [spmem:s16], $0x2800  }
0x28: {  	_ =	swait.ge [sflag:s17], $0x2800  }
0x29: {  	[sflag:s17] =	ssyncset.done $0x0  }
0x2a: {  	[sflag:s17] =	ssyncadd.s32 $0xFFFFD800  }
.LBB2_1:
0x2b: {  	s0 =	rddreg [dreg:$0x3]  }
0x2c: {  	[spmem:s16], [sflag:s9] =	dma.local [hbm:s0], $0x2800  }
0x2d: {  	_ =	swait.ge [sflag:s17], $0x2800  }
0x2e: {  	[sflag:s17] =	ssyncset.done $0x0  }
0x2f: {  	[sflag:s17] =	ssyncadd.s32 $0xFFFFD800  }
0x30: {  	[tilespmem:s3], [sflag:$0x3] =	stream.linear.gather [hbm4b:s10+s3], $0x80, $0x38;
	[tilespmem:$0x19200] =	vst v63  }
0x31: {  	_ = 	snop  }
0x32: {  	[tilespmem:s18], [sflag:$0x5] =	stream.linear.gather [hbm4b:s11+s3], $0x80, $0x38;
	[tilespmem:$0x19200] =	vst v63  }
0x33: {  	_ = 	snop  }
0x34: {  	[tilespmem:s19], [sflag:$0x4] =	stream.linear.gather [hbm4b:s12+s3], $0x80, $0x38;
	[tilespmem:$0x19200] =	vst v63  }
0x35: {  	_ = 	snop  }
0x36: {  	[tilespmem:s30], [sflag:$0x6] =	stream.linear.gather [hbm4b:s13+s3], $0x80, $0x38;
	[tilespmem:$0x19200] =	vst v63  }
0x37: {  	_ =	swait.ge [sflag:s20], $0x80  }
0x38: {  	[sflag:s20] =	ssyncset.done $0x0  }
0x39: {  	[sflag:s20] =	ssyncadd.s32 $0xFFFFFF80  }
0x3a: {  	[tilespmem:s22], [sflag:$0x1] =	stream.indirect.gather [hbm4b:s6+s21], $0x80, s3, s21, $0xb8;
	[tilespmem:$0x19200] =	vst v63  }
0x3b: {  	s0 =	simm.s32 $0x180;
	[bflag:$0x0] =	sbarrier.arrive $0xFFFF  }
.LBB2_2:
0x3c: {  	_ =	swait.ge [sflag:s23], $0x80;
	s1 =	sadd.s32 $0xFFFFFF80, s0  }
0x3d: {  	[sflag:s23] =	ssyncset.done $0x0;
	s8 =	sand.u32 $0x7C00, s1  }
0x3e: {  	s1 =	sand.u32 $0x300, s1;
	[sflag:s23] =	ssyncadd.s32 $0xFFFFFF80;
	s8 =	sadd.s32 s7, s8  }
0x3f: {  	[tilespmem:s24], [sflag:$0x2] =	stream.indirect.gather [hbm4b:s6+s21], $0x80, s19, s21, $0xb8;
	[tilespmem:$0x19200] =	vst v63  }
0x40: {  	s1 =	sor.u32 s1, s8;
	_ =	swait.ge [sflag:s25], $0x2800  }
0x41: {  	s1 =	sshrl.u32 s1, $0x3;
	[sflag:s25] =	ssyncset.done $0x0  }
0x42: {  	s8 =	sadd.s32 s4, s1;
	[sflag:s25] =	ssyncadd.s32 $0xFFFFD800  }
0x43: {  	[tilespmem:s3], [sflag:$0x3] =	stream.linear.gather [hbm4b:s8+s3], $0x80, $0x38;
	[tilespmem:$0x19200] =	vst v63  }
0x44: {  	_ =	swait.ge [sflag:s26], $0x80  }
0x45: {  	[sflag:s26] =	ssyncset.done $0x0  }
0x46: {  	[sflag:s26] =	ssyncadd.s32 $0xFFFFFF80  }
0x47: {  	[spmem:s2] =	stream.indirect.scatter.add.f32 [tilespmem:s22], [sflag:$0x7], $0x80, s18, s21, $0xb8;
	[tilespmem:$0x19200] =	vst v63  }
0x48: {  	_ =	swait.ge [sflag:s17], $0x2800  }
0x49: {  	[sflag:s17] =	ssyncset.done $0x0  }
0x4a: {  	s1 =	sadd.s32 s5, s1;
	[sflag:s17] =	ssyncadd.s32 $0xFFFFD800  }
0x4b: {  	[tilespmem:s18], [sflag:$0x5] =	stream.linear.gather [hbm4b:s1+s3], $0x80, $0x38;
	[tilespmem:$0x19200] =	vst v63  }
0x4c: {  	_ =	swait.ge [sflag:s20], $0x80  }
0x4d: {  	p0 =	seq.s32 s0, $0x3E80;
	[sflag:s20] =	ssyncset.done $0x0  }
.Ltmp2:
0x4e: {  	[sflag:s20] =	ssyncadd.s32 $0xFFFFFF80;
	(pc) =	sbr.rel @p0 .LBB2_4-.Ltmp2, $4  }
0x4f: {  	[tilespmem:s22], [sflag:$0x1] =	stream.indirect.gather [hbm4b:s6+s21], $0x80, s3, s21, $0xb8;
	[tilespmem:$0x19200] =	vst v63  }
0x50: {  	_ =	swait.ge [sflag:s28], $0x2800  }
0x51: {  	[sflag:s28] =	ssyncset.done $0x0  }
0x52: {  	[sflag:s28] =	ssyncadd.s32 $0xFFFFD800  }
0x53: {  	s1 =	sand.u32 $0x7C00, s0  }
0x54: {  	s8 =	sand.u32 $0x380, s0;
	s1 =	sadd.s32 s7, s1  }
0x55: {  	s1 =	sor.u32 s8, s1  }
0x56: {  	s1 =	sshrl.u32 s1, $0x3  }
0x57: {  	s8 =	sadd.s32 s4, s1  }
0x58: {  	[tilespmem:s19], [sflag:$0x4] =	stream.linear.gather [hbm4b:s8+s3], $0x80, $0x38;
	[tilespmem:$0x19200] =	vst v63  }
0x59: {  	_ =	swait.ge [sflag:s29], $0x80  }
0x5a: {  	[sflag:s29] =	ssyncset.done $0x0  }
0x5b: {  	[sflag:s29] =	ssyncadd.s32 $0xFFFFFF80  }
0x5c: {  	[spmem:s2] =	stream.indirect.scatter.add.f32 [tilespmem:s24], [sflag:$0x7], $0x80, s30, s21, $0xb8;
	[tilespmem:$0x19200] =	vst v63  }
.Ltmp3:
0x5d: {  	_ = 	snop;
	(pc) =	sbr.rel .LBB2_2-.Ltmp3, $4  }
0x5e: {  	_ =	swait.ge [sflag:s17], $0x2800  }
0x5f: {  	[sflag:s17] =	ssyncset.done $0x0  }
0x60: {  	s0 =	sadd.s32 $0x100, s0;
	s1 =	sadd.s32 s5, s1;
	[sflag:s17] =	ssyncadd.s32 $0xFFFFD800  }
0x61: {  	[tilespmem:s30], [sflag:$0x6] =	stream.linear.gather [hbm4b:s1+s3], $0x80, $0x38;
	[tilespmem:$0x19200] =	vst v63  }
.LBB2_5:
0x62: {  	_ =	sfence.sel $0x180000  }
0x63: {  	[bflag:$0x0] =	sbarrier.arrive $0xFFFF  }
0x64: {  	_ =	strace $0x9000004D  }
0x65: {  	s0 =	stileid.u32;
	[bflag:$0x2] =	sbarrier.arrive $0xFFFF  }
0x66: {  	p0 =	sne.s32 s0, $0x0;
	s0 =	rddreg [dreg:$0x2]  }
0x67: {  	s0 =	sadd.s32 @!p0 $0x100000, s0  }
0x68: {  	[sflag:s0] =	ssyncadd.tile.s32 @!p0 $0x1;
	_ =	shalt  }
.Lfunc_end2:
_tile_overlayer_lowered:
.L_overlay_start_2:
0x69: {  	(tag) =	ssettag $0x2  }
0x6a: {  	s0 =	rddreg [dreg:$0x0];
	s2 =	stileid.u32  }
0x6b: {  	s1 =	rddreg [dreg:$0x1];
	p0 =	sne.s32 s2, $0x0  }
0x6c: {  	s3 =	rddreg [dreg:$0x2];
	[bflag:$0x3] =	sbarrier.arrive $0xFFFF;
	s2 =	simm.s32 @!p0 $0x1C07  }
0x6d: {  	[timem:s3], [sflag:s2] =	dma.local @!p0 [hbm:s0], s1  }
0x6e: {  	s0 =	simm.s32 @!p0 $0x7  }
0x6f: {  	_ =	swait.ge @!p0 [sflag:s0], s1  }
0x70: {  	s1 =	ssub.s32 @!p0 $0x0, s1;
	[sflag:s0] =	ssyncset.done @!p0 $0x0  }
0x71: {  	[sflag:s0] =	ssyncadd.s32 @!p0 s1  }
0x72: {  	[bflag:$0x3] =	sbarrier.arrive $0xFFFF  }
0x73: {  	_ =	shalt  }

// kernel: kernel.8.cloned.1.call-start
scs
__scs_entry_jumppad:
0x0: {  	(pc) =	sbr.rel $0x88, $3  }
0x1: {  	(tag) =	ssettag $0x0;
	lr =	simm.s32 $0x1  }
0x2: {  	[smem:$0x3F96] =	sst lr;
	_ =	strace $0xD0000000  }
0x3: {  	_ = 	snop  }
0x4: {  	_ = 	snop  }
0x5: {  	_ = 	snop  }
0x6: {  	_ = 	snop  }
0x7: {  	_ = 	snop  }
__scs_overlays_trampoline_lowered:
0x8: {  	[smem:$0x3FA5] =	sst s0  }
0x9: {  	[smem:$0x3FA6] =	sst s1  }
0xa: {  	[smem:$0x3FA7] =	sst s2  }
0xb: {  	[smem:$0x3FA8] =	sst s3  }
0xc: {  	[smem:$0x3FA9] =	sst s4  }
0xd: {  	[smem:$0x3FAA] =	sst s5  }
0xe: {  	[smem:$0x3FAB] =	sst s6  }
0xf: {  	[smem:$0x3FAC] =	sst s7  }
0x10: {  	[smem:$0x3FAD] =	sst s8  }
0x11: {  	[smem:$0x3FAE] =	sst s9;
	s0 =	simm.s32 @!p0 $0x0  }
0x12: {  	s1 =	sld [smem:$0x3F94];
	s0 =	simm.s32 @p0 $0x1  }
0x13: {  	[smem:$0x3FAF] =	sst s0;
	s0 =	simm.s32 @!p1 $0x0  }
0x14: {  	s2 =	sld [smem:$0x3F93];
	s0 =	simm.s32 @p1 $0x1  }
0x15: {  	[smem:$0x3FB0] =	sst s0;
	s0 =	simm.s32 @!p2 $0x0  }
0x16: {  	s3 =	sld [smem:$0x3FDB];
	s0 =	simm.s32 @p2 $0x1  }
0x17: {  	s4 =	simm.s32 $0x1BF5;
	[smem:$0x3FB2] =	sst s0  }
0x18: {  	s0 =	sld [smem:$0x3F95];
	_ =	swait.ge [sflag:s4], $0x0  }
0x19: {  	s7 =	sld [smem:$0x3F96]  }
0x1a: {  	s8 =	sadd.s32 $0xFFFFE003, lr  }
0x1b: {  	s9 =	sadd.s32 $0xFFFFFEF7, lr;
	s5 =	simm.s32 $0xFFFFFFFF;
	p2 =	slt.u32 s8, $0xFFFFF086  }
0x1c: {  	p1 =	slt.u32 s9, $0xF7A;
	s5 =	simm.s32 @!p2 $0x0  }
0x1d: {  	s5 =	simm.s32 @p1 $0x1;
	p0 =	seq.s32 s7, s2  }
0x1e: {  	s7 =	smul.u32 @!p0 $0xF7A, s2;
	p2 =	seq.s32 @!p0 s5, $0x0  }
0x1f: {  	s9 =	smul.u32 $0xF7A, s1;
	s8 =	simm.s32 @!p0 $0x1BF5;
	p2 =	por !p2, p0  }
0x20: {  	[sflag:s8] =	ssyncset.s32 @!p0 $0xFFFFF086;
	s6 =	sadd.s32 @!p0 s3, s7;
	s7 =	simm.s32 @!p0 $0x108  }
0x21: {  	s3 =	sadd.s32 s3, s9;
	s6 =	sadd.s32 @!p0 $0x88, s6;
	s7 =	simm.s32 @p2 $0x1082  }
0x22: {  	[simem:s7], [sflag:s8] =	dma.local @!p0 [hbm:s6], $0xF7A  }
0x23: {  	s9 =	sor.u32 $0xD0000000, s2;
	s6 =	simm.s32 $0x108;
	_ =	swait.ge @!p0 [sflag:s8], $0x0  }
0x24: {  	s3 =	sadd.s32 $0x88, s3;
	s6 =	simm.s32 @!p1 $0x1082;
	[sflag:s4] =	ssyncset.s32 $0xFFFFF086  }
0x25: {  	[simem:s6], [sflag:s4] =	dma.local [hbm:s3], $0xF7A  }
0x26: {  	[smem:$0x3F96] =	sst s1;
	(tag) =	ssettag s2;
	_ =	strace s9  }
0x27: {  	s1 =	sld [smem:$0x3FA6]  }
0x28: {  	s2 =	sld [smem:$0x3FA7]  }
0x29: {  	s4 =	sld [smem:$0x3FA9]  }
0x2a: {  	p0 =	seq.s32 s5, $0x0;
	s5 =	sld [smem:$0x3FAA]  }
0x2b: {  	s6 =	sld [smem:$0x3FAB]  }
0x2c: {  	s7 =	sld [smem:$0x3FAC]  }
0x2d: {  	s3 =	simm.s32 $0x108;
	s8 =	sld [smem:$0x3FAD]  }
0x2e: {  	s3 =	simm.s32 @!p0 $0x1082;
	s9 =	sld [smem:$0x3FAE]  }
0x2f: {  	lr =	sadd.s32 s0, s3;
	s0 =	sld [smem:$0x3FA5]  }
0x30: {  	s3 =	sld [smem:$0x3FA8]  }
0x31: {  	[smem:$0x3FB1] =	sst s10  }
0x32: {  	s10 =	sld [smem:$0x3FAF];
	_ =	sdelay $0x3  }
0x33: {  	p0 =	seq.s32 s10, $0x1;
	s10 =	sld [smem:$0x3FB1];
	_ =	sdelay $0x3  }
0x34: {  	[smem:$0x3FB1] =	sst s10  }
0x35: {  	s10 =	sld [smem:$0x3FB0];
	_ =	sdelay $0x3  }
0x36: {  	p1 =	seq.s32 s10, $0x1;
	s10 =	sld [smem:$0x3FB1];
	_ =	sdelay $0x3  }
0x37: {  	[smem:$0x3FB1] =	sst s10  }
0x38: {  	s10 =	sld [smem:$0x3FB2]  }
0x39: {  	_ = 	snop;
	(pc) =	sbr.ind lr, $3  }
0x3a: {  	_ = 	snop  }
0x3b: {  	_ = 	snop  }
0x3c: {  	p2 =	seq.s32 s10, $0x1;
	s10 =	sld [smem:$0x3FB1]  }
0x3d: {  	_ =	shalt  }
0x3e: {  	_ =	shalt  }
0x3f: {  	_ =	shalt  }
0x40: {  	_ =	shalt  }
0x41: {  	_ =	shalt  }
0x42: {  	_ =	shalt  }
0x43: {  	_ =	shalt  }
0x44: {  	_ =	shalt  }
0x45: {  	_ =	shalt  }
0x46: {  	_ =	shalt  }
0x47: {  	_ =	shalt  }
0x48: {  	_ =	shalt  }
0x49: {  	_ =	shalt  }
0x4a: {  	_ =	shalt  }
0x4b: {  	_ =	shalt  }
0x4c: {  	_ =	shalt  }
0x4d: {  	_ =	shalt  }
0x4e: {  	_ =	shalt  }
0x4f: {  	_ =	shalt  }
0x50: {  	_ =	shalt  }
0x51: {  	_ =	shalt  }
0x52: {  	_ =	shalt  }
0x53: {  	_ =	shalt  }
0x54: {  	_ =	shalt  }
0x55: {  	_ =	shalt  }
0x56: {  	_ =	shalt  }
0x57: {  	_ =	shalt  }
0x58: {  	_ =	shalt  }
0x59: {  	_ =	shalt  }
0x5a: {  	_ =	shalt  }
0x5b: {  	_ =	shalt  }
0x5c: {  	_ =	shalt  }
0x5d: {  	_ =	shalt  }
0x5e: {  	_ =	shalt  }
0x5f: {  	_ =	shalt  }
0x60: {  	_ =	shalt  }
0x61: {  	_ =	shalt  }
0x62: {  	_ =	shalt  }
0x63: {  	_ =	shalt  }
0x64: {  	_ =	shalt  }
0x65: {  	_ =	shalt  }
0x66: {  	_ =	shalt  }
0x67: {  	_ =	shalt  }
0x68: {  	_ =	shalt  }
0x69: {  	_ =	shalt  }
0x6a: {  	_ =	shalt  }
0x6b: {  	_ =	shalt  }
0x6c: {  	_ =	shalt  }
0x6d: {  	_ =	shalt  }
0x6e: {  	_ =	shalt  }
0x6f: {  	_ =	shalt  }
0x70: {  	_ =	shalt  }
0x71: {  	_ =	shalt  }
0x72: {  	_ =	shalt  }
0x73: {  	_ =	shalt  }
0x74: {  	_ =	shalt  }
0x75: {  	_ =	shalt  }
0x76: {  	_ =	shalt  }
0x77: {  	_ =	shalt  }
0x78: {  	_ =	shalt  }
0x79: {  	_ =	shalt  }
0x7a: {  	_ =	shalt  }
0x7b: {  	_ =	shalt  }
0x7c: {  	_ =	shalt  }
0x7d: {  	_ =	shalt  }
0x7e: {  	_ =	shalt  }
0x7f: {  	_ =	shalt  }
0x80: {  	_ =	shalt  }
0x81: {  	_ =	shalt  }
0x82: {  	_ =	shalt  }
0x83: {  	_ =	shalt  }
0x84: {  	_ =	shalt  }
0x85: {  	_ =	shalt  }
0x86: {  	_ =	shalt  }
0x87: {  	_ =	shalt  }
.Lfunc_end0:
.L_simem_size_0:
called_computation_lowered:
.L_overlay_start_0:
0x88: {  	s2 =	sld [smem:$0x3FD9]  }
0x89: {  	s3 =	sld [smem:$0x3FFE];
	_ =	sdelay $0x1  }
0x8a: {  	s1 =	srdreg.scid  }
0x8b: {  	s0 =	sand.u32 $0x1, s1  }
0x8c: {  	s17 =	sshll.u32 s0, $0xA;
	s2 =	sadd.s32 s3, s2  }
0x8d: {  	s2 =	sadd.s32 s2, s17  }
0x8e: {  	[smem:$0x3FBD] =	sst s2  }
0x8f: {  	_ = 	snop  }
0x90: {  	s2 =	sld [smem:$0x3FD0];
	(tm) =	ssettm $0x1  }
0x91: {  	s18 =	sld [smem:$0x3FFB];
	_ =	sdelay $0x3  }
0x92: {  	_ =	strace s18  }
0x93: {  	s3 =	sld [smem:$0x3FFC];
	_ =	sdelay $0x3  }
0x94: {  	_ =	strace s3  }
0x95: {  	s3 =	sld [smem:$0x3FFD];
	_ =	sdelay $0x3  }
0x96: {  	_ =	strace s3  }
0x97: {  	_ =	strace $0x8FFFFFFF  }
0x98: {  	s19 =	sld [smem:$0x3FDB];
	_ =	sdelay $0x1  }
0x99: {  	s4 =	simm.s32 $_scs_section_size  }
0x9a: {  	s5 =	simm.s32 $_size__tile_overlayer_lowered;
	s6 =	simm.s32 $_tile_overlayer_lowered  }
0x9b: {  	s22 =	simm.s32 $0x1BFF;
	s21 =	sshll.u32 s6, $0x1;
	s3 =	sadd.s32 s4, s19  }
0x9c: {  	s7 =	simm.s32 $0x0;
	s20 =	sshll.u32 s5, $0x1;
	s5 =	sadd.s32 s21, s3  }
0x9d: {  	[timem:s7], [sflag:s22] =	dma.local [hbm:s5], s20  }
0x9e: {  	_ =	swait.ge [sflag:s22], s20  }
0x9f: {  	s4 =	ssub.s32 $0x0, s20;
	[sflag:s22] =	ssyncset.done $0x0  }
0xa0: {  	[sflag:s22] =	ssyncadd.s32 s4;
	_ =	sdelay $0x1  }
0xa1: {  	s23 =	simm.s32 $0x1B8B  }
0xa2: {  	_ =	swait.ge [sflag:s23], $0x1  }
0xa3: {  	[sflag:s23] =	ssyncset.done $0x0  }
0xa4: {  	s25 =	simm.s32 $0x1B8E;
	s24 =	sld [smem:$0x3FFE];
	[sflag:s23] =	ssyncadd.s32 $0xFFFFFFFF  }
0xa5: {  	s26 =	simm.s32 $execute0_lowered;
	[smem:$0x3FD2] =	sst s25  }
0xa6: {  	s5 =	sshll.u32 s26, $0x1;
	_ =	strace $0x80000046;
	[dreg:$0x1] =	wrdreg $0xFFFFFFFF  }
0xa7: {  	s28 =	simm.s32 $_size_execute0_lowered;
	s3 =	sadd.s32 s3, s5;
	[dreg:$0x0] =	wrdreg $0x0  }
0xa8: {  	s5 =	sshll.u32 s28, $0x1;
	[dreg:$0x2] =	wrdreg s3  }
0xa9: {  	[dreg:$0x3] =	wrdreg s5  }
0xaa: {  	[dreg:$0x4] =	wrdreg $0xC0  }
0xab: {  	_ =	task [dreg:s7], $0x5FFFF  }
0xac: {  	[dreg:$0x1] =	wrdreg $0xFFFFFFFF  }
0xad: {  	[dreg:$0x0] =	wrdreg $0x60  }
0xae: {  	[dreg:$0x2] =	wrdreg s24  }
0xaf: {  	[dreg:$0x3] =	wrdreg s2  }
0xb0: {  	[dreg:$0x4] =	wrdreg $0x52000  }
0xb1: {  	[dreg:$0x5] =	wrdreg $0x192800  }
0xb2: {  	[dreg:$0x6] =	wrdreg $0x9  }
0xb3: {  	_ =	task.clear_ibuf [dreg:s7], $0x7FFFF;
	_ =	strace $0x90000046  }
0xb4: {  	s29 =	simm.s32 $0x9;
	_ =	strace $0x80000048  }
0xb5: {  	_ =	swait.ge [sflag:s29], $0x1  }
0xb6: {  	[sflag:s29] =	ssyncadd.s32 $0xFFFFFFFF  }
0xb7: {  	_ =	strace $0x90000048  }
0xb8: {  	_ =	sfence  }
0xb9: {  	s30 =	sld [smem:$0x0];
	_ =	sdelay $0x2  }
0xba: {  	s31 =	sshll.u32 s1, $0xD;
	s1 =	sshrl.u32 s1, $0x2  }
0xbb: {  	s3 =	sand.u32 $0x4000, s31;
	s1 =	sadd.s32 s1, s30  }
0xbc: {  	s0 =	sor.u32 s3, s0;
	s1 =	sshll.u32 s1, $0x11  }
0xbd: {  	s0 =	sor.u32 s1, s0  }
0xbe: {  	s0 =	sadd.s32 $0x8F2B, s0  }
0xbf: {  	[sflag:s0] =	ssyncadd.remote.s32 $0x1  }
0xc0: {  	_ =	sfence.sel $0xFFFF  }
0xc1: {  	[dreg:$0x0] =	wrdreg $0xFFFFFFFF;
	(pc) =	sbr.abs _section_cstart, $3  }
0xc2: {  	[dreg:$0x1] =	wrdreg $0xFFFFFFFF  }
0xc3: {  	_ =	task.clear_ibuf [dreg:s7], $0x2FFFF;
	_ =	strace $0x9FFFFFFF  }
0xc4: {  	(tm) =	ssettm $0x7FFFFFFF  }
0xc5: {  	_ =	shalt  }
tec
execute0_lowered:
.L_overlay_start_1:
0x0: {  	(tag) =	ssettag $0x1  }
0x1: {  	s0 =	rddreg [dreg:$0x0]  }
0x2: {  	s2 =	rddreg [dreg:$0x1]  }
0x3: {  	s1 =	rddreg [dreg:$0x2]  }
0x4: {  	s3 =	rddreg [dreg:$0x3];
	s4 =	simm.s32 $0x0;
	s16 =	stileid.u32  }
0x5: {  	s5 =	srdreg.scid;
	s28 =	simm.s32 $0x4;
	s29 =	simm.s32 $0x2A00  }
0x6: {  	s30 =	simm.s32 $0x1;
	s31 =	simm.s32 $0x5;
	s8 =	smul.u32 $0x14000, s16  }
0x7: {  	[smem:$0x7FF] =	sst s4;
	s10 =	smul.u32 $0x280, s16;
	s11 =	sand.u32 $0x1, s5  }
0x8: {  	s5 =	sadd.s32 $0x3800, s0;
	s6 =	sadd.s32 $0x13800, s0;
	s26 =	smul.u32 $0x50000, s16  }
0x9: {  	s7 =	sadd.s32 $0x23800, s0;
	s17 =	sshll.u32 s16, $0x6;
	s20 =	smul.u32 $0x500, s16  }
0xa: {  	_ =	strace $0x80000047;
	s12 =	smul.u32 $0x140000, s11;
	s14 =	ssub.s32 $0x2, s11  }
0xb: {  	s18 =	sshll.u32 s11, $0x12;
	s11 =	sshll.u32 s11, $0x7;
	s9 =	sshrl.u32 s8, $0x3  }
0xc: {  	s13 =	sshrl.u32 s10, $0x3;
	s15 =	sshrl.u32 s14, $0x1;
	s21 =	sadd.s32 s10, s3  }
0xd: {  	s11 =	sor.u32 s11, s20;
	s20 =	simm.s32 $0x7;
	s9 =	sadd.s32 s9, s0  }
0xe: {  	s8 =	sadd.s32 s8, s12;
	s13 =	sadd.s32 s13, s0;
	s12 =	sshrl.u32 s26, $0x2  }
0xf: {  	s26 =	sshrl.u32 s11, $0x3;
	s21 =	sshrl.u32 s21, $0x3;
	s11 =	simm.s32 $0x180  }
0x10: {  	s8 =	sshrl.u32 s8, $0x3;
	s12 =	sadd.s32 s12, s1;
	s9 =	sadd.s32 $0x4B800, s9  }
0x11: {  	s13 =	sadd.s32 $0x73800, s13;
	s0 =	sadd.s32 s8, s0;
	s8 =	ssub.s32 s14, s15  }
0x12: {  	[dreg:$0x5] =	wrdreg s9;
	s15 =	sshll.u32 s16, $0xE;
	s9 =	sor.u32 $0x1C07, s17  }
0x13: {  	[dreg:$0x6] =	wrdreg s13;
	s17 =	sadd.s32 s2, s26;
	s26 =	simm.s32 $0x200  }
0x14: {  	s2 =	simm.s32 $0x2;
	s10 =	sor.u32 s15, s18;
	s0 =	sadd.s32 $0x73E00, s0  }
0x15: {  	s18 =	smax.u32 s8, $0x1;
	s8 =	simm.s32 $0x6;
	s19 =	sshrl.u32 s10, $0x3  }
0x16: {  	[dreg:$0xb] =	wrdreg s0;
	s0 =	simm.s32 $0x19200;
	s22 =	sadd.s32 s5, s19  }
.Ltmp0:
0x17: {  	s23 =	sor.u32 $0x10, s19;
	s13 =	sadd.s32 s6, s19;
	(pc) =	sbr.rel .LBB2_1-.Ltmp0, $4  }
0x18: {  	s19 =	sshrl.u32 s12, $0x3;
	s12 =	simm.s32 $0x0;
	[dreg:$0x7] =	wrdreg s22  }
0x19: {  	[dreg:$0x8] =	wrdreg s13;
	s24 =	sadd.s32 s5, s23;
	s25 =	sadd.s32 s6, s23  }
0x1a: {  	s22 =	simm.s32 $0x100;
	s23 =	simm.s32 $0x80;
	[dreg:$0x9] =	wrdreg s24  }
0x1b: {  	v0 =	vimm.f32 $1.000000000e+00;
	[dreg:$0xa] =	wrdreg s25;
	s24 =	simm.s32 $0x3;
	s25 =	simm.s32 $0x50  }
.LBB2_4:
0x1c: {  	_ =	swait.ge [sflag:s30], $0x2800  }
0x1d: {  	[sflag:s30] =	ssyncset.done $0x0  }
0x1e: {  	[sflag:s30] =	ssyncadd.s32 $0xFFFFD800  }
0x1f: {  	_ =	swait.ge [sflag:s31], $0x80  }
0x20: {  	[sflag:s31] =	ssyncset.done $0x0  }
0x21: {  	[sflag:s31] =	ssyncadd.s32 $0xFFFFFF80  }
0x22: {  	[spmem:s1] =	stream.indirect.scatter.add.f32 [tilespmem:s26], [sflag:$0x7], $0x80, s22, s25, $0xb8;
	[tilespmem:$0x19500] =	vst v63  }
0x23: {  	_ =	swait.ge [sflag:s20], $0x2800  }
0x24: {  	[sflag:s20] =	ssyncset.done $0x0  }
0x25: {  	[sflag:s20] =	ssyncadd.s32 $0xFFFFD800  }
0x26: {  	[spmem:s3] =	stream.indirect.scatter.add.f32 [tilespmem:s0], [sflag:$0x7], $0x1, s22, s25, $0xb8;
	[tilespmem:$0x19500] =	vst v63  }
0x27: {  	_ =	swait.ge [sflag:s20], $0x50  }
0x28: {  	[sflag:s20] =	ssyncset.done $0x0  }
0x29: {  	[sflag:s20] =	ssyncadd.s32 $0xFFFFFFB0  }
0x2a: {  	[bflag:$0x0] =	sbarrier.arrive $0xFFFF  }
0x2b: {  	s13 =	rddreg [dreg:$0xb]  }
0x2c: {  	[hbm:s13], [sflag:s9] =	dma.local [spmem:s19], $0x2800  }
0x2d: {  	s12 =	sadd.s32 $0x1, s12;
	_ =	swait.ge [sflag:s20], $0x2800  }
0x2e: {  	s16 =	simm.s32 $0x20;
	p0 =	sne.s32 s12, s18;
	[sflag:s20] =	ssyncset.done $0x0  }
.Ltmp1:
0x2f: {  	s14 =	simm.s32 $0x10;
	[sflag:s20] =	ssyncadd.s32 $0xFFFFD800;
	(pc) =	sbr.rel @!p0 .LBB2_5-.Ltmp1, $4  }
0x30: {  	[hbm:s17@s16], [sflag:s9] =	dma.strided [spmem:s21@s14], $0x50, s30, $0x10   }
0x31: {  	_ =	swait.ge [sflag:s20], $0x50  }
0x32: {  	[sflag:s20] =	ssyncset.done $0x0  }
0x33: {  	[sflag:s20] =	ssyncadd.s32 $0xFFFFFFB0  }
.LBB2_1:
0x34: {  	s13 =	rddreg [dreg:$0x5]  }
0x35: {  	[spmem:s19], [sflag:s9] =	dma.local [hbm:s13], $0x2800  }
0x36: {  	_ =	swait.ge [sflag:s20], $0x2800  }
0x37: {  	[sflag:s20] =	ssyncset.done $0x0  }
0x38: {  	s15 =	rddreg [dreg:$0x6];
	[sflag:s20] =	ssyncadd.s32 $0xFFFFD800  }
0x39: {  	[spmem:s21], [sflag:s9] =	dma.local [hbm:s15], $0x50  }
0x3a: {  	_ =	swait.ge [sflag:s20], $0x50  }
0x3b: {  	[sflag:s20] =	ssyncset.done $0x0  }
0x3c: {  	[sflag:s20] =	ssyncadd.s32 $0xFFFFFFB0  }
0x3d: {  	[tilespmem:$0x19200] =	vst v0  }
0x3e: {  	[tilespmem:$0x19210] =	vst v0  }
0x3f: {  	[tilespmem:$0x19220] =	vst v0  }
0x40: {  	[tilespmem:$0x19230] =	vst v0  }
0x41: {  	s16 =	rddreg [dreg:$0x7];
	[tilespmem:$0x19240] =	vst v0  }
0x42: {  	[tilespmem:s4], [sflag:$0x3] =	stream.linear.gather [hbm4b:s16+s4], $0x80, $0x38;
	[tilespmem:$0x19500] =	vst v63  }
0x43: {  	s14 =	rddreg [dreg:$0x8]  }
0x44: {  	[tilespmem:s22], [sflag:$0x5] =	stream.linear.gather [hbm4b:s14+s4], $0x80, $0x38;
	[tilespmem:$0x19500] =	vst v63  }
0x45: {  	s15 =	rddreg [dreg:$0x9]  }
0x46: {  	[tilespmem:s23], [sflag:$0x4] =	stream.linear.gather [hbm4b:s15+s4], $0x80, $0x38;
	[tilespmem:$0x19500] =	vst v63  }
0x47: {  	s16 =	rddreg [dreg:$0xa]  }
0x48: {  	[tilespmem:s11], [sflag:$0x6] =	stream.linear.gather [hbm4b:s16+s4], $0x80, $0x38;
	[tilespmem:$0x19500] =	vst v63  }
0x49: {  	_ =	swait.ge [sflag:s24], $0x80  }
0x4a: {  	[sflag:s24] =	ssyncset.done $0x0  }
0x4b: {  	[sflag:s24] =	ssyncadd.s32 $0xFFFFFF80  }
0x4c: {  	[tilespmem:s26], [sflag:$0x1] =	stream.indirect.gather [hbm4b:s7+s25], $0x80, s4, s25, $0xb8;
	[tilespmem:$0x19500] =	vst v63  }
0x4d: {  	s13 =	simm.s32 $0x180;
	[bflag:$0x0] =	sbarrier.arrive $0xFFFF  }
.LBB2_2:
0x4e: {  	_ =	swait.ge [sflag:s28], $0x80;
	s14 =	sadd.s32 $0xFFFFFF80, s13  }
0x4f: {  	[sflag:s28] =	ssyncset.done $0x0;
	s15 =	sand.u32 $0x7C00, s14  }
0x50: {  	s14 =	sand.u32 $0x300, s14;
	[sflag:s28] =	ssyncadd.s32 $0xFFFFFF80;
	s15 =	sadd.s32 s10, s15  }
0x51: {  	[tilespmem:s29], [sflag:$0x2] =	stream.indirect.gather [hbm4b:s7+s25], $0x80, s23, s25, $0xb8;
	[tilespmem:$0x19500] =	vst v63  }
0x52: {  	s14 =	sor.u32 s14, s15;
	_ =	swait.ge [sflag:s30], $0x2800  }
0x53: {  	s14 =	sshrl.u32 s14, $0x3;
	[sflag:s30] =	ssyncset.done $0x0  }
0x54: {  	s16 =	sadd.s32 s5, s14;
	[sflag:s30] =	ssyncadd.s32 $0xFFFFD800  }
0x55: {  	[tilespmem:s4], [sflag:$0x3] =	stream.linear.gather [hbm4b:s16+s4], $0x80, $0x38;
	[tilespmem:$0x19500] =	vst v63  }
0x56: {  	_ =	swait.ge [sflag:s31], $0x80  }
0x57: {  	[sflag:s31] =	ssyncset.done $0x0  }
0x58: {  	[sflag:s31] =	ssyncadd.s32 $0xFFFFFF80  }
0x59: {  	[spmem:s1] =	stream.indirect.scatter.add.f32 [tilespmem:s26], [sflag:$0x7], $0x80, s22, s25, $0xb8;
	[tilespmem:$0x19500] =	vst v63  }
0x5a: {  	_ =	swait.ge [sflag:s20], $0x2800  }
0x5b: {  	[sflag:s20] =	ssyncset.done $0x0  }
0x5c: {  	[sflag:s20] =	ssyncadd.s32 $0xFFFFD800  }
0x5d: {  	[spmem:s3] =	stream.indirect.scatter.add.f32 [tilespmem:s0], [sflag:$0x7], $0x1, s22, s25, $0xb8;
	[tilespmem:$0x19500] =	vst v63  }
0x5e: {  	_ =	swait.ge [sflag:s20], $0x50  }
0x5f: {  	[sflag:s20] =	ssyncset.done $0x0  }
0x60: {  	s14 =	sadd.s32 s6, s14;
	[sflag:s20] =	ssyncadd.s32 $0xFFFFFFB0  }
0x61: {  	[tilespmem:s22], [sflag:$0x5] =	stream.linear.gather [hbm4b:s14+s4], $0x80, $0x38;
	[tilespmem:$0x19500] =	vst v63  }
0x62: {  	p0 =	seq.s32 s13, $0x3E80;
	_ =	swait.ge [sflag:s24], $0x80  }
0x63: {  	s14 =	sand.u32 @!p0 $0x7C00, s13;
	[sflag:s24] =	ssyncset.done $0x0  }
0x64: {  	s15 =	sand.u32 @!p0 $0x380, s13;
	s14 =	sadd.s32 @!p0 s10, s14;
	[sflag:s24] =	ssyncadd.s32 $0xFFFFFF80  }
0x65: {  	[tilespmem:s26], [sflag:$0x1] =	stream.indirect.gather [hbm4b:s7+s25], $0x80, s4, s25, $0xb8;
	[tilespmem:$0x19500] =	vst v63  }
0x66: {  	s14 =	sor.u32 @!p0 s15, s14;
	_ =	swait.ge [sflag:s2], $0x2800  }
0x67: {  	s16 =	simm.s32 @!p0 $0x80;
	s14 =	sshrl.u32 @!p0 s14, $0x3;
	[sflag:s2] =	ssyncset.done $0x0  }
0x68: {  	s15 =	simm.s32 @!p0 $0x0;
	s14 =	sadd.s32 @!p0 s5, s14;
	[sflag:s2] =	ssyncadd.s32 $0xFFFFD800  }
0x69: {  	[tilespmem:s16], [sflag:$0x4] =	stream.linear.gather @!p0 [hbm4b:s14+s15], $0x80, $0x38;
	[tilespmem:$0x19500] =	vst v63  }
0x6a: {  	_ =	swait.ge [sflag:s8], $0x80  }
0x6b: {  	[sflag:s8] =	ssyncset.done $0x0  }
0x6c: {  	[sflag:s8] =	ssyncadd.s32 $0xFFFFFF80  }
0x6d: {  	[spmem:s1] =	stream.indirect.scatter.add.f32 [tilespmem:s29], [sflag:$0x7], $0x80, s11, s25, $0xb8;
	[tilespmem:$0x19500] =	vst v63  }
0x6e: {  	_ =	swait.ge [sflag:s20], $0x2800  }
0x6f: {  	[sflag:s20] =	ssyncset.done $0x0  }
.Ltmp2:
0x70: {  	[sflag:s20] =	ssyncadd.s32 $0xFFFFD800;
	(pc) =	sbr.rel @p0 .LBB2_4-.Ltmp2, $4  }
0x71: {  	[spmem:s3] =	stream.indirect.scatter.add.f32 [tilespmem:s0], [sflag:$0x7], $0x1, s11, s25, $0xb8;
	[tilespmem:$0x19500] =	vst v63  }
0x72: {  	_ =	swait.ge [sflag:s20], $0x50  }
0x73: {  	[sflag:s20] =	ssyncset.done $0x0  }
0x74: {  	[sflag:s20] =	ssyncadd.s32 $0xFFFFFFB0  }
0x75: {  	s14 =	sand.u32 $0x7C00, s13  }
.Ltmp3:
0x76: {  	s15 =	sand.u32 $0x380, s13;
	s14 =	sadd.s32 s10, s14;
	(pc) =	sbr.rel .LBB2_2-.Ltmp3, $4  }
0x77: {  	s14 =	sor.u32 s15, s14  }
0x78: {  	s14 =	sshrl.u32 s14, $0x3  }
0x79: {  	s13 =	sadd.s32 $0x100, s13;
	s14 =	sadd.s32 s6, s14  }
0x7a: {  	[tilespmem:s11], [sflag:$0x6] =	stream.linear.gather [hbm4b:s14+s4], $0x80, $0x38;
	[tilespmem:$0x19500] =	vst v63  }
.LBB2_5:
0x7b: {  	_ =	sfence.sel $0x180000  }
0x7c: {  	[bflag:$0x0] =	sbarrier.arrive $0xFFFF  }
0x7d: {  	_ =	strace $0x90000047  }
0x7e: {  	s0 =	stileid.u32;
	[bflag:$0x2] =	sbarrier.arrive $0xFFFF  }
0x7f: {  	p0 =	sne.s32 s0, $0x0;
	s0 =	rddreg [dreg:$0x4]  }
0x80: {  	s0 =	sadd.s32 @!p0 $0x100000, s0  }
0x81: {  	[sflag:s0] =	ssyncadd.tile.s32 @!p0 $0x1;
	_ =	shalt  }
.Lfunc_end2:
_tile_overlayer_lowered:
.L_overlay_start_2:
0x82: {  	(tag) =	ssettag $0x2  }
0x83: {  	s0 =	rddreg [dreg:$0x0];
	s2 =	stileid.u32  }
0x84: {  	s1 =	rddreg [dreg:$0x1];
	p0 =	sne.s32 s2, $0x0  }
0x85: {  	s3 =	rddreg [dreg:$0x2];
	[bflag:$0x3] =	sbarrier.arrive $0xFFFF;
	s2 =	simm.s32 @!p0 $0x1C07  }
0x86: {  	[timem:s3], [sflag:s2] =	dma.local @!p0 [hbm:s0], s1  }
0x87: {  	s0 =	simm.s32 @!p0 $0x7  }
0x88: {  	_ =	swait.ge @!p0 [sflag:s0], s1  }
0x89: {  	s1 =	ssub.s32 @!p0 $0x0, s1;
	[sflag:s0] =	ssyncset.done @!p0 $0x0  }
0x8a: {  	[sflag:s0] =	ssyncadd.s32 @!p0 s1  }
0x8b: {  	[bflag:$0x3] =	sbarrier.arrive $0xFFFF  }
0x8c: {  	_ =	shalt  }

</sc_bundles>
